<compile_context>
chip_gen: v7x
topology: tpu7x:2x2x1
jax: 0.10.2.dev20260603
libtpu: 0.0.44.dev20260713+nightly
codegen_flags: <defaults>
</compile_context>

<pallas_src>
import jax
import jax.numpy as jnp
from jax import lax
from jax.experimental import pallas as pl
from jax.experimental.pallas import tpu as pltpu
from jax.experimental.pallas import tpu_sc as plsc

B = 1024
TEXT_LEN = 200
CATE_LEN = 26
SEQ = TEXT_LEN + 1 + CATE_LEN + 1
DIM = 64
NC = 2
NS = 16
NG = 8
NQ = 4
NP = SEQ // NQ
BG = B // NG
PITCH = 129


def _sc_embed_kernel(tT, cT, table, ctable, bias, out,
                     tidx_v, bias_v, staging, pbuf, gsems, osems):
    wid = lax.axis_index("s") * NC + lax.axis_index("c")
    g = wid % NG
    pc = wid // NG
    p0 = pc * NP

    pltpu.sync_copy(bias, bias_v)

    @pl.when(pc < 3)
    def _():
        pltpu.sync_copy(tT.at[pl.ds(p0, NP), pl.ds(g * BG, BG)], tidx_v)

    @pl.when(pc == 3)
    def _():
        pltpu.sync_copy(tT.at[pl.ds(3 * NP, 29), pl.ds(g * BG, BG)],
                        tidx_v.at[pl.ds(0, 29)])
        pltpu.sync_copy(cT.at[pl.ds(0, CATE_LEN), pl.ds(g * BG, BG)],
                        tidx_v.at[pl.ds(30, CATE_LEN)])

    def is_text(lp):
        return (pc < 3) | (lp < 29)

    def is_cate(lp):
        return (pc == 3) & (lp >= 30) & (lp <= 55)

    def is_sep(lp):
        return (pc == 3) & ((lp == 29) | (lp == 56))

    def g_cp(lp, k, tbl):
        return pltpu.make_async_copy(
            tbl.at[tidx_v.at[lp]], staging.at[k], gsems[k])

    def fire(lp, k):
        @pl.when(is_text(lp))
        def _():
            g_cp(lp, k, table).start()

        @pl.when(is_cate(lp))
        def _():
            g_cp(lp, k, ctable).start()

    def wait_g(lp, k):
        @pl.when(~is_sep(lp))
        def _():
            g_cp(lp, k, table).wait()

    iota = lax.iota(jnp.int32, 16)
    cidx4 = [iota + 16 * c4 for c4 in range(4)]

    def o_cps(lp, k):
        p = p0 + lp
        return [pltpu.make_async_copy(
                    pbuf.at[k, pl.ds(8 * ch, 8), pl.ds(0, BG)],
                    out.at[p, ch, g], osems[k])
                for ch in range(8)]

    def process(lp, k):
        p = p0 + lp
        m = [bias_v[p, pl.ds(16 * c4, 16)] for c4 in range(4)]
        sepf = is_sep(lp)

        @pl.when(sepf)
        def _():
            @plsc.parallel_loop(0, BG, unroll=2)
            def _(b):
                bidx = lax.broadcast(b, (16,))
                for c4 in range(4):
                    plsc.store_scatter(pbuf.at[k], [cidx4[c4], bidx], m[c4])

        @pl.when(~sepf)
        def _():
            @plsc.parallel_loop(0, BG, unroll=2)
            def _(b):
                bidx = lax.broadcast(b, (16,))
                for c4 in range(4):
                    v = staging[k, b, pl.ds(16 * c4, 16)] + m[c4]
                    plsc.store_scatter(pbuf.at[k], [cidx4[c4], bidx], v)

    fire(0, 0)

    def step(lp, carry):
        for k in (0, 1):
            @pl.when(lp % 2 == k)
            def _(k=k):
                @pl.when(lp >= 2)
                def _():
                    for cp in o_cps(lp - 2, k):
                        cp.wait()

                @pl.when(lp + 1 < NP)
                def _():
                    fire(lp + 1, 1 - k)

                wait_g(lp, k)
                process(lp, k)
                for cp in o_cps(lp, k):
                    cp.start()
        return carry

    lax.fori_loop(0, NP, step, 0)
    for cp in o_cps(NP - 2, 1):
        cp.wait()
    for cp in o_cps(NP - 1, 0):
        cp.wait()


@jax.jit
def _sc_embed(tT, cT, table, ctable, bias):
    mesh = plsc.VectorSubcoreMesh(core_axis_name="c", subcore_axis_name="s")
    f = pl.kernel(
        _sc_embed_kernel, mesh=mesh,
        out_type=jax.ShapeDtypeStruct((SEQ, 8, NG, 8, BG), jnp.float32),
        scratch_types=[
            pltpu.VMEM((NP, BG), jnp.int32),
            pltpu.VMEM((SEQ, DIM), jnp.float32),
            pltpu.VMEM((2, BG, DIM), jnp.float32),
            pltpu.VMEM((2, DIM, PITCH), jnp.float32),
            [pltpu.SemaphoreType.DMA for _ in range(2)],
            [pltpu.SemaphoreType.DMA for _ in range(2)],
        ],
        compiler_params=pltpu.CompilerParams(use_tc_tiling_on_sc=False,
                                             needs_layout_passes=False),
    )
    return f(tT, cT, table, ctable, bias)


def kernel(text_input_ids, text_mask, text_segment_ids,
           cate_input_ids, cate_mask, cate_segment_ids,
           embedding_table, cate_table, modal_type_table, sep_embedding):
    tT = text_input_ids.astype(jnp.int32).T
    cT = cate_input_ids.astype(jnp.int32).T

    mt0 = modal_type_table[0]
    mt1 = modal_type_table[1]
    sep = sep_embedding[0, 0]
    bias = jnp.concatenate([
        jnp.broadcast_to(mt1, (TEXT_LEN, DIM)),
        (mt1 + sep)[None, :],
        jnp.broadcast_to(mt0, (CATE_LEN, DIM)),
        (mt0 + sep)[None, :],
    ], axis=0)

    out5 = _sc_embed(tT, cT, embedding_table, cate_table, bias)
    word_embedding = out5.transpose(2, 4, 0, 1, 3).reshape(B, SEQ, DIM)

    res_input_mask = jnp.concatenate(
        [text_mask, text_mask[:, :1], cate_mask, cate_mask[:, :1]], axis=1)
    res_segment_ids = jnp.concatenate(
        [text_segment_ids, text_segment_ids[:, :1],
         cate_segment_ids, cate_segment_ids[:, :1]], axis=1)
    return (word_embedding, res_input_mask, res_segment_ids)

# --- scband reference (transcript-rebuilt; emitter-appended) ---
"""Pipeline reference for scband-default-multimodal-embedding-60361470378104 (READ-ONLY COPY).

The authoritative reference and input builder live on the scoring server;
editing this copy changes nothing except your own understanding.
"""

import jax, jax.numpy as jnp
import numpy as np

B = 1024
TEXT_LEN = 200
CATE_LEN = 26
VOCAB = 100000
CATE_VOCAB = 1000
DIM = 64
N_MODAL_TYPES = 3  # len(modal_dict) + 1


def setup_inputs(seed: int = 0) -> dict:
    key = jax.random.key(seed)
    ks = jax.random.split(key, 8)
    return {
        "text_input_ids": jax.random.randint(ks[0], (B, TEXT_LEN), 0, VOCAB, dtype=jnp.int32).astype(jnp.int64),
        "text_mask": jnp.ones((B, TEXT_LEN), dtype=jnp.int32),
        "text_segment_ids": jnp.zeros((B, TEXT_LEN), dtype=jnp.int32),
        "cate_input_ids": jax.random.randint(ks[1], (B, CATE_LEN), 0, CATE_VOCAB, dtype=jnp.int32).astype(jnp.int64),
        "cate_mask": jnp.ones((B, CATE_LEN), dtype=jnp.int32),
        "cate_segment_ids": jnp.zeros((B, CATE_LEN), dtype=jnp.int32),
        "embedding_table": jax.random.normal(ks[2], (VOCAB, DIM), dtype=jnp.float32) * 0.02,
        "cate_table": jax.random.normal(ks[3], (CATE_VOCAB, DIM), dtype=jnp.float32) * 0.02,
        "modal_type_table": jax.random.normal(ks[4], (N_MODAL_TYPES, DIM), dtype=jnp.float32) * 0.02,
        "sep_embedding": jax.random.normal(ks[5], (1, 1, DIM), dtype=jnp.float32) * 0.02,
    }


def reference(text_input_ids, text_mask, text_segment_ids,
              cate_input_ids, cate_mask, cate_segment_ids,
              embedding_table, cate_table, modal_type_table, sep_embedding):
    # modal_type_id mapping from sorted modal names: {'cate': 0, 'text': 1}
    # ordered modal list puts text first (text modals sorted before non-text)
    b = text_input_ids.shape[0]
    sep = jnp.tile(sep_embedding, (b, 1, 1))

    # --- text modal ---
    text_emb = jnp.take(embedding_table, text_input_ids, axis=0)
    text_emb = jnp.concatenate([text_emb, sep], axis=1)
    text_seg = jnp.concatenate([text_segment_ids, text_segment_ids[:, :1]], axis=1)
    text_msk = jnp.concatenate([text_mask, text_mask[:, :1]], axis=1)
    text_type = jnp.ones_like(text_seg) * 1

    # --- category modal ---
    cate_emb = jnp.take(cate_table, cate_input_ids, axis=0)
    cate_emb = jnp.concatenate([cate_emb, sep], axis=1)
    cate_seg = jnp.concatenate([cate_segment_ids, cate_segment_ids[:, :1]], axis=1)
    cate_msk = jnp.concatenate([cate_mask, cate_mask[:, :1]], axis=1)
    cate_type = jnp.ones_like(cate_seg) * 0

    word_embedding = jnp.concatenate([text_emb, cate_emb], axis=1)
    res_segment_ids = jnp.concatenate([text_seg, cate_seg], axis=1)
    res_input_mask = jnp.concatenate([text_msk, cate_msk], axis=1)
    modal_type_ids = jnp.concatenate([text_type, cate_type], axis=1)

    # enable_modal_type=True -> add modal type embedding
    word_embedding = word_embedding + jnp.take(modal_type_table, modal_type_ids, axis=0)
    # dropout is identity in deterministic/eval reference
    return (word_embedding, res_input_mask, res_segment_ids)

if __name__ == "__main__":
    import jax
    _d = setup_inputs()
    print(jax.jit(kernel)(*tuple(_d.values())))

</pallas_src>

<mosaic_0001>
#map = affine_map<(d0, d1) -> (0, 0)>
#map1 = affine_map<(d0, d1) -> (0, 0, 0, 0, 0)>
module attributes {stable_mosaic.version = 14 : i64} {
  func.func @_sc_embed_kernel(%arg0: i32, %arg1: i32, %arg2: memref<200x1024xi32, #tpu.memory_space<hbm>>, %arg3: memref<26x1024xi32, #tpu.memory_space<hbm>>, %arg4: memref<100000x64xf32, #tpu.memory_space<hbm>>, %arg5: memref<1000x64xf32, #tpu.memory_space<hbm>>, %arg6: memref<228x64xf32, #tpu.memory_space<hbm>>, %arg7: memref<228x8x8x8x128xf32, #tpu.memory_space<hbm>>, %arg8: memref<57x128xi32, #tpu.memory_space<vmem>>, %arg9: memref<228x64xf32, #tpu.memory_space<vmem>>, %arg10: memref<2x128x64xf32, #tpu.memory_space<vmem>>, %arg11: memref<2x64x129xf32, #tpu.memory_space<vmem>>, %arg12: memref<!tpu.dma_semaphore, #tpu.memory_space<semaphore_mem>>, %arg13: memref<!tpu.dma_semaphore, #tpu.memory_space<semaphore_mem>>, %arg14: memref<!tpu.dma_semaphore, #tpu.memory_space<semaphore_mem>>, %arg15: memref<!tpu.dma_semaphore, #tpu.memory_space<semaphore_mem>>) attributes {dimension_semantics = [#tpu.dimension_semantics<core_parallel>, #tpu.dimension_semantics<subcore_parallel>], iteration_bounds = array<i64: 2, 16>, scalar_prefetch = 0 : i64, scratch_operands = 8 : i64, tpu.core_type = #tpu.core_type<sc_vector_subcore>, window_params = [{transform_indices = #map}, {transform_indices = #map}, {transform_indices = #map}, {transform_indices = #map}, {transform_indices = #map}, {transform_indices = #map1}]} {
    %mul3A = arith.constant 2 : i32
    %mul3A_0 = arith.muli %arg1, %mul3A : i32
    %add3A = arith.addi %mul3A_0, %arg0 : i32
    %jit3A = arith.constant 8 : i32
    %eq3A = arith.constant 0 : i32
    %eq3A_1 = arith.cmpi eq, %jit3A, %eq3A : i32
    %jit3A_2 = arith.constant 1 : i32
    %select_n3A = arith.select %eq3A_1, %jit3A_2, %jit3A : i32
    %rem3A = arith.remsi %add3A, %select_n3A : i32
    %ne3A = arith.constant 0 : i32
    %ne3A_3 = arith.cmpi ne, %rem3A, %ne3A : i32
    %lt3A = arith.constant 0 : i32
    %lt3A_4 = arith.cmpi slt, %rem3A, %lt3A : i32
    %lt3A_5 = arith.constant 0 : i32
    %lt3A_6 = arith.cmpi slt, %select_n3A, %lt3A_5 : i32
    %ne3A_7 = arith.xori %lt3A_4, %lt3A_6 : i1
    %and3A = arith.andi %ne3A_7, %ne3A_3 : i1
    %add3A_8 = arith.addi %rem3A, %select_n3A : i32
    %select_n3A_9 = arith.select %and3A, %add3A_8, %rem3A : i32
    %jit3A_10 = arith.constant 8 : i32
    %div3A = arith.divsi %add3A, %jit3A_10 : i32
    %sign3A = arith.constant 0 : i32
    %sign3A_11 = arith.cmpi sgt, %add3A, %sign3A : i32
    %sign3A_12 = arith.extui %sign3A_11 : i1 to i32
    %sign3A_13 = arith.constant 0 : i32
    %sign3A_14 = arith.cmpi slt, %add3A, %sign3A_13 : i32
    %sign3A_15 = arith.extui %sign3A_14 : i1 to i32
    %sign3A_16 = arith.subi %sign3A_12, %sign3A_15 : i32
    %sign3A_17 = arith.constant 0 : i32
    %sign3A_18 = arith.cmpi sgt, %jit3A_10, %sign3A_17 : i32
    %sign3A_19 = arith.extui %sign3A_18 : i1 to i32
    %sign3A_20 = arith.constant 0 : i32
    %sign3A_21 = arith.cmpi slt, %jit3A_10, %sign3A_20 : i32
    %sign3A_22 = arith.extui %sign3A_21 : i1 to i32
    %sign3A_23 = arith.subi %sign3A_19, %sign3A_22 : i32
    %ne3A_24 = arith.cmpi ne, %sign3A_16, %sign3A_23 : i32
    %rem3A_25 = arith.remsi %add3A, %jit3A_10 : i32
    %ne3A_26 = arith.constant 0 : i32
    %ne3A_27 = arith.cmpi ne, %rem3A_25, %ne3A_26 : i32
    %and3A_28 = arith.andi %ne3A_24, %ne3A_27 : i1
    %sub3A = arith.constant 1 : i32
    %sub3A_29 = arith.subi %div3A, %sub3A : i32
    %select_n3A_30 = arith.select %and3A_28, %sub3A_29, %div3A : i32
    %mul3A_31 = arith.constant 57 : i32
    %mul3A_32 = arith.muli %select_n3A_30, %mul3A_31 : i32
    "tpu.region"() ({
      %run_scoped3A = tpu.sem_alloc : memref<!tpu.dma_semaphore, #tpu.memory_space<semaphore_mem>>
      tpu.enqueue_dma source(%arg6 : memref<228x64xf32, #tpu.memory_space<hbm>>) target(%arg9 : memref<228x64xf32, #tpu.memory_space<vmem>>) target_semaphore(%run_scoped3A : memref<!tpu.dma_semaphore, #tpu.memory_space<semaphore_mem>>)
      tpu.wait_dma2 semaphore(%run_scoped3A : memref<!tpu.dma_semaphore, #tpu.memory_space<semaphore_mem>>) src(%arg6 : memref<228x64xf32, #tpu.memory_space<hbm>>) dst(%arg9 : memref<228x64xf32, #tpu.memory_space<vmem>>)
      tpu.yield
    }) : () -> ()
    %lt3A_33 = arith.constant 3 : i32
    %lt3A_34 = arith.cmpi slt, %select_n3A_30, %lt3A_33 : i32
    %convert_element_type3A = arith.extui %lt3A_34 : i1 to i32
    %cond3A = arith.constant 0 : i32
    %cond3A_35 = arith.cmpi ne, %convert_element_type3A, %cond3A : i32
    scf.if %cond3A_35 {
      %mul3A_364 = arith.constant 128 : i32
      %mul3A_365 = arith.muli %select_n3A_9, %mul3A_364 : i32
      "tpu.region"() ({
        %run_scoped3A = tpu.sem_alloc : memref<!tpu.dma_semaphore, #tpu.memory_space<semaphore_mem>>
        %dma_start3A = tpu.memref_slice %arg2[%mul3A_32, %mul3A_365] : memref<200x1024xi32, #tpu.memory_space<hbm>> -> memref<57x128xi32, #tpu.memory_space<hbm>>
        %dma_start3A_366 = tpu.memref_slice %arg2[%mul3A_32, %mul3A_365] : memref<200x1024xi32, #tpu.memory_space<hbm>> -> memref<57x128xi32, #tpu.memory_space<hbm>>
        tpu.enqueue_dma source(%dma_start3A_366 : memref<57x128xi32, #tpu.memory_space<hbm>>) target(%arg8 : memref<57x128xi32, #tpu.memory_space<vmem>>) target_semaphore(%run_scoped3A : memref<!tpu.dma_semaphore, #tpu.memory_space<semaphore_mem>>)
        %dma_wait3A_367 = tpu.memref_slice %arg2[%mul3A_32, %mul3A_365] : memref<200x1024xi32, #tpu.memory_space<hbm>> -> memref<57x128xi32, #tpu.memory_space<hbm>>
        %dma_wait3A_368 = tpu.memref_slice %arg2[%mul3A_32, %mul3A_365] : memref<200x1024xi32, #tpu.memory_space<hbm>> -> memref<57x128xi32, #tpu.memory_space<hbm>>
        tpu.wait_dma2 semaphore(%run_scoped3A : memref<!tpu.dma_semaphore, #tpu.memory_space<semaphore_mem>>) src(%dma_wait3A_368 : memref<57x128xi32, #tpu.memory_space<hbm>>) dst(%arg8 : memref<57x128xi32, #tpu.memory_space<vmem>>)
        tpu.yield
      }) : () -> ()
    } else {
    }
    %eq3A_36 = arith.constant 3 : i32
    %eq3A_37 = arith.cmpi eq, %select_n3A_30, %eq3A_36 : i32
    %convert_element_type3A_38 = arith.extui %eq3A_37 : i1 to i32
    %cond3A_39 = arith.constant 0 : i32
    %cond3A_40 = arith.cmpi ne, %convert_element_type3A_38, %cond3A_39 : i32
    scf.if %cond3A_40 {
      %mul3A_364 = arith.constant 128 : i32
      %mul3A_365 = arith.muli %select_n3A_9, %mul3A_364 : i32
      "tpu.region"() ({
        %run_scoped3A = tpu.sem_alloc : memref<!tpu.dma_semaphore, #tpu.memory_space<semaphore_mem>>
        %dma_start3A = arith.constant 0 : i32
        %dma_start3A_368 = arith.constant 0 : i32
        %dma_start3A_369 = tpu.memref_slice %arg8[%dma_start3A, %dma_start3A_368] : memref<57x128xi32, #tpu.memory_space<vmem>> -> memref<29x128xi32, #tpu.memory_space<vmem>>
        %dma_start3A_370 = arith.constant 171 : i32
        %dma_start3A_371 = tpu.memref_slice %arg2[%dma_start3A_370, %mul3A_365] : memref<200x1024xi32, #tpu.memory_space<hbm>> -> memref<29x128xi32, #tpu.memory_space<hbm>>
        %dma_start3A_372 = arith.constant 0 : i32
        %dma_start3A_373 = arith.constant 0 : i32
        %dma_start3A_374 = tpu.memref_slice %arg8[%dma_start3A_372, %dma_start3A_373] : memref<57x128xi32, #tpu.memory_space<vmem>> -> memref<29x128xi32, #tpu.memory_space<vmem>>
        %dma_start3A_375 = arith.constant 171 : i32
        %dma_start3A_376 = tpu.memref_slice %arg2[%dma_start3A_375, %mul3A_365] : memref<200x1024xi32, #tpu.memory_space<hbm>> -> memref<29x128xi32, #tpu.memory_space<hbm>>
        tpu.enqueue_dma source(%dma_start3A_376 : memref<29x128xi32, #tpu.memory_space<hbm>>) target(%dma_start3A_374 : memref<29x128xi32, #tpu.memory_space<vmem>>) target_semaphore(%run_scoped3A : memref<!tpu.dma_semaphore, #tpu.memory_space<semaphore_mem>>)
        %dma_wait3A_377 = arith.constant 0 : i32
        %dma_wait3A_378 = arith.constant 0 : i32
        %dma_wait3A_379 = tpu.memref_slice %arg8[%dma_wait3A_377, %dma_wait3A_378] : memref<57x128xi32, #tpu.memory_space<vmem>> -> memref<29x128xi32, #tpu.memory_space<vmem>>
        %dma_wait3A_380 = arith.constant 171 : i32
        %dma_wait3A_381 = tpu.memref_slice %arg2[%dma_wait3A_380, %mul3A_365] : memref<200x1024xi32, #tpu.memory_space<hbm>> -> memref<29x128xi32, #tpu.memory_space<hbm>>
        %dma_wait3A_382 = arith.constant 0 : i32
        %dma_wait3A_383 = arith.constant 0 : i32
        %dma_wait3A_384 = tpu.memref_slice %arg8[%dma_wait3A_382, %dma_wait3A_383] : memref<57x128xi32, #tpu.memory_space<vmem>> -> memref<29x128xi32, #tpu.memory_space<vmem>>
        %dma_wait3A_385 = arith.constant 171 : i32
        %dma_wait3A_386 = tpu.memref_slice %arg2[%dma_wait3A_385, %mul3A_365] : memref<200x1024xi32, #tpu.memory_space<hbm>> -> memref<29x128xi32, #tpu.memory_space<hbm>>
        tpu.wait_dma2 semaphore(%run_scoped3A : memref<!tpu.dma_semaphore, #tpu.memory_space<semaphore_mem>>) src(%dma_wait3A_386 : memref<29x128xi32, #tpu.memory_space<hbm>>) dst(%dma_wait3A_384 : memref<29x128xi32, #tpu.memory_space<vmem>>)
        tpu.yield
      }) : () -> ()
      %mul3A_366 = arith.constant 128 : i32
      %mul3A_367 = arith.muli %select_n3A_9, %mul3A_366 : i32
      "tpu.region"() ({
        %run_scoped3A = tpu.sem_alloc : memref<!tpu.dma_semaphore, #tpu.memory_space<semaphore_mem>>
        %dma_start3A = arith.constant 30 : i32
        %dma_start3A_368 = arith.constant 0 : i32
        %dma_start3A_369 = tpu.memref_slice %arg8[%dma_start3A, %dma_start3A_368] : memref<57x128xi32, #tpu.memory_space<vmem>> -> memref<26x128xi32, #tpu.memory_space<vmem>>
        %dma_start3A_370 = arith.constant 0 : i32
        %dma_start3A_371 = tpu.memref_slice %arg3[%dma_start3A_370, %mul3A_367] : memref<26x1024xi32, #tpu.memory_space<hbm>> -> memref<26x128xi32, #tpu.memory_space<hbm>>
        %dma_start3A_372 = arith.constant 30 : i32
        %dma_start3A_373 = arith.constant 0 : i32
        %dma_start3A_374 = tpu.memref_slice %arg8[%dma_start3A_372, %dma_start3A_373] : memref<57x128xi32, #tpu.memory_space<vmem>> -> memref<26x128xi32, #tpu.memory_space<vmem>>
        %dma_start3A_375 = arith.constant 0 : i32
        %dma_start3A_376 = tpu.memref_slice %arg3[%dma_start3A_375, %mul3A_367] : memref<26x1024xi32, #tpu.memory_space<hbm>> -> memref<26x128xi32, #tpu.memory_space<hbm>>
        tpu.enqueue_dma source(%dma_start3A_376 : memref<26x128xi32, #tpu.memory_space<hbm>>) target(%dma_start3A_374 : memref<26x128xi32, #tpu.memory_space<vmem>>) target_semaphore(%run_scoped3A : memref<!tpu.dma_semaphore, #tpu.memory_space<semaphore_mem>>)
        %dma_wait3A_377 = arith.constant 30 : i32
        %dma_wait3A_378 = arith.constant 0 : i32
        %dma_wait3A_379 = tpu.memref_slice %arg8[%dma_wait3A_377, %dma_wait3A_378] : memref<57x128xi32, #tpu.memory_space<vmem>> -> memref<26x128xi32, #tpu.memory_space<vmem>>
        %dma_wait3A_380 = arith.constant 0 : i32
        %dma_wait3A_381 = tpu.memref_slice %arg3[%dma_wait3A_380, %mul3A_367] : memref<26x1024xi32, #tpu.memory_space<hbm>> -> memref<26x128xi32, #tpu.memory_space<hbm>>
        %dma_wait3A_382 = arith.constant 30 : i32
        %dma_wait3A_383 = arith.constant 0 : i32
        %dma_wait3A_384 = tpu.memref_slice %arg8[%dma_wait3A_382, %dma_wait3A_383] : memref<57x128xi32, #tpu.memory_space<vmem>> -> memref<26x128xi32, #tpu.memory_space<vmem>>
        %dma_wait3A_385 = arith.constant 0 : i32
        %dma_wait3A_386 = tpu.memref_slice %arg3[%dma_wait3A_385, %mul3A_367] : memref<26x1024xi32, #tpu.memory_space<hbm>> -> memref<26x128xi32, #tpu.memory_space<hbm>>
        tpu.wait_dma2 semaphore(%run_scoped3A : memref<!tpu.dma_semaphore, #tpu.memory_space<semaphore_mem>>) src(%dma_wait3A_386 : memref<26x128xi32, #tpu.memory_space<hbm>>) dst(%dma_wait3A_384 : memref<26x128xi32, #tpu.memory_space<vmem>>)
        tpu.yield
      }) : () -> ()
    } else {
    }
    %iota3A = tpu.iota {dimensions = array<i32: 0>} : vector<16xi32>
    %add3A_41 = arith.constant 0 : i32
    %add3A_42 = vector.broadcast %add3A_41 : i32 to vector<16xi32>
    %add3A_43 = arith.addi %iota3A, %add3A_42 : vector<16xi32>
    %add3A_44 = arith.constant 16 : i32
    %add3A_45 = vector.broadcast %add3A_44 : i32 to vector<16xi32>
    %add3A_46 = arith.addi %iota3A, %add3A_45 : vector<16xi32>
    %add3A_47 = arith.constant 32 : i32
    %add3A_48 = vector.broadcast %add3A_47 : i32 to vector<16xi32>
    %add3A_49 = arith.addi %iota3A, %add3A_48 : vector<16xi32>
    %add3A_50 = arith.constant 48 : i32
    %add3A_51 = vector.broadcast %add3A_50 : i32 to vector<16xi32>
    %add3A_52 = arith.addi %iota3A, %add3A_51 : vector<16xi32>
    %lt3A_53 = arith.constant 3 : i32
    %lt3A_54 = arith.cmpi slt, %select_n3A_30, %lt3A_53 : i32
    %or3A = arith.constant true
    %or3A_55 = arith.ori %lt3A_54, %or3A : i1
    %convert_element_type3A_56 = arith.extui %or3A_55 : i1 to i32
    %cond3A_57 = arith.constant 0 : i32
    %cond3A_58 = arith.cmpi ne, %convert_element_type3A_56, %cond3A_57 : i32
    scf.if %cond3A_58 {
      %dma_start3A = arith.constant 0 : i32
      %dma_start3A_364 = arith.constant 0 : i32
      %dma_start3A_365 = arith.constant 0 : i32
      %dma_start3A_366 = arith.constant 0 : i32
      %dma_start3A_367 = tpu.memref_slice %arg10[%dma_start3A_364, %dma_start3A_365, %dma_start3A_366] : memref<2x128x64xf32, #tpu.memory_space<vmem>> -> memref<1x128x64xf32, #tpu.memory_space<vmem>>
      %dma_start3A_368 = tpu.memref_squeeze %dma_start3A_367 : memref<1x128x64xf32, #tpu.memory_space<vmem>> -> memref<128x64xf32, #tpu.memory_space<vmem>>
      %dma_start3A_369 = arith.constant 0 : i32
      %dma_start3A_370 = tpu.memref_slice %arg8[%dma_start3A, %dma_start3A_369] : memref<57x128xi32, #tpu.memory_space<vmem>> -> memref<1x128xi32, #tpu.memory_space<vmem>>
      %dma_start3A_371 = tpu.memref_squeeze %dma_start3A_370 : memref<1x128xi32, #tpu.memory_space<vmem>> -> memref<128xi32, #tpu.memory_space<vmem>>
      %dma_start3A_372 = arith.constant 0 : i32
      %dma_start3A_373 = arith.constant 0 : i32
      %dma_start3A_374 = tpu.memref_slice %arg4[%dma_start3A_372, %dma_start3A_373] : memref<100000x64xf32, #tpu.memory_space<hbm>> -> memref<100000x64xf32, #tpu.memory_space<hbm>>
      tpu.enqueue_indirect_dma source(%dma_start3A_374 : memref<100000x64xf32, #tpu.memory_space<hbm>>) target(%dma_start3A_368 : memref<128x64xf32, #tpu.memory_space<vmem>>) offsets(%dma_start3A_371 : memref<128xi32, #tpu.memory_space<vmem>>) semaphore(%arg12 : memref<!tpu.dma_semaphore, #tpu.memory_space<semaphore_mem>>)
    } else {
    }
    %eq3A_59 = arith.constant 3 : i32
    %eq3A_60 = arith.cmpi eq, %select_n3A_30, %eq3A_59 : i32
    %and3A_61 = arith.constant false
    %and3A_62 = arith.andi %eq3A_60, %and3A_61 : i1
    %and3A_63 = arith.constant true
    %and3A_64 = arith.andi %and3A_62, %and3A_63 : i1
    %convert_element_type3A_65 = arith.extui %and3A_64 : i1 to i32
    %cond3A_66 = arith.constant 0 : i32
    %cond3A_67 = arith.cmpi ne, %convert_element_type3A_65, %cond3A_66 : i32
    scf.if %cond3A_67 {
      %dma_start3A = arith.constant 0 : i32
      %dma_start3A_364 = arith.constant 0 : i32
      %dma_start3A_365 = arith.constant 0 : i32
      %dma_start3A_366 = arith.constant 0 : i32
      %dma_start3A_367 = tpu.memref_slice %arg10[%dma_start3A_364, %dma_start3A_365, %dma_start3A_366] : memref<2x128x64xf32, #tpu.memory_space<vmem>> -> memref<1x128x64xf32, #tpu.memory_space<vmem>>
      %dma_start3A_368 = tpu.memref_squeeze %dma_start3A_367 : memref<1x128x64xf32, #tpu.memory_space<vmem>> -> memref<128x64xf32, #tpu.memory_space<vmem>>
      %dma_start3A_369 = arith.constant 0 : i32
      %dma_start3A_370 = tpu.memref_slice %arg8[%dma_start3A, %dma_start3A_369] : memref<57x128xi32, #tpu.memory_space<vmem>> -> memref<1x128xi32, #tpu.memory_space<vmem>>
      %dma_start3A_371 = tpu.memref_squeeze %dma_start3A_370 : memref<1x128xi32, #tpu.memory_space<vmem>> -> memref<128xi32, #tpu.memory_space<vmem>>
      %dma_start3A_372 = arith.constant 0 : i32
      %dma_start3A_373 = arith.constant 0 : i32
      %dma_start3A_374 = tpu.memref_slice %arg5[%dma_start3A_372, %dma_start3A_373] : memref<1000x64xf32, #tpu.memory_space<hbm>> -> memref<1000x64xf32, #tpu.memory_space<hbm>>
      tpu.enqueue_indirect_dma source(%dma_start3A_374 : memref<1000x64xf32, #tpu.memory_space<hbm>>) target(%dma_start3A_368 : memref<128x64xf32, #tpu.memory_space<vmem>>) offsets(%dma_start3A_371 : memref<128xi32, #tpu.memory_space<vmem>>) semaphore(%arg12 : memref<!tpu.dma_semaphore, #tpu.memory_space<semaphore_mem>>)
    } else {
    }
    %scan3A = arith.constant 0 : i32
    %scan3A_68 = arith.constant 0 : i32
    %scan3A_69 = arith.constant 57 : i32
    %scan3A_70 = arith.addi %scan3A_68, %scan3A_69 : i32
    %scan3A_71 = arith.constant 1 : i32
    scf.for %scan3A_364 = %scan3A_68 to %scan3A_70 step %scan3A_71  : i32 {
      %jit3A_365 = arith.constant 2 : i32
      %eq3A_366 = arith.constant 0 : i32
      %eq3A_367 = arith.cmpi eq, %jit3A_365, %eq3A_366 : i32
      %jit3A_368 = arith.constant 1 : i32
      %select_n3A_369 = arith.select %eq3A_367, %jit3A_368, %jit3A_365 : i32
      %rem3A_370 = arith.remsi %scan3A_364, %select_n3A_369 : i32
      %ne3A_371 = arith.constant 0 : i32
      %ne3A_372 = arith.cmpi ne, %rem3A_370, %ne3A_371 : i32
      %lt3A_373 = arith.constant 0 : i32
      %lt3A_374 = arith.cmpi slt, %rem3A_370, %lt3A_373 : i32
      %lt3A_375 = arith.constant 0 : i32
      %lt3A_376 = arith.cmpi slt, %select_n3A_369, %lt3A_375 : i32
      %ne3A_377 = arith.xori %lt3A_374, %lt3A_376 : i1
      %and3A_378 = arith.andi %ne3A_377, %ne3A_372 : i1
      %add3A_379 = arith.addi %rem3A_370, %select_n3A_369 : i32
      %select_n3A_380 = arith.select %and3A_378, %add3A_379, %rem3A_370 : i32
      %eq3A_381 = arith.constant 0 : i32
      %eq3A_382 = arith.cmpi eq, %select_n3A_380, %eq3A_381 : i32
      %convert_element_type3A_383 = arith.extui %eq3A_382 : i1 to i32
      %cond3A_384 = arith.constant 0 : i32
      %cond3A_385 = arith.cmpi ne, %convert_element_type3A_383, %cond3A_384 : i32
      scf.if %cond3A_385 {
        %ge3A = arith.constant 2 : i32
        %ge3A_407 = arith.cmpi sge, %scan3A_364, %ge3A : i32
        %convert_element_type3A_408 = arith.extui %ge3A_407 : i1 to i32
        %cond3A_409 = arith.constant 0 : i32
        %cond3A_410 = arith.cmpi ne, %convert_element_type3A_408, %cond3A_409 : i32
        scf.if %cond3A_410 {
          %sub3A_602 = arith.constant 2 : i32
          %sub3A_603 = arith.subi %scan3A_364, %sub3A_602 : i32
          %add3A_604 = arith.addi %mul3A_32, %sub3A_603 : i32
          %dma_wait3A_605 = arith.constant 0 : i32
          %dma_wait3A_606 = arith.constant 0 : i32
          %dma_wait3A_607 = arith.constant 0 : i32
          %dma_wait3A_608 = arith.constant 0 : i32
          %dma_wait3A_609 = tpu.memref_slice %arg11[%dma_wait3A_605, %dma_wait3A_607, %dma_wait3A_608] : memref<2x64x129xf32, #tpu.memory_space<vmem>> -> memref<1x8x128xf32, #tpu.memory_space<vmem>>
          %dma_wait3A_610 = tpu.memref_squeeze %dma_wait3A_609 : memref<1x8x128xf32, #tpu.memory_space<vmem>> -> memref<8x128xf32, #tpu.memory_space<vmem>>
          %dma_wait3A_611 = arith.constant 0 : i32
          %dma_wait3A_612 = arith.constant 0 : i32
          %dma_wait3A_613 = tpu.memref_slice %arg7[%add3A_604, %dma_wait3A_606, %select_n3A_9, %dma_wait3A_611, %dma_wait3A_612] : memref<228x8x8x8x128xf32, #tpu.memory_space<hbm>> -> memref<1x1x1x8x128xf32, #tpu.memory_space<hbm>>
          %dma_wait3A_614 = tpu.memref_squeeze %dma_wait3A_613 : memref<1x1x1x8x128xf32, #tpu.memory_space<hbm>> -> memref<8x128xf32, #tpu.memory_space<hbm>>
          %dma_wait3A_615 = arith.constant 0 : i32
          %dma_wait3A_616 = arith.constant 0 : i32
          %dma_wait3A_617 = tpu.memref_slice %arg7[%add3A_604, %dma_wait3A_606, %select_n3A_9, %dma_wait3A_615, %dma_wait3A_616] : memref<228x8x8x8x128xf32, #tpu.memory_space<hbm>> -> memref<1x1x1x8x128xf32, #tpu.memory_space<hbm>>
          %dma_wait3A_618 = tpu.memref_squeeze %dma_wait3A_617 : memref<1x1x1x8x128xf32, #tpu.memory_space<hbm>> -> memref<8x128xf32, #tpu.memory_space<hbm>>
          %dma_wait3A_619 = arith.constant 0 : i32
          %dma_wait3A_620 = arith.constant 0 : i32
          %dma_wait3A_621 = tpu.memref_slice %arg11[%dma_wait3A_605, %dma_wait3A_619, %dma_wait3A_620] : memref<2x64x129xf32, #tpu.memory_space<vmem>> -> memref<1x8x128xf32, #tpu.memory_space<vmem>>
          %dma_wait3A_622 = tpu.memref_squeeze %dma_wait3A_621 : memref<1x8x128xf32, #tpu.memory_space<vmem>> -> memref<8x128xf32, #tpu.memory_space<vmem>>
          tpu.wait_dma2 semaphore(%arg14 : memref<!tpu.dma_semaphore, #tpu.memory_space<semaphore_mem>>) src(%dma_wait3A_622 : memref<8x128xf32, #tpu.memory_space<vmem>>) dst(%dma_wait3A_618 : memref<8x128xf32, #tpu.memory_space<hbm>>)
          %dma_wait3A_623 = arith.constant 0 : i32
          %dma_wait3A_624 = arith.constant 1 : i32
          %dma_wait3A_625 = arith.constant 8 : i32
          %dma_wait3A_626 = arith.constant 0 : i32
          %dma_wait3A_627 = tpu.memref_slice %arg11[%dma_wait3A_623, %dma_wait3A_625, %dma_wait3A_626] : memref<2x64x129xf32, #tpu.memory_space<vmem>> -> memref<1x8x128xf32, #tpu.memory_space<vmem>>
          %dma_wait3A_628 = tpu.memref_squeeze %dma_wait3A_627 : memref<1x8x128xf32, #tpu.memory_space<vmem>> -> memref<8x128xf32, #tpu.memory_space<vmem>>
          %dma_wait3A_629 = arith.constant 0 : i32
          %dma_wait3A_630 = arith.constant 0 : i32
          %dma_wait3A_631 = tpu.memref_slice %arg7[%add3A_604, %dma_wait3A_624, %select_n3A_9, %dma_wait3A_629, %dma_wait3A_630] : memref<228x8x8x8x128xf32, #tpu.memory_space<hbm>> -> memref<1x1x1x8x128xf32, #tpu.memory_space<hbm>>
          %dma_wait3A_632 = tpu.memref_squeeze %dma_wait3A_631 : memref<1x1x1x8x128xf32, #tpu.memory_space<hbm>> -> memref<8x128xf32, #tpu.memory_space<hbm>>
          %dma_wait3A_633 = arith.constant 0 : i32
          %dma_wait3A_634 = arith.constant 0 : i32
          %dma_wait3A_635 = tpu.memref_slice %arg7[%add3A_604, %dma_wait3A_624, %select_n3A_9, %dma_wait3A_633, %dma_wait3A_634] : memref<228x8x8x8x128xf32, #tpu.memory_space<hbm>> -> memref<1x1x1x8x128xf32, #tpu.memory_space<hbm>>
          %dma_wait3A_636 = tpu.memref_squeeze %dma_wait3A_635 : memref<1x1x1x8x128xf32, #tpu.memory_space<hbm>> -> memref<8x128xf32, #tpu.memory_space<hbm>>
          %dma_wait3A_637 = arith.constant 8 : i32
          %dma_wait3A_638 = arith.constant 0 : i32
          %dma_wait3A_639 = tpu.memref_slice %arg11[%dma_wait3A_623, %dma_wait3A_637, %dma_wait3A_638] : memref<2x64x129xf32, #tpu.memory_space<vmem>> -> memref<1x8x128xf32, #tpu.memory_space<vmem>>
          %dma_wait3A_640 = tpu.memref_squeeze %dma_wait3A_639 : memref<1x8x128xf32, #tpu.memory_space<vmem>> -> memref<8x128xf32, #tpu.memory_space<vmem>>
          tpu.wait_dma2 semaphore(%arg14 : memref<!tpu.dma_semaphore, #tpu.memory_space<semaphore_mem>>) src(%dma_wait3A_640 : memref<8x128xf32, #tpu.memory_space<vmem>>) dst(%dma_wait3A_636 : memref<8x128xf32, #tpu.memory_space<hbm>>)
          %dma_wait3A_641 = arith.constant 0 : i32
          %dma_wait3A_642 = arith.constant 2 : i32
          %dma_wait3A_643 = arith.constant 16 : i32
          %dma_wait3A_644 = arith.constant 0 : i32
          %dma_wait3A_645 = tpu.memref_slice %arg11[%dma_wait3A_641, %dma_wait3A_643, %dma_wait3A_644] : memref<2x64x129xf32, #tpu.memory_space<vmem>> -> memref<1x8x128xf32, #tpu.memory_space<vmem>>
          %dma_wait3A_646 = tpu.memref_squeeze %dma_wait3A_645 : memref<1x8x128xf32, #tpu.memory_space<vmem>> -> memref<8x128xf32, #tpu.memory_space<vmem>>
          %dma_wait3A_647 = arith.constant 0 : i32
          %dma_wait3A_648 = arith.constant 0 : i32
          %dma_wait3A_649 = tpu.memref_slice %arg7[%add3A_604, %dma_wait3A_642, %select_n3A_9, %dma_wait3A_647, %dma_wait3A_648] : memref<228x8x8x8x128xf32, #tpu.memory_space<hbm>> -> memref<1x1x1x8x128xf32, #tpu.memory_space<hbm>>
          %dma_wait3A_650 = tpu.memref_squeeze %dma_wait3A_649 : memref<1x1x1x8x128xf32, #tpu.memory_space<hbm>> -> memref<8x128xf32, #tpu.memory_space<hbm>>
          %dma_wait3A_651 = arith.constant 0 : i32
          %dma_wait3A_652 = arith.constant 0 : i32
          %dma_wait3A_653 = tpu.memref_slice %arg7[%add3A_604, %dma_wait3A_642, %select_n3A_9, %dma_wait3A_651, %dma_wait3A_652] : memref<228x8x8x8x128xf32, #tpu.memory_space<hbm>> -> memref<1x1x1x8x128xf32, #tpu.memory_space<hbm>>
          %dma_wait3A_654 = tpu.memref_squeeze %dma_wait3A_653 : memref<1x1x1x8x128xf32, #tpu.memory_space<hbm>> -> memref<8x128xf32, #tpu.memory_space<hbm>>
          %dma_wait3A_655 = arith.constant 16 : i32
          %dma_wait3A_656 = arith.constant 0 : i32
          %dma_wait3A_657 = tpu.memref_slice %arg11[%dma_wait3A_641, %dma_wait3A_655, %dma_wait3A_656] : memref<2x64x129xf32, #tpu.memory_space<vmem>> -> memref<1x8x128xf32, #tpu.memory_space<vmem>>
          %dma_wait3A_658 = tpu.memref_squeeze %dma_wait3A_657 : memref<1x8x128xf32, #tpu.memory_space<vmem>> -> memref<8x128xf32, #tpu.memory_space<vmem>>
          tpu.wait_dma2 semaphore(%arg14 : memref<!tpu.dma_semaphore, #tpu.memory_space<semaphore_mem>>) src(%dma_wait3A_658 : memref<8x128xf32, #tpu.memory_space<vmem>>) dst(%dma_wait3A_654 : memref<8x128xf32, #tpu.memory_space<hbm>>)
          %dma_wait3A_659 = arith.constant 0 : i32
          %dma_wait3A_660 = arith.constant 3 : i32
          %dma_wait3A_661 = arith.constant 24 : i32
          %dma_wait3A_662 = arith.constant 0 : i32
          %dma_wait3A_663 = tpu.memref_slice %arg11[%dma_wait3A_659, %dma_wait3A_661, %dma_wait3A_662] : memref<2x64x129xf32, #tpu.memory_space<vmem>> -> memref<1x8x128xf32, #tpu.memory_space<vmem>>
          %dma_wait3A_664 = tpu.memref_squeeze %dma_wait3A_663 : memref<1x8x128xf32, #tpu.memory_space<vmem>> -> memref<8x128xf32, #tpu.memory_space<vmem>>
          %dma_wait3A_665 = arith.constant 0 : i32
          %dma_wait3A_666 = arith.constant 0 : i32
          %dma_wait3A_667 = tpu.memref_slice %arg7[%add3A_604, %dma_wait3A_660, %select_n3A_9, %dma_wait3A_665, %dma_wait3A_666] : memref<228x8x8x8x128xf32, #tpu.memory_space<hbm>> -> memref<1x1x1x8x128xf32, #tpu.memory_space<hbm>>
          %dma_wait3A_668 = tpu.memref_squeeze %dma_wait3A_667 : memref<1x1x1x8x128xf32, #tpu.memory_space<hbm>> -> memref<8x128xf32, #tpu.memory_space<hbm>>
          %dma_wait3A_669 = arith.constant 0 : i32
          %dma_wait3A_670 = arith.constant 0 : i32
          %dma_wait3A_671 = tpu.memref_slice %arg7[%add3A_604, %dma_wait3A_660, %select_n3A_9, %dma_wait3A_669, %dma_wait3A_670] : memref<228x8x8x8x128xf32, #tpu.memory_space<hbm>> -> memref<1x1x1x8x128xf32, #tpu.memory_space<hbm>>
          %dma_wait3A_672 = tpu.memref_squeeze %dma_wait3A_671 : memref<1x1x1x8x128xf32, #tpu.memory_space<hbm>> -> memref<8x128xf32, #tpu.memory_space<hbm>>
          %dma_wait3A_673 = arith.constant 24 : i32
          %dma_wait3A_674 = arith.constant 0 : i32
          %dma_wait3A_675 = tpu.memref_slice %arg11[%dma_wait3A_659, %dma_wait3A_673, %dma_wait3A_674] : memref<2x64x129xf32, #tpu.memory_space<vmem>> -> memref<1x8x128xf32, #tpu.memory_space<vmem>>
          %dma_wait3A_676 = tpu.memref_squeeze %dma_wait3A_675 : memref<1x8x128xf32, #tpu.memory_space<vmem>> -> memref<8x128xf32, #tpu.memory_space<vmem>>
          tpu.wait_dma2 semaphore(%arg14 : memref<!tpu.dma_semaphore, #tpu.memory_space<semaphore_mem>>) src(%dma_wait3A_676 : memref<8x128xf32, #tpu.memory_space<vmem>>) dst(%dma_wait3A_672 : memref<8x128xf32, #tpu.memory_space<hbm>>)
          %dma_wait3A_677 = arith.constant 0 : i32
          %dma_wait3A_678 = arith.constant 4 : i32
          %dma_wait3A_679 = arith.constant 32 : i32
          %dma_wait3A_680 = arith.constant 0 : i32
          %dma_wait3A_681 = tpu.memref_slice %arg11[%dma_wait3A_677, %dma_wait3A_679, %dma_wait3A_680] : memref<2x64x129xf32, #tpu.memory_space<vmem>> -> memref<1x8x128xf32, #tpu.memory_space<vmem>>
          %dma_wait3A_682 = tpu.memref_squeeze %dma_wait3A_681 : memref<1x8x128xf32, #tpu.memory_space<vmem>> -> memref<8x128xf32, #tpu.memory_space<vmem>>
          %dma_wait3A_683 = arith.constant 0 : i32
          %dma_wait3A_684 = arith.constant 0 : i32
          %dma_wait3A_685 = tpu.memref_slice %arg7[%add3A_604, %dma_wait3A_678, %select_n3A_9, %dma_wait3A_683, %dma_wait3A_684] : memref<228x8x8x8x128xf32, #tpu.memory_space<hbm>> -> memref<1x1x1x8x128xf32, #tpu.memory_space<hbm>>
          %dma_wait3A_686 = tpu.memref_squeeze %dma_wait3A_685 : memref<1x1x1x8x128xf32, #tpu.memory_space<hbm>> -> memref<8x128xf32, #tpu.memory_space<hbm>>
          %dma_wait3A_687 = arith.constant 0 : i32
          %dma_wait3A_688 = arith.constant 0 : i32
          %dma_wait3A_689 = tpu.memref_slice %arg7[%add3A_604, %dma_wait3A_678, %select_n3A_9, %dma_wait3A_687, %dma_wait3A_688] : memref<228x8x8x8x128xf32, #tpu.memory_space<hbm>> -> memref<1x1x1x8x128xf32, #tpu.memory_space<hbm>>
          %dma_wait3A_690 = tpu.memref_squeeze %dma_wait3A_689 : memref<1x1x1x8x128xf32, #tpu.memory_space<hbm>> -> memref<8x128xf32, #tpu.memory_space<hbm>>
          %dma_wait3A_691 = arith.constant 32 : i32
          %dma_wait3A_692 = arith.constant 0 : i32
          %dma_wait3A_693 = tpu.memref_slice %arg11[%dma_wait3A_677, %dma_wait3A_691, %dma_wait3A_692] : memref<2x64x129xf32, #tpu.memory_space<vmem>> -> memref<1x8x128xf32, #tpu.memory_space<vmem>>
          %dma_wait3A_694 = tpu.memref_squeeze %dma_wait3A_693 : memref<1x8x128xf32, #tpu.memory_space<vmem>> -> memref<8x128xf32, #tpu.memory_space<vmem>>
          tpu.wait_dma2 semaphore(%arg14 : memref<!tpu.dma_semaphore, #tpu.memory_space<semaphore_mem>>) src(%dma_wait3A_694 : memref<8x128xf32, #tpu.memory_space<vmem>>) dst(%dma_wait3A_690 : memref<8x128xf32, #tpu.memory_space<hbm>>)
          %dma_wait3A_695 = arith.constant 0 : i32
          %dma_wait3A_696 = arith.constant 5 : i32
          %dma_wait3A_697 = arith.constant 40 : i32
          %dma_wait3A_698 = arith.constant 0 : i32
          %dma_wait3A_699 = tpu.memref_slice %arg11[%dma_wait3A_695, %dma_wait3A_697, %dma_wait3A_698] : memref<2x64x129xf32, #tpu.memory_space<vmem>> -> memref<1x8x128xf32, #tpu.memory_space<vmem>>
          %dma_wait3A_700 = tpu.memref_squeeze %dma_wait3A_699 : memref<1x8x128xf32, #tpu.memory_space<vmem>> -> memref<8x128xf32, #tpu.memory_space<vmem>>
          %dma_wait3A_701 = arith.constant 0 : i32
          %dma_wait3A_702 = arith.constant 0 : i32
          %dma_wait3A_703 = tpu.memref_slice %arg7[%add3A_604, %dma_wait3A_696, %select_n3A_9, %dma_wait3A_701, %dma_wait3A_702] : memref<228x8x8x8x128xf32, #tpu.memory_space<hbm>> -> memref<1x1x1x8x128xf32, #tpu.memory_space<hbm>>
          %dma_wait3A_704 = tpu.memref_squeeze %dma_wait3A_703 : memref<1x1x1x8x128xf32, #tpu.memory_space<hbm>> -> memref<8x128xf32, #tpu.memory_space<hbm>>
          %dma_wait3A_705 = arith.constant 0 : i32
          %dma_wait3A_706 = arith.constant 0 : i32
          %dma_wait3A_707 = tpu.memref_slice %arg7[%add3A_604, %dma_wait3A_696, %select_n3A_9, %dma_wait3A_705, %dma_wait3A_706] : memref<228x8x8x8x128xf32, #tpu.memory_space<hbm>> -> memref<1x1x1x8x128xf32, #tpu.memory_space<hbm>>
          %dma_wait3A_708 = tpu.memref_squeeze %dma_wait3A_707 : memref<1x1x1x8x128xf32, #tpu.memory_space<hbm>> -> memref<8x128xf32, #tpu.memory_space<hbm>>
          %dma_wait3A_709 = arith.constant 40 : i32
          %dma_wait3A_710 = arith.constant 0 : i32
          %dma_wait3A_711 = tpu.memref_slice %arg11[%dma_wait3A_695, %dma_wait3A_709, %dma_wait3A_710] : memref<2x64x129xf32, #tpu.memory_space<vmem>> -> memref<1x8x128xf32, #tpu.memory_space<vmem>>
          %dma_wait3A_712 = tpu.memref_squeeze %dma_wait3A_711 : memref<1x8x128xf32, #tpu.memory_space<vmem>> -> memref<8x128xf32, #tpu.memory_space<vmem>>
          tpu.wait_dma2 semaphore(%arg14 : memref<!tpu.dma_semaphore, #tpu.memory_space<semaphore_mem>>) src(%dma_wait3A_712 : memref<8x128xf32, #tpu.memory_space<vmem>>) dst(%dma_wait3A_708 : memref<8x128xf32, #tpu.memory_space<hbm>>)
          %dma_wait3A_713 = arith.constant 0 : i32
          %dma_wait3A_714 = arith.constant 6 : i32
          %dma_wait3A_715 = arith.constant 48 : i32
          %dma_wait3A_716 = arith.constant 0 : i32
          %dma_wait3A_717 = tpu.memref_slice %arg11[%dma_wait3A_713, %dma_wait3A_715, %dma_wait3A_716] : memref<2x64x129xf32, #tpu.memory_space<vmem>> -> memref<1x8x128xf32, #tpu.memory_space<vmem>>
          %dma_wait3A_718 = tpu.memref_squeeze %dma_wait3A_717 : memref<1x8x128xf32, #tpu.memory_space<vmem>> -> memref<8x128xf32, #tpu.memory_space<vmem>>
          %dma_wait3A_719 = arith.constant 0 : i32
          %dma_wait3A_720 = arith.constant 0 : i32
          %dma_wait3A_721 = tpu.memref_slice %arg7[%add3A_604, %dma_wait3A_714, %select_n3A_9, %dma_wait3A_719, %dma_wait3A_720] : memref<228x8x8x8x128xf32, #tpu.memory_space<hbm>> -> memref<1x1x1x8x128xf32, #tpu.memory_space<hbm>>
          %dma_wait3A_722 = tpu.memref_squeeze %dma_wait3A_721 : memref<1x1x1x8x128xf32, #tpu.memory_space<hbm>> -> memref<8x128xf32, #tpu.memory_space<hbm>>
          %dma_wait3A_723 = arith.constant 0 : i32
          %dma_wait3A_724 = arith.constant 0 : i32
          %dma_wait3A_725 = tpu.memref_slice %arg7[%add3A_604, %dma_wait3A_714, %select_n3A_9, %dma_wait3A_723, %dma_wait3A_724] : memref<228x8x8x8x128xf32, #tpu.memory_space<hbm>> -> memref<1x1x1x8x128xf32, #tpu.memory_space<hbm>>
          %dma_wait3A_726 = tpu.memref_squeeze %dma_wait3A_725 : memref<1x1x1x8x128xf32, #tpu.memory_space<hbm>> -> memref<8x128xf32, #tpu.memory_space<hbm>>
          %dma_wait3A_727 = arith.constant 48 : i32
          %dma_wait3A_728 = arith.constant 0 : i32
          %dma_wait3A_729 = tpu.memref_slice %arg11[%dma_wait3A_713, %dma_wait3A_727, %dma_wait3A_728] : memref<2x64x129xf32, #tpu.memory_space<vmem>> -> memref<1x8x128xf32, #tpu.memory_space<vmem>>
          %dma_wait3A_730 = tpu.memref_squeeze %dma_wait3A_729 : memref<1x8x128xf32, #tpu.memory_space<vmem>> -> memref<8x128xf32, #tpu.memory_space<vmem>>
          tpu.wait_dma2 semaphore(%arg14 : memref<!tpu.dma_semaphore, #tpu.memory_space<semaphore_mem>>) src(%dma_wait3A_730 : memref<8x128xf32, #tpu.memory_space<vmem>>) dst(%dma_wait3A_726 : memref<8x128xf32, #tpu.memory_space<hbm>>)
          %dma_wait3A_731 = arith.constant 0 : i32
          %dma_wait3A_732 = arith.constant 7 : i32
          %dma_wait3A_733 = arith.constant 56 : i32
          %dma_wait3A_734 = arith.constant 0 : i32
          %dma_wait3A_735 = tpu.memref_slice %arg11[%dma_wait3A_731, %dma_wait3A_733, %dma_wait3A_734] : memref<2x64x129xf32, #tpu.memory_space<vmem>> -> memref<1x8x128xf32, #tpu.memory_space<vmem>>
          %dma_wait3A_736 = tpu.memref_squeeze %dma_wait3A_735 : memref<1x8x128xf32, #tpu.memory_space<vmem>> -> memref<8x128xf32, #tpu.memory_space<vmem>>
          %dma_wait3A_737 = arith.constant 0 : i32
          %dma_wait3A_738 = arith.constant 0 : i32
          %dma_wait3A_739 = tpu.memref_slice %arg7[%add3A_604, %dma_wait3A_732, %select_n3A_9, %dma_wait3A_737, %dma_wait3A_738] : memref<228x8x8x8x128xf32, #tpu.memory_space<hbm>> -> memref<1x1x1x8x128xf32, #tpu.memory_space<hbm>>
          %dma_wait3A_740 = tpu.memref_squeeze %dma_wait3A_739 : memref<1x1x1x8x128xf32, #tpu.memory_space<hbm>> -> memref<8x128xf32, #tpu.memory_space<hbm>>
          %dma_wait3A_741 = arith.constant 0 : i32
          %dma_wait3A_742 = arith.constant 0 : i32
          %dma_wait3A_743 = tpu.memref_slice %arg7[%add3A_604, %dma_wait3A_732, %select_n3A_9, %dma_wait3A_741, %dma_wait3A_742] : memref<228x8x8x8x128xf32, #tpu.memory_space<hbm>> -> memref<1x1x1x8x128xf32, #tpu.memory_space<hbm>>
          %dma_wait3A_744 = tpu.memref_squeeze %dma_wait3A_743 : memref<1x1x1x8x128xf32, #tpu.memory_space<hbm>> -> memref<8x128xf32, #tpu.memory_space<hbm>>
          %dma_wait3A_745 = arith.constant 56 : i32
          %dma_wait3A_746 = arith.constant 0 : i32
          %dma_wait3A_747 = tpu.memref_slice %arg11[%dma_wait3A_731, %dma_wait3A_745, %dma_wait3A_746] : memref<2x64x129xf32, #tpu.memory_space<vmem>> -> memref<1x8x128xf32, #tpu.memory_space<vmem>>
          %dma_wait3A_748 = tpu.memref_squeeze %dma_wait3A_747 : memref<1x8x128xf32, #tpu.memory_space<vmem>> -> memref<8x128xf32, #tpu.memory_space<vmem>>
          tpu.wait_dma2 semaphore(%arg14 : memref<!tpu.dma_semaphore, #tpu.memory_space<semaphore_mem>>) src(%dma_wait3A_748 : memref<8x128xf32, #tpu.memory_space<vmem>>) dst(%dma_wait3A_744 : memref<8x128xf32, #tpu.memory_space<hbm>>)
        } else {
        }
        %add3A_411 = arith.constant 1 : i32
        %add3A_412 = arith.addi %scan3A_364, %add3A_411 : i32
        %lt3A_413 = arith.constant 57 : i32
        %lt3A_414 = arith.cmpi slt, %add3A_412, %lt3A_413 : i32
        %convert_element_type3A_415 = arith.extui %lt3A_414 : i1 to i32
        %cond3A_416 = arith.constant 0 : i32
        %cond3A_417 = arith.cmpi ne, %convert_element_type3A_415, %cond3A_416 : i32
        scf.if %cond3A_417 {
          %add3A_602 = arith.constant 1 : i32
          %add3A_603 = arith.addi %scan3A_364, %add3A_602 : i32
          %lt3A_604 = arith.constant 3 : i32
          %lt3A_605 = arith.cmpi slt, %select_n3A_30, %lt3A_604 : i32
          %lt3A_606 = arith.constant 29 : i32
          %lt3A_607 = arith.cmpi slt, %add3A_603, %lt3A_606 : i32
          %or3A_608 = arith.ori %lt3A_605, %lt3A_607 : i1
          %convert_element_type3A_609 = arith.extui %or3A_608 : i1 to i32
          %cond3A_610 = arith.constant 0 : i32
          %cond3A_611 = arith.cmpi ne, %convert_element_type3A_609, %cond3A_610 : i32
          scf.if %cond3A_611 {
            %dma_start3A_622 = arith.constant 1 : i32
            %dma_start3A_623 = arith.constant 0 : i32
            %dma_start3A_624 = arith.constant 0 : i32
            %dma_start3A_625 = tpu.memref_slice %arg10[%dma_start3A_622, %dma_start3A_623, %dma_start3A_624] : memref<2x128x64xf32, #tpu.memory_space<vmem>> -> memref<1x128x64xf32, #tpu.memory_space<vmem>>
            %dma_start3A_626 = tpu.memref_squeeze %dma_start3A_625 : memref<1x128x64xf32, #tpu.memory_space<vmem>> -> memref<128x64xf32, #tpu.memory_space<vmem>>
            %dma_start3A_627 = arith.constant 0 : i32
            %dma_start3A_628 = tpu.memref_slice %arg8[%add3A_603, %dma_start3A_627] : memref<57x128xi32, #tpu.memory_space<vmem>> -> memref<1x128xi32, #tpu.memory_space<vmem>>
            %dma_start3A_629 = tpu.memref_squeeze %dma_start3A_628 : memref<1x128xi32, #tpu.memory_space<vmem>> -> memref<128xi32, #tpu.memory_space<vmem>>
            %dma_start3A_630 = arith.constant 0 : i32
            %dma_start3A_631 = arith.constant 0 : i32
            %dma_start3A_632 = tpu.memref_slice %arg4[%dma_start3A_630, %dma_start3A_631] : memref<100000x64xf32, #tpu.memory_space<hbm>> -> memref<100000x64xf32, #tpu.memory_space<hbm>>
            tpu.enqueue_indirect_dma source(%dma_start3A_632 : memref<100000x64xf32, #tpu.memory_space<hbm>>) target(%dma_start3A_626 : memref<128x64xf32, #tpu.memory_space<vmem>>) offsets(%dma_start3A_629 : memref<128xi32, #tpu.memory_space<vmem>>) semaphore(%arg13 : memref<!tpu.dma_semaphore, #tpu.memory_space<semaphore_mem>>)
          } else {
          }
          %eq3A_612 = arith.constant 3 : i32
          %eq3A_613 = arith.cmpi eq, %select_n3A_30, %eq3A_612 : i32
          %ge3A_614 = arith.constant 30 : i32
          %ge3A_615 = arith.cmpi sge, %add3A_603, %ge3A_614 : i32
          %and3A_616 = arith.andi %eq3A_613, %ge3A_615 : i1
          %le3A = arith.constant 55 : i32
          %le3A_617 = arith.cmpi sle, %add3A_603, %le3A : i32
          %and3A_618 = arith.andi %and3A_616, %le3A_617 : i1
          %convert_element_type3A_619 = arith.extui %and3A_618 : i1 to i32
          %cond3A_620 = arith.constant 0 : i32
          %cond3A_621 = arith.cmpi ne, %convert_element_type3A_619, %cond3A_620 : i32
          scf.if %cond3A_621 {
            %dma_start3A_622 = arith.constant 1 : i32
            %dma_start3A_623 = arith.constant 0 : i32
            %dma_start3A_624 = arith.constant 0 : i32
            %dma_start3A_625 = tpu.memref_slice %arg10[%dma_start3A_622, %dma_start3A_623, %dma_start3A_624] : memref<2x128x64xf32, #tpu.memory_space<vmem>> -> memref<1x128x64xf32, #tpu.memory_space<vmem>>
            %dma_start3A_626 = tpu.memref_squeeze %dma_start3A_625 : memref<1x128x64xf32, #tpu.memory_space<vmem>> -> memref<128x64xf32, #tpu.memory_space<vmem>>
            %dma_start3A_627 = arith.constant 0 : i32
            %dma_start3A_628 = tpu.memref_slice %arg8[%add3A_603, %dma_start3A_627] : memref<57x128xi32, #tpu.memory_space<vmem>> -> memref<1x128xi32, #tpu.memory_space<vmem>>
            %dma_start3A_629 = tpu.memref_squeeze %dma_start3A_628 : memref<1x128xi32, #tpu.memory_space<vmem>> -> memref<128xi32, #tpu.memory_space<vmem>>
            %dma_start3A_630 = arith.constant 0 : i32
            %dma_start3A_631 = arith.constant 0 : i32
            %dma_start3A_632 = tpu.memref_slice %arg5[%dma_start3A_630, %dma_start3A_631] : memref<1000x64xf32, #tpu.memory_space<hbm>> -> memref<1000x64xf32, #tpu.memory_space<hbm>>
            tpu.enqueue_indirect_dma source(%dma_start3A_632 : memref<1000x64xf32, #tpu.memory_space<hbm>>) target(%dma_start3A_626 : memref<128x64xf32, #tpu.memory_space<vmem>>) offsets(%dma_start3A_629 : memref<128xi32, #tpu.memory_space<vmem>>) semaphore(%arg13 : memref<!tpu.dma_semaphore, #tpu.memory_space<semaphore_mem>>)
          } else {
          }
        } else {
        }
        %eq3A_418 = arith.constant 3 : i32
        %eq3A_419 = arith.cmpi eq, %select_n3A_30, %eq3A_418 : i32
        %eq3A_420 = arith.constant 29 : i32
        %eq3A_421 = arith.cmpi eq, %scan3A_364, %eq3A_420 : i32
        %eq3A_422 = arith.constant 56 : i32
        %eq3A_423 = arith.cmpi eq, %scan3A_364, %eq3A_422 : i32
        %or3A_424 = arith.ori %eq3A_421, %eq3A_423 : i1
        %and3A_425 = arith.andi %eq3A_419, %or3A_424 : i1
        %not3A = arith.constant true
        %not3A_426 = arith.xori %and3A_425, %not3A : i1
        %convert_element_type3A_427 = arith.extui %not3A_426 : i1 to i32
        %cond3A_428 = arith.constant 0 : i32
        %cond3A_429 = arith.cmpi ne, %convert_element_type3A_427, %cond3A_428 : i32
        scf.if %cond3A_429 {
          %dma_wait3A_602 = arith.constant 0 : i32
          %dma_wait3A_603 = arith.constant 0 : i32
          %dma_wait3A_604 = arith.constant 0 : i32
          %dma_wait3A_605 = tpu.memref_slice %arg10[%dma_wait3A_602, %dma_wait3A_603, %dma_wait3A_604] : memref<2x128x64xf32, #tpu.memory_space<vmem>> -> memref<1x128x64xf32, #tpu.memory_space<vmem>>
          %dma_wait3A_606 = tpu.memref_squeeze %dma_wait3A_605 : memref<1x128x64xf32, #tpu.memory_space<vmem>> -> memref<128x64xf32, #tpu.memory_space<vmem>>
          %dma_wait3A_607 = arith.constant 0 : i32
          %dma_wait3A_608 = tpu.memref_slice %arg8[%scan3A_364, %dma_wait3A_607] : memref<57x128xi32, #tpu.memory_space<vmem>> -> memref<1x128xi32, #tpu.memory_space<vmem>>
          %dma_wait3A_609 = tpu.memref_squeeze %dma_wait3A_608 : memref<1x128xi32, #tpu.memory_space<vmem>> -> memref<128xi32, #tpu.memory_space<vmem>>
          %dma_wait3A_610 = arith.constant 0 : i32
          %dma_wait3A_611 = arith.constant 0 : i32
          %dma_wait3A_612 = tpu.memref_slice %arg4[%dma_wait3A_610, %dma_wait3A_611] : memref<100000x64xf32, #tpu.memory_space<hbm>> -> memref<100000x64xf32, #tpu.memory_space<hbm>>
          tpu.wait_indirect_dma semaphore(%arg12 : memref<!tpu.dma_semaphore, #tpu.memory_space<semaphore_mem>>) src(%dma_wait3A_612 : memref<100000x64xf32, #tpu.memory_space<hbm>>) dst(%dma_wait3A_606 : memref<128x64xf32, #tpu.memory_space<vmem>>)
        } else {
        }
        %add3A_430 = arith.addi %mul3A_32, %scan3A_364 : i32
        %get3A = arith.index_cast %add3A_430 : i32 to index
        %get3A_431 = arith.constant 0 : index
        %get3A_432 = tpu.vector_load %arg9[%get3A, %get3A_431] {strides = array<i32>} : memref<228x64xf32, #tpu.memory_space<vmem>>, vector<16xf32>,
        %get3A_433 = arith.index_cast %add3A_430 : i32 to index
        %get3A_434 = arith.constant 16 : index
        %get3A_435 = tpu.vector_load %arg9[%get3A_433, %get3A_434] {strides = array<i32>} : memref<228x64xf32, #tpu.memory_space<vmem>>, vector<16xf32>,
        %get3A_436 = arith.index_cast %add3A_430 : i32 to index
        %get3A_437 = arith.constant 32 : index
        %get3A_438 = tpu.vector_load %arg9[%get3A_436, %get3A_437] {strides = array<i32>} : memref<228x64xf32, #tpu.memory_space<vmem>>, vector<16xf32>,
        %get3A_439 = arith.index_cast %add3A_430 : i32 to index
        %get3A_440 = arith.constant 48 : index
        %get3A_441 = tpu.vector_load %arg9[%get3A_439, %get3A_440] {strides = array<i32>} : memref<228x64xf32, #tpu.memory_space<vmem>>, vector<16xf32>,
        %eq3A_442 = arith.constant 3 : i32
        %eq3A_443 = arith.cmpi eq, %select_n3A_30, %eq3A_442 : i32
        %eq3A_444 = arith.constant 29 : i32
        %eq3A_445 = arith.cmpi eq, %scan3A_364, %eq3A_444 : i32
        %eq3A_446 = arith.constant 56 : i32
        %eq3A_447 = arith.cmpi eq, %scan3A_364, %eq3A_446 : i32
        %or3A_448 = arith.ori %eq3A_445, %eq3A_447 : i1
        %and3A_449 = arith.andi %eq3A_443, %or3A_448 : i1
        %convert_element_type3A_450 = arith.extui %and3A_449 : i1 to i32
        %cond3A_451 = arith.constant 0 : i32
        %cond3A_452 = arith.cmpi ne, %convert_element_type3A_450, %cond3A_451 : i32
        scf.if %cond3A_452 {
          %parallel_loop3A = arith.constant 0 : i32
          %parallel_loop3A_602 = arith.constant 128 : i32
          %parallel_loop3A_603 = arith.constant 1 : i32
          scf.for %parallel_loop3A_604 = %parallel_loop3A to %parallel_loop3A_602 step %parallel_loop3A_603  : i32 {
            %parallel_loop3A_605 = vector.broadcast %parallel_loop3A_604 : i32 to vector<16xi32>
            %parallel_loop3A_606 = arith.constant 0 : i32
            %parallel_loop3A_607 = arith.constant 0 : i32
            %parallel_loop3A_608 = arith.constant 0 : i32
            %parallel_loop3A_609 = tpu.memref_slice %arg11[%parallel_loop3A_606, %parallel_loop3A_607, %parallel_loop3A_608] : memref<2x64x129xf32, #tpu.memory_space<vmem>> -> memref<1x64x129xf32, #tpu.memory_space<vmem>>
            %parallel_loop3A_610 = tpu.memref_squeeze %parallel_loop3A_609 : memref<1x64x129xf32, #tpu.memory_space<vmem>> -> memref<64x129xf32, #tpu.memory_space<vmem>>
            tpu.vector_store_idx %parallel_loop3A_610[%add3A_43, %parallel_loop3A_605], %get3A_432 : memref<64x129xf32, #tpu.memory_space<vmem>>[vector<16xi32>, vector<16xi32>], vector<16xf32>,
            %parallel_loop3A_611 = arith.constant 0 : i32
            %parallel_loop3A_612 = arith.constant 0 : i32
            %parallel_loop3A_613 = arith.constant 0 : i32
            %parallel_loop3A_614 = tpu.memref_slice %arg11[%parallel_loop3A_611, %parallel_loop3A_612, %parallel_loop3A_613] : memref<2x64x129xf32, #tpu.memory_space<vmem>> -> memref<1x64x129xf32, #tpu.memory_space<vmem>>
            %parallel_loop3A_615 = tpu.memref_squeeze %parallel_loop3A_614 : memref<1x64x129xf32, #tpu.memory_space<vmem>> -> memref<64x129xf32, #tpu.memory_space<vmem>>
            tpu.vector_store_idx %parallel_loop3A_615[%add3A_46, %parallel_loop3A_605], %get3A_435 : memref<64x129xf32, #tpu.memory_space<vmem>>[vector<16xi32>, vector<16xi32>], vector<16xf32>,
            %parallel_loop3A_616 = arith.constant 0 : i32
            %parallel_loop3A_617 = arith.constant 0 : i32
            %parallel_loop3A_618 = arith.constant 0 : i32
            %parallel_loop3A_619 = tpu.memref_slice %arg11[%parallel_loop3A_616, %parallel_loop3A_617, %parallel_loop3A_618] : memref<2x64x129xf32, #tpu.memory_space<vmem>> -> memref<1x64x129xf32, #tpu.memory_space<vmem>>
            %parallel_loop3A_620 = tpu.memref_squeeze %parallel_loop3A_619 : memref<1x64x129xf32, #tpu.memory_space<vmem>> -> memref<64x129xf32, #tpu.memory_space<vmem>>
            tpu.vector_store_idx %parallel_loop3A_620[%add3A_49, %parallel_loop3A_605], %get3A_438 : memref<64x129xf32, #tpu.memory_space<vmem>>[vector<16xi32>, vector<16xi32>], vector<16xf32>,
            %parallel_loop3A_621 = arith.constant 0 : i32
            %parallel_loop3A_622 = arith.constant 0 : i32
            %parallel_loop3A_623 = arith.constant 0 : i32
            %parallel_loop3A_624 = tpu.memref_slice %arg11[%parallel_loop3A_621, %parallel_loop3A_622, %parallel_loop3A_623] : memref<2x64x129xf32, #tpu.memory_space<vmem>> -> memref<1x64x129xf32, #tpu.memory_space<vmem>>
            %parallel_loop3A_625 = tpu.memref_squeeze %parallel_loop3A_624 : memref<1x64x129xf32, #tpu.memory_space<vmem>> -> memref<64x129xf32, #tpu.memory_space<vmem>>
            tpu.vector_store_idx %parallel_loop3A_625[%add3A_52, %parallel_loop3A_605], %get3A_441 : memref<64x129xf32, #tpu.memory_space<vmem>>[vector<16xi32>, vector<16xi32>], vector<16xf32>,
          } {sc.loop_unroll_factor = 2 : i64, sc.parallel_access}
        } else {
        }
        %not3A_453 = arith.constant true
        %not3A_454 = arith.xori %and3A_449, %not3A_453 : i1
        %convert_element_type3A_455 = arith.extui %not3A_454 : i1 to i32
        %cond3A_456 = arith.constant 0 : i32
        %cond3A_457 = arith.cmpi ne, %convert_element_type3A_455, %cond3A_456 : i32
        scf.if %cond3A_457 {
          %parallel_loop3A = arith.constant 0 : i32
          %parallel_loop3A_602 = arith.constant 128 : i32
          %parallel_loop3A_603 = arith.constant 1 : i32
          scf.for %parallel_loop3A_604 = %parallel_loop3A to %parallel_loop3A_602 step %parallel_loop3A_603  : i32 {
            %parallel_loop3A_605 = vector.broadcast %parallel_loop3A_604 : i32 to vector<16xi32>
            %parallel_loop3A_606 = arith.constant 0 : i32
            %parallel_loop3A_607 = arith.index_cast %parallel_loop3A_606 : i32 to index
            %parallel_loop3A_608 = arith.index_cast %parallel_loop3A_604 : i32 to index
            %parallel_loop3A_609 = arith.constant 0 : index
            %parallel_loop3A_610 = tpu.vector_load %arg10[%parallel_loop3A_607, %parallel_loop3A_608, %parallel_loop3A_609] {strides = array<i32>} : memref<2x128x64xf32, #tpu.memory_space<vmem>>, vector<16xf32>,
            %parallel_loop3A_611 = arith.addf %parallel_loop3A_610, %get3A_432 : vector<16xf32>
            %parallel_loop3A_612 = arith.constant 0 : i32
            %parallel_loop3A_613 = arith.constant 0 : i32
            %parallel_loop3A_614 = arith.constant 0 : i32
            %parallel_loop3A_615 = tpu.memref_slice %arg11[%parallel_loop3A_612, %parallel_loop3A_613, %parallel_loop3A_614] : memref<2x64x129xf32, #tpu.memory_space<vmem>> -> memref<1x64x129xf32, #tpu.memory_space<vmem>>
            %parallel_loop3A_616 = tpu.memref_squeeze %parallel_loop3A_615 : memref<1x64x129xf32, #tpu.memory_space<vmem>> -> memref<64x129xf32, #tpu.memory_space<vmem>>
            tpu.vector_store_idx %parallel_loop3A_616[%add3A_43, %parallel_loop3A_605], %parallel_loop3A_611 : memref<64x129xf32, #tpu.memory_space<vmem>>[vector<16xi32>, vector<16xi32>], vector<16xf32>,
            %parallel_loop3A_617 = arith.constant 0 : i32
            %parallel_loop3A_618 = arith.index_cast %parallel_loop3A_617 : i32 to index
            %parallel_loop3A_619 = arith.index_cast %parallel_loop3A_604 : i32 to index
            %parallel_loop3A_620 = arith.constant 16 : index
            %parallel_loop3A_621 = tpu.vector_load %arg10[%parallel_loop3A_618, %parallel_loop3A_619, %parallel_loop3A_620] {strides = array<i32>} : memref<2x128x64xf32, #tpu.memory_space<vmem>>, vector<16xf32>,
            %parallel_loop3A_622 = arith.addf %parallel_loop3A_621, %get3A_435 : vector<16xf32>
            %parallel_loop3A_623 = arith.constant 0 : i32
            %parallel_loop3A_624 = arith.constant 0 : i32
            %parallel_loop3A_625 = arith.constant 0 : i32
            %parallel_loop3A_626 = tpu.memref_slice %arg11[%parallel_loop3A_623, %parallel_loop3A_624, %parallel_loop3A_625] : memref<2x64x129xf32, #tpu.memory_space<vmem>> -> memref<1x64x129xf32, #tpu.memory_space<vmem>>
            %parallel_loop3A_627 = tpu.memref_squeeze %parallel_loop3A_626 : memref<1x64x129xf32, #tpu.memory_space<vmem>> -> memref<64x129xf32, #tpu.memory_space<vmem>>
            tpu.vector_store_idx %parallel_loop3A_627[%add3A_46, %parallel_loop3A_605], %parallel_loop3A_622 : memref<64x129xf32, #tpu.memory_space<vmem>>[vector<16xi32>, vector<16xi32>], vector<16xf32>,
            %parallel_loop3A_628 = arith.constant 0 : i32
            %parallel_loop3A_629 = arith.index_cast %parallel_loop3A_628 : i32 to index
            %parallel_loop3A_630 = arith.index_cast %parallel_loop3A_604 : i32 to index
            %parallel_loop3A_631 = arith.constant 32 : index
            %parallel_loop3A_632 = tpu.vector_load %arg10[%parallel_loop3A_629, %parallel_loop3A_630, %parallel_loop3A_631] {strides = array<i32>} : memref<2x128x64xf32, #tpu.memory_space<vmem>>, vector<16xf32>,
            %parallel_loop3A_633 = arith.addf %parallel_loop3A_632, %get3A_438 : vector<16xf32>
            %parallel_loop3A_634 = arith.constant 0 : i32
            %parallel_loop3A_635 = arith.constant 0 : i32
            %parallel_loop3A_636 = arith.constant 0 : i32
            %parallel_loop3A_637 = tpu.memref_slice %arg11[%parallel_loop3A_634, %parallel_loop3A_635, %parallel_loop3A_636] : memref<2x64x129xf32, #tpu.memory_space<vmem>> -> memref<1x64x129xf32, #tpu.memory_space<vmem>>
            %parallel_loop3A_638 = tpu.memref_squeeze %parallel_loop3A_637 : memref<1x64x129xf32, #tpu.memory_space<vmem>> -> memref<64x129xf32, #tpu.memory_space<vmem>>
            tpu.vector_store_idx %parallel_loop3A_638[%add3A_49, %parallel_loop3A_605], %parallel_loop3A_633 : memref<64x129xf32, #tpu.memory_space<vmem>>[vector<16xi32>, vector<16xi32>], vector<16xf32>,
            %parallel_loop3A_639 = arith.constant 0 : i32
            %parallel_loop3A_640 = arith.index_cast %parallel_loop3A_639 : i32 to index
            %parallel_loop3A_641 = arith.index_cast %parallel_loop3A_604 : i32 to index
            %parallel_loop3A_642 = arith.constant 48 : index
            %parallel_loop3A_643 = tpu.vector_load %arg10[%parallel_loop3A_640, %parallel_loop3A_641, %parallel_loop3A_642] {strides = array<i32>} : memref<2x128x64xf32, #tpu.memory_space<vmem>>, vector<16xf32>,
            %parallel_loop3A_644 = arith.addf %parallel_loop3A_643, %get3A_441 : vector<16xf32>
            %parallel_loop3A_645 = arith.constant 0 : i32
            %parallel_loop3A_646 = arith.constant 0 : i32
            %parallel_loop3A_647 = arith.constant 0 : i32
            %parallel_loop3A_648 = tpu.memref_slice %arg11[%parallel_loop3A_645, %parallel_loop3A_646, %parallel_loop3A_647] : memref<2x64x129xf32, #tpu.memory_space<vmem>> -> memref<1x64x129xf32, #tpu.memory_space<vmem>>
            %parallel_loop3A_649 = tpu.memref_squeeze %parallel_loop3A_648 : memref<1x64x129xf32, #tpu.memory_space<vmem>> -> memref<64x129xf32, #tpu.memory_space<vmem>>
            tpu.vector_store_idx %parallel_loop3A_649[%add3A_52, %parallel_loop3A_605], %parallel_loop3A_644 : memref<64x129xf32, #tpu.memory_space<vmem>>[vector<16xi32>, vector<16xi32>], vector<16xf32>,
          } {sc.loop_unroll_factor = 2 : i64, sc.parallel_access}
        } else {
        }
        %add3A_458 = arith.addi %mul3A_32, %scan3A_364 : i32
        %dma_start3A = arith.constant 0 : i32
        %dma_start3A_459 = arith.constant 0 : i32
        %dma_start3A_460 = arith.constant 0 : i32
        %dma_start3A_461 = arith.constant 0 : i32
        %dma_start3A_462 = tpu.memref_slice %arg11[%dma_start3A, %dma_start3A_460, %dma_start3A_461] : memref<2x64x129xf32, #tpu.memory_space<vmem>> -> memref<1x8x128xf32, #tpu.memory_space<vmem>>
        %dma_start3A_463 = tpu.memref_squeeze %dma_start3A_462 : memref<1x8x128xf32, #tpu.memory_space<vmem>> -> memref<8x128xf32, #tpu.memory_space<vmem>>
        %dma_start3A_464 = arith.constant 0 : i32
        %dma_start3A_465 = arith.constant 0 : i32
        %dma_start3A_466 = tpu.memref_slice %arg7[%add3A_458, %dma_start3A_459, %select_n3A_9, %dma_start3A_464, %dma_start3A_465] : memref<228x8x8x8x128xf32, #tpu.memory_space<hbm>> -> memref<1x1x1x8x128xf32, #tpu.memory_space<hbm>>
        %dma_start3A_467 = tpu.memref_squeeze %dma_start3A_466 : memref<1x1x1x8x128xf32, #tpu.memory_space<hbm>> -> memref<8x128xf32, #tpu.memory_space<hbm>>
        %dma_start3A_468 = arith.constant 0 : i32
        %dma_start3A_469 = arith.constant 0 : i32
        %dma_start3A_470 = tpu.memref_slice %arg7[%add3A_458, %dma_start3A_459, %select_n3A_9, %dma_start3A_468, %dma_start3A_469] : memref<228x8x8x8x128xf32, #tpu.memory_space<hbm>> -> memref<1x1x1x8x128xf32, #tpu.memory_space<hbm>>
        %dma_start3A_471 = tpu.memref_squeeze %dma_start3A_470 : memref<1x1x1x8x128xf32, #tpu.memory_space<hbm>> -> memref<8x128xf32, #tpu.memory_space<hbm>>
        %dma_start3A_472 = arith.constant 0 : i32
        %dma_start3A_473 = arith.constant 0 : i32
        %dma_start3A_474 = tpu.memref_slice %arg11[%dma_start3A, %dma_start3A_472, %dma_start3A_473] : memref<2x64x129xf32, #tpu.memory_space<vmem>> -> memref<1x8x128xf32, #tpu.memory_space<vmem>>
        %dma_start3A_475 = tpu.memref_squeeze %dma_start3A_474 : memref<1x8x128xf32, #tpu.memory_space<vmem>> -> memref<8x128xf32, #tpu.memory_space<vmem>>
        tpu.enqueue_dma source(%dma_start3A_475 : memref<8x128xf32, #tpu.memory_space<vmem>>) target(%dma_start3A_471 : memref<8x128xf32, #tpu.memory_space<hbm>>) target_semaphore(%arg14 : memref<!tpu.dma_semaphore, #tpu.memory_space<semaphore_mem>>)
        %dma_start3A_476 = arith.constant 0 : i32
        %dma_start3A_477 = arith.constant 1 : i32
        %dma_start3A_478 = arith.constant 8 : i32
        %dma_start3A_479 = arith.constant 0 : i32
        %dma_start3A_480 = tpu.memref_slice %arg11[%dma_start3A_476, %dma_start3A_478, %dma_start3A_479] : memref<2x64x129xf32, #tpu.memory_space<vmem>> -> memref<1x8x128xf32, #tpu.memory_space<vmem>>
        %dma_start3A_481 = tpu.memref_squeeze %dma_start3A_480 : memref<1x8x128xf32, #tpu.memory_space<vmem>> -> memref<8x128xf32, #tpu.memory_space<vmem>>
        %dma_start3A_482 = arith.constant 0 : i32
        %dma_start3A_483 = arith.constant 0 : i32
        %dma_start3A_484 = tpu.memref_slice %arg7[%add3A_458, %dma_start3A_477, %select_n3A_9, %dma_start3A_482, %dma_start3A_483] : memref<228x8x8x8x128xf32, #tpu.memory_space<hbm>> -> memref<1x1x1x8x128xf32, #tpu.memory_space<hbm>>
        %dma_start3A_485 = tpu.memref_squeeze %dma_start3A_484 : memref<1x1x1x8x128xf32, #tpu.memory_space<hbm>> -> memref<8x128xf32, #tpu.memory_space<hbm>>
        %dma_start3A_486 = arith.constant 0 : i32
        %dma_start3A_487 = arith.constant 0 : i32
        %dma_start3A_488 = tpu.memref_slice %arg7[%add3A_458, %dma_start3A_477, %select_n3A_9, %dma_start3A_486, %dma_start3A_487] : memref<228x8x8x8x128xf32, #tpu.memory_space<hbm>> -> memref<1x1x1x8x128xf32, #tpu.memory_space<hbm>>
        %dma_start3A_489 = tpu.memref_squeeze %dma_start3A_488 : memref<1x1x1x8x128xf32, #tpu.memory_space<hbm>> -> memref<8x128xf32, #tpu.memory_space<hbm>>
        %dma_start3A_490 = arith.constant 8 : i32
        %dma_start3A_491 = arith.constant 0 : i32
        %dma_start3A_492 = tpu.memref_slice %arg11[%dma_start3A_476, %dma_start3A_490, %dma_start3A_491] : memref<2x64x129xf32, #tpu.memory_space<vmem>> -> memref<1x8x128xf32, #tpu.memory_space<vmem>>
        %dma_start3A_493 = tpu.memref_squeeze %dma_start3A_492 : memref<1x8x128xf32, #tpu.memory_space<vmem>> -> memref<8x128xf32, #tpu.memory_space<vmem>>
        tpu.enqueue_dma source(%dma_start3A_493 : memref<8x128xf32, #tpu.memory_space<vmem>>) target(%dma_start3A_489 : memref<8x128xf32, #tpu.memory_space<hbm>>) target_semaphore(%arg14 : memref<!tpu.dma_semaphore, #tpu.memory_space<semaphore_mem>>)
        %dma_start3A_494 = arith.constant 0 : i32
        %dma_start3A_495 = arith.constant 2 : i32
        %dma_start3A_496 = arith.constant 16 : i32
        %dma_start3A_497 = arith.constant 0 : i32
        %dma_start3A_498 = tpu.memref_slice %arg11[%dma_start3A_494, %dma_start3A_496, %dma_start3A_497] : memref<2x64x129xf32, #tpu.memory_space<vmem>> -> memref<1x8x128xf32, #tpu.memory_space<vmem>>
        %dma_start3A_499 = tpu.memref_squeeze %dma_start3A_498 : memref<1x8x128xf32, #tpu.memory_space<vmem>> -> memref<8x128xf32, #tpu.memory_space<vmem>>
        %dma_start3A_500 = arith.constant 0 : i32
        %dma_start3A_501 = arith.constant 0 : i32
        %dma_start3A_502 = tpu.memref_slice %arg7[%add3A_458, %dma_start3A_495, %select_n3A_9, %dma_start3A_500, %dma_start3A_501] : memref<228x8x8x8x128xf32, #tpu.memory_space<hbm>> -> memref<1x1x1x8x128xf32, #tpu.memory_space<hbm>>
        %dma_start3A_503 = tpu.memref_squeeze %dma_start3A_502 : memref<1x1x1x8x128xf32, #tpu.memory_space<hbm>> -> memref<8x128xf32, #tpu.memory_space<hbm>>
        %dma_start3A_504 = arith.constant 0 : i32
        %dma_start3A_505 = arith.constant 0 : i32
        %dma_start3A_506 = tpu.memref_slice %arg7[%add3A_458, %dma_start3A_495, %select_n3A_9, %dma_start3A_504, %dma_start3A_505] : memref<228x8x8x8x128xf32, #tpu.memory_space<hbm>> -> memref<1x1x1x8x128xf32, #tpu.memory_space<hbm>>
        %dma_start3A_507 = tpu.memref_squeeze %dma_start3A_506 : memref<1x1x1x8x128xf32, #tpu.memory_space<hbm>> -> memref<8x128xf32, #tpu.memory_space<hbm>>
        %dma_start3A_508 = arith.constant 16 : i32
        %dma_start3A_509 = arith.constant 0 : i32
        %dma_start3A_510 = tpu.memref_slice %arg11[%dma_start3A_494, %dma_start3A_508, %dma_start3A_509] : memref<2x64x129xf32, #tpu.memory_space<vmem>> -> memref<1x8x128xf32, #tpu.memory_space<vmem>>
        %dma_start3A_511 = tpu.memref_squeeze %dma_start3A_510 : memref<1x8x128xf32, #tpu.memory_space<vmem>> -> memref<8x128xf32, #tpu.memory_space<vmem>>
        tpu.enqueue_dma source(%dma_start3A_511 : memref<8x128xf32, #tpu.memory_space<vmem>>) target(%dma_start3A_507 : memref<8x128xf32, #tpu.memory_space<hbm>>) target_semaphore(%arg14 : memref<!tpu.dma_semaphore, #tpu.memory_space<semaphore_mem>>)
        %dma_start3A_512 = arith.constant 0 : i32
        %dma_start3A_513 = arith.constant 3 : i32
        %dma_start3A_514 = arith.constant 24 : i32
        %dma_start3A_515 = arith.constant 0 : i32
        %dma_start3A_516 = tpu.memref_slice %arg11[%dma_start3A_512, %dma_start3A_514, %dma_start3A_515] : memref<2x64x129xf32, #tpu.memory_space<vmem>> -> memref<1x8x128xf32, #tpu.memory_space<vmem>>
        %dma_start3A_517 = tpu.memref_squeeze %dma_start3A_516 : memref<1x8x128xf32, #tpu.memory_space<vmem>> -> memref<8x128xf32, #tpu.memory_space<vmem>>
        %dma_start3A_518 = arith.constant 0 : i32
        %dma_start3A_519 = arith.constant 0 : i32
        %dma_start3A_520 = tpu.memref_slice %arg7[%add3A_458, %dma_start3A_513, %select_n3A_9, %dma_start3A_518, %dma_start3A_519] : memref<228x8x8x8x128xf32, #tpu.memory_space<hbm>> -> memref<1x1x1x8x128xf32, #tpu.memory_space<hbm>>
        %dma_start3A_521 = tpu.memref_squeeze %dma_start3A_520 : memref<1x1x1x8x128xf32, #tpu.memory_space<hbm>> -> memref<8x128xf32, #tpu.memory_space<hbm>>
        %dma_start3A_522 = arith.constant 0 : i32
        %dma_start3A_523 = arith.constant 0 : i32
        %dma_start3A_524 = tpu.memref_slice %arg7[%add3A_458, %dma_start3A_513, %select_n3A_9, %dma_start3A_522, %dma_start3A_523] : memref<228x8x8x8x128xf32, #tpu.memory_space<hbm>> -> memref<1x1x1x8x128xf32, #tpu.memory_space<hbm>>
        %dma_start3A_525 = tpu.memref_squeeze %dma_start3A_524 : memref<1x1x1x8x128xf32, #tpu.memory_space<hbm>> -> memref<8x128xf32, #tpu.memory_space<hbm>>
        %dma_start3A_526 = arith.constant 24 : i32
        %dma_start3A_527 = arith.constant 0 : i32
        %dma_start3A_528 = tpu.memref_slice %arg11[%dma_start3A_512, %dma_start3A_526, %dma_start3A_527] : memref<2x64x129xf32, #tpu.memory_space<vmem>> -> memref<1x8x128xf32, #tpu.memory_space<vmem>>
        %dma_start3A_529 = tpu.memref_squeeze %dma_start3A_528 : memref<1x8x128xf32, #tpu.memory_space<vmem>> -> memref<8x128xf32, #tpu.memory_space<vmem>>
        tpu.enqueue_dma source(%dma_start3A_529 : memref<8x128xf32, #tpu.memory_space<vmem>>) target(%dma_start3A_525 : memref<8x128xf32, #tpu.memory_space<hbm>>) target_semaphore(%arg14 : memref<!tpu.dma_semaphore, #tpu.memory_space<semaphore_mem>>)
        %dma_start3A_530 = arith.constant 0 : i32
        %dma_start3A_531 = arith.constant 4 : i32
        %dma_start3A_532 = arith.constant 32 : i32
        %dma_start3A_533 = arith.constant 0 : i32
        %dma_start3A_534 = tpu.memref_slice %arg11[%dma_start3A_530, %dma_start3A_532, %dma_start3A_533] : memref<2x64x129xf32, #tpu.memory_space<vmem>> -> memref<1x8x128xf32, #tpu.memory_space<vmem>>
        %dma_start3A_535 = tpu.memref_squeeze %dma_start3A_534 : memref<1x8x128xf32, #tpu.memory_space<vmem>> -> memref<8x128xf32, #tpu.memory_space<vmem>>
        %dma_start3A_536 = arith.constant 0 : i32
        %dma_start3A_537 = arith.constant 0 : i32
        %dma_start3A_538 = tpu.memref_slice %arg7[%add3A_458, %dma_start3A_531, %select_n3A_9, %dma_start3A_536, %dma_start3A_537] : memref<228x8x8x8x128xf32, #tpu.memory_space<hbm>> -> memref<1x1x1x8x128xf32, #tpu.memory_space<hbm>>
        %dma_start3A_539 = tpu.memref_squeeze %dma_start3A_538 : memref<1x1x1x8x128xf32, #tpu.memory_space<hbm>> -> memref<8x128xf32, #tpu.memory_space<hbm>>
        %dma_start3A_540 = arith.constant 0 : i32
        %dma_start3A_541 = arith.constant 0 : i32
        %dma_start3A_542 = tpu.memref_slice %arg7[%add3A_458, %dma_start3A_531, %select_n3A_9, %dma_start3A_540, %dma_start3A_541] : memref<228x8x8x8x128xf32, #tpu.memory_space<hbm>> -> memref<1x1x1x8x128xf32, #tpu.memory_space<hbm>>
        %dma_start3A_543 = tpu.memref_squeeze %dma_start3A_542 : memref<1x1x1x8x128xf32, #tpu.memory_space<hbm>> -> memref<8x128xf32, #tpu.memory_space<hbm>>
        %dma_start3A_544 = arith.constant 32 : i32
        %dma_start3A_545 = arith.constant 0 : i32
        %dma_start3A_546 = tpu.memref_slice %arg11[%dma_start3A_530, %dma_start3A_544, %dma_start3A_545] : memref<2x64x129xf32, #tpu.memory_space<vmem>> -> memref<1x8x128xf32, #tpu.memory_space<vmem>>
        %dma_start3A_547 = tpu.memref_squeeze %dma_start3A_546 : memref<1x8x128xf32, #tpu.memory_space<vmem>> -> memref<8x128xf32, #tpu.memory_space<vmem>>
        tpu.enqueue_dma source(%dma_start3A_547 : memref<8x128xf32, #tpu.memory_space<vmem>>) target(%dma_start3A_543 : memref<8x128xf32, #tpu.memory_space<hbm>>) target_semaphore(%arg14 : memref<!tpu.dma_semaphore, #tpu.memory_space<semaphore_mem>>)
        %dma_start3A_548 = arith.constant 0 : i32
        %dma_start3A_549 = arith.constant 5 : i32
        %dma_start3A_550 = arith.constant 40 : i32
        %dma_start3A_551 = arith.constant 0 : i32
        %dma_start3A_552 = tpu.memref_slice %arg11[%dma_start3A_548, %dma_start3A_550, %dma_start3A_551] : memref<2x64x129xf32, #tpu.memory_space<vmem>> -> memref<1x8x128xf32, #tpu.memory_space<vmem>>
        %dma_start3A_553 = tpu.memref_squeeze %dma_start3A_552 : memref<1x8x128xf32, #tpu.memory_space<vmem>> -> memref<8x128xf32, #tpu.memory_space<vmem>>
        %dma_start3A_554 = arith.constant 0 : i32
        %dma_start3A_555 = arith.constant 0 : i32
        %dma_start3A_556 = tpu.memref_slice %arg7[%add3A_458, %dma_start3A_549, %select_n3A_9, %dma_start3A_554, %dma_start3A_555] : memref<228x8x8x8x128xf32, #tpu.memory_space<hbm>> -> memref<1x1x1x8x128xf32, #tpu.memory_space<hbm>>
        %dma_start3A_557 = tpu.memref_squeeze %dma_start3A_556 : memref<1x1x1x8x128xf32, #tpu.memory_space<hbm>> -> memref<8x128xf32, #tpu.memory_space<hbm>>
        %dma_start3A_558 = arith.constant 0 : i32
        %dma_start3A_559 = arith.constant 0 : i32
        %dma_start3A_560 = tpu.memref_slice %arg7[%add3A_458, %dma_start3A_549, %select_n3A_9, %dma_start3A_558, %dma_start3A_559] : memref<228x8x8x8x128xf32, #tpu.memory_space<hbm>> -> memref<1x1x1x8x128xf32, #tpu.memory_space<hbm>>
        %dma_start3A_561 = tpu.memref_squeeze %dma_start3A_560 : memref<1x1x1x8x128xf32, #tpu.memory_space<hbm>> -> memref<8x128xf32, #tpu.memory_space<hbm>>
        %dma_start3A_562 = arith.constant 40 : i32
        %dma_start3A_563 = arith.constant 0 : i32
        %dma_start3A_564 = tpu.memref_slice %arg11[%dma_start3A_548, %dma_start3A_562, %dma_start3A_563] : memref<2x64x129xf32, #tpu.memory_space<vmem>> -> memref<1x8x128xf32, #tpu.memory_space<vmem>>
        %dma_start3A_565 = tpu.memref_squeeze %dma_start3A_564 : memref<1x8x128xf32, #tpu.memory_space<vmem>> -> memref<8x128xf32, #tpu.memory_space<vmem>>
        tpu.enqueue_dma source(%dma_start3A_565 : memref<8x128xf32, #tpu.memory_space<vmem>>) target(%dma_start3A_561 : memref<8x128xf32, #tpu.memory_space<hbm>>) target_semaphore(%arg14 : memref<!tpu.dma_semaphore, #tpu.memory_space<semaphore_mem>>)
        %dma_start3A_566 = arith.constant 0 : i32
        %dma_start3A_567 = arith.constant 6 : i32
        %dma_start3A_568 = arith.constant 48 : i32
        %dma_start3A_569 = arith.constant 0 : i32
        %dma_start3A_570 = tpu.memref_slice %arg11[%dma_start3A_566, %dma_start3A_568, %dma_start3A_569] : memref<2x64x129xf32, #tpu.memory_space<vmem>> -> memref<1x8x128xf32, #tpu.memory_space<vmem>>
        %dma_start3A_571 = tpu.memref_squeeze %dma_start3A_570 : memref<1x8x128xf32, #tpu.memory_space<vmem>> -> memref<8x128xf32, #tpu.memory_space<vmem>>
        %dma_start3A_572 = arith.constant 0 : i32
        %dma_start3A_573 = arith.constant 0 : i32
        %dma_start3A_574 = tpu.memref_slice %arg7[%add3A_458, %dma_start3A_567, %select_n3A_9, %dma_start3A_572, %dma_start3A_573] : memref<228x8x8x8x128xf32, #tpu.memory_space<hbm>> -> memref<1x1x1x8x128xf32, #tpu.memory_space<hbm>>
        %dma_start3A_575 = tpu.memref_squeeze %dma_start3A_574 : memref<1x1x1x8x128xf32, #tpu.memory_space<hbm>> -> memref<8x128xf32, #tpu.memory_space<hbm>>
        %dma_start3A_576 = arith.constant 0 : i32
        %dma_start3A_577 = arith.constant 0 : i32
        %dma_start3A_578 = tpu.memref_slice %arg7[%add3A_458, %dma_start3A_567, %select_n3A_9, %dma_start3A_576, %dma_start3A_577] : memref<228x8x8x8x128xf32, #tpu.memory_space<hbm>> -> memref<1x1x1x8x128xf32, #tpu.memory_space<hbm>>
        %dma_start3A_579 = tpu.memref_squeeze %dma_start3A_578 : memref<1x1x1x8x128xf32, #tpu.memory_space<hbm>> -> memref<8x128xf32, #tpu.memory_space<hbm>>
        %dma_start3A_580 = arith.constant 48 : i32
        %dma_start3A_581 = arith.constant 0 : i32
        %dma_start3A_582 = tpu.memref_slice %arg11[%dma_start3A_566, %dma_start3A_580, %dma_start3A_581] : memref<2x64x129xf32, #tpu.memory_space<vmem>> -> memref<1x8x128xf32, #tpu.memory_space<vmem>>
        %dma_start3A_583 = tpu.memref_squeeze %dma_start3A_582 : memref<1x8x128xf32, #tpu.memory_space<vmem>> -> memref<8x128xf32, #tpu.memory_space<vmem>>
        tpu.enqueue_dma source(%dma_start3A_583 : memref<8x128xf32, #tpu.memory_space<vmem>>) target(%dma_start3A_579 : memref<8x128xf32, #tpu.memory_space<hbm>>) target_semaphore(%arg14 : memref<!tpu.dma_semaphore, #tpu.memory_space<semaphore_mem>>)
        %dma_start3A_584 = arith.constant 0 : i32
        %dma_start3A_585 = arith.constant 7 : i32
        %dma_start3A_586 = arith.constant 56 : i32
        %dma_start3A_587 = arith.constant 0 : i32
        %dma_start3A_588 = tpu.memref_slice %arg11[%dma_start3A_584, %dma_start3A_586, %dma_start3A_587] : memref<2x64x129xf32, #tpu.memory_space<vmem>> -> memref<1x8x128xf32, #tpu.memory_space<vmem>>
        %dma_start3A_589 = tpu.memref_squeeze %dma_start3A_588 : memref<1x8x128xf32, #tpu.memory_space<vmem>> -> memref<8x128xf32, #tpu.memory_space<vmem>>
        %dma_start3A_590 = arith.constant 0 : i32
        %dma_start3A_591 = arith.constant 0 : i32
        %dma_start3A_592 = tpu.memref_slice %arg7[%add3A_458, %dma_start3A_585, %select_n3A_9, %dma_start3A_590, %dma_start3A_591] : memref<228x8x8x8x128xf32, #tpu.memory_space<hbm>> -> memref<1x1x1x8x128xf32, #tpu.memory_space<hbm>>
        %dma_start3A_593 = tpu.memref_squeeze %dma_start3A_592 : memref<1x1x1x8x128xf32, #tpu.memory_space<hbm>> -> memref<8x128xf32, #tpu.memory_space<hbm>>
        %dma_start3A_594 = arith.constant 0 : i32
        %dma_start3A_595 = arith.constant 0 : i32
        %dma_start3A_596 = tpu.memref_slice %arg7[%add3A_458, %dma_start3A_585, %select_n3A_9, %dma_start3A_594, %dma_start3A_595] : memref<228x8x8x8x128xf32, #tpu.memory_space<hbm>> -> memref<1x1x1x8x128xf32, #tpu.memory_space<hbm>>
        %dma_start3A_597 = tpu.memref_squeeze %dma_start3A_596 : memref<1x1x1x8x128xf32, #tpu.memory_space<hbm>> -> memref<8x128xf32, #tpu.memory_space<hbm>>
        %dma_start3A_598 = arith.constant 56 : i32
        %dma_start3A_599 = arith.constant 0 : i32
        %dma_start3A_600 = tpu.memref_slice %arg11[%dma_start3A_584, %dma_start3A_598, %dma_start3A_599] : memref<2x64x129xf32, #tpu.memory_space<vmem>> -> memref<1x8x128xf32, #tpu.memory_space<vmem>>
        %dma_start3A_601 = tpu.memref_squeeze %dma_start3A_600 : memref<1x8x128xf32, #tpu.memory_space<vmem>> -> memref<8x128xf32, #tpu.memory_space<vmem>>
        tpu.enqueue_dma source(%dma_start3A_601 : memref<8x128xf32, #tpu.memory_space<vmem>>) target(%dma_start3A_597 : memref<8x128xf32, #tpu.memory_space<hbm>>) target_semaphore(%arg14 : memref<!tpu.dma_semaphore, #tpu.memory_space<semaphore_mem>>)
      } else {
      }
      %jit3A_386 = arith.constant 2 : i32
      %eq3A_387 = arith.constant 0 : i32
      %eq3A_388 = arith.cmpi eq, %jit3A_386, %eq3A_387 : i32
      %jit3A_389 = arith.constant 1 : i32
      %select_n3A_390 = arith.select %eq3A_388, %jit3A_389, %jit3A_386 : i32
      %rem3A_391 = arith.remsi %scan3A_364, %select_n3A_390 : i32
      %ne3A_392 = arith.constant 0 : i32
      %ne3A_393 = arith.cmpi ne, %rem3A_391, %ne3A_392 : i32
      %lt3A_394 = arith.constant 0 : i32
      %lt3A_395 = arith.cmpi slt, %rem3A_391, %lt3A_394 : i32
      %lt3A_396 = arith.constant 0 : i32
      %lt3A_397 = arith.cmpi slt, %select_n3A_390, %lt3A_396 : i32
      %ne3A_398 = arith.xori %lt3A_395, %lt3A_397 : i1
      %and3A_399 = arith.andi %ne3A_398, %ne3A_393 : i1
      %add3A_400 = arith.addi %rem3A_391, %select_n3A_390 : i32
      %select_n3A_401 = arith.select %and3A_399, %add3A_400, %rem3A_391 : i32
      %eq3A_402 = arith.constant 1 : i32
      %eq3A_403 = arith.cmpi eq, %select_n3A_401, %eq3A_402 : i32
      %convert_element_type3A_404 = arith.extui %eq3A_403 : i1 to i32
      %cond3A_405 = arith.constant 0 : i32
      %cond3A_406 = arith.cmpi ne, %convert_element_type3A_404, %cond3A_405 : i32
      scf.if %cond3A_406 {
        %ge3A = arith.constant 2 : i32
        %ge3A_407 = arith.cmpi sge, %scan3A_364, %ge3A : i32
        %convert_element_type3A_408 = arith.extui %ge3A_407 : i1 to i32
        %cond3A_409 = arith.constant 0 : i32
        %cond3A_410 = arith.cmpi ne, %convert_element_type3A_408, %cond3A_409 : i32
        scf.if %cond3A_410 {
          %sub3A_602 = arith.constant 2 : i32
          %sub3A_603 = arith.subi %scan3A_364, %sub3A_602 : i32
          %add3A_604 = arith.addi %mul3A_32, %sub3A_603 : i32
          %dma_wait3A_605 = arith.constant 1 : i32
          %dma_wait3A_606 = arith.constant 0 : i32
          %dma_wait3A_607 = arith.constant 0 : i32
          %dma_wait3A_608 = arith.constant 0 : i32
          %dma_wait3A_609 = tpu.memref_slice %arg11[%dma_wait3A_605, %dma_wait3A_607, %dma_wait3A_608] : memref<2x64x129xf32, #tpu.memory_space<vmem>> -> memref<1x8x128xf32, #tpu.memory_space<vmem>>
          %dma_wait3A_610 = tpu.memref_squeeze %dma_wait3A_609 : memref<1x8x128xf32, #tpu.memory_space<vmem>> -> memref<8x128xf32, #tpu.memory_space<vmem>>
          %dma_wait3A_611 = arith.constant 0 : i32
          %dma_wait3A_612 = arith.constant 0 : i32
          %dma_wait3A_613 = tpu.memref_slice %arg7[%add3A_604, %dma_wait3A_606, %select_n3A_9, %dma_wait3A_611, %dma_wait3A_612] : memref<228x8x8x8x128xf32, #tpu.memory_space<hbm>> -> memref<1x1x1x8x128xf32, #tpu.memory_space<hbm>>
          %dma_wait3A_614 = tpu.memref_squeeze %dma_wait3A_613 : memref<1x1x1x8x128xf32, #tpu.memory_space<hbm>> -> memref<8x128xf32, #tpu.memory_space<hbm>>
          %dma_wait3A_615 = arith.constant 0 : i32
          %dma_wait3A_616 = arith.constant 0 : i32
          %dma_wait3A_617 = tpu.memref_slice %arg7[%add3A_604, %dma_wait3A_606, %select_n3A_9, %dma_wait3A_615, %dma_wait3A_616] : memref<228x8x8x8x128xf32, #tpu.memory_space<hbm>> -> memref<1x1x1x8x128xf32, #tpu.memory_space<hbm>>
          %dma_wait3A_618 = tpu.memref_squeeze %dma_wait3A_617 : memref<1x1x1x8x128xf32, #tpu.memory_space<hbm>> -> memref<8x128xf32, #tpu.memory_space<hbm>>
          %dma_wait3A_619 = arith.constant 0 : i32
          %dma_wait3A_620 = arith.constant 0 : i32
          %dma_wait3A_621 = tpu.memref_slice %arg11[%dma_wait3A_605, %dma_wait3A_619, %dma_wait3A_620] : memref<2x64x129xf32, #tpu.memory_space<vmem>> -> memref<1x8x128xf32, #tpu.memory_space<vmem>>
          %dma_wait3A_622 = tpu.memref_squeeze %dma_wait3A_621 : memref<1x8x128xf32, #tpu.memory_space<vmem>> -> memref<8x128xf32, #tpu.memory_space<vmem>>
          tpu.wait_dma2 semaphore(%arg15 : memref<!tpu.dma_semaphore, #tpu.memory_space<semaphore_mem>>) src(%dma_wait3A_622 : memref<8x128xf32, #tpu.memory_space<vmem>>) dst(%dma_wait3A_618 : memref<8x128xf32, #tpu.memory_space<hbm>>)
          %dma_wait3A_623 = arith.constant 1 : i32
          %dma_wait3A_624 = arith.constant 1 : i32
          %dma_wait3A_625 = arith.constant 8 : i32
          %dma_wait3A_626 = arith.constant 0 : i32
          %dma_wait3A_627 = tpu.memref_slice %arg11[%dma_wait3A_623, %dma_wait3A_625, %dma_wait3A_626] : memref<2x64x129xf32, #tpu.memory_space<vmem>> -> memref<1x8x128xf32, #tpu.memory_space<vmem>>
          %dma_wait3A_628 = tpu.memref_squeeze %dma_wait3A_627 : memref<1x8x128xf32, #tpu.memory_space<vmem>> -> memref<8x128xf32, #tpu.memory_space<vmem>>
          %dma_wait3A_629 = arith.constant 0 : i32
          %dma_wait3A_630 = arith.constant 0 : i32
          %dma_wait3A_631 = tpu.memref_slice %arg7[%add3A_604, %dma_wait3A_624, %select_n3A_9, %dma_wait3A_629, %dma_wait3A_630] : memref<228x8x8x8x128xf32, #tpu.memory_space<hbm>> -> memref<1x1x1x8x128xf32, #tpu.memory_space<hbm>>
          %dma_wait3A_632 = tpu.memref_squeeze %dma_wait3A_631 : memref<1x1x1x8x128xf32, #tpu.memory_space<hbm>> -> memref<8x128xf32, #tpu.memory_space<hbm>>
          %dma_wait3A_633 = arith.constant 0 : i32
          %dma_wait3A_634 = arith.constant 0 : i32
          %dma_wait3A_635 = tpu.memref_slice %arg7[%add3A_604, %dma_wait3A_624, %select_n3A_9, %dma_wait3A_633, %dma_wait3A_634] : memref<228x8x8x8x128xf32, #tpu.memory_space<hbm>> -> memref<1x1x1x8x128xf32, #tpu.memory_space<hbm>>
          %dma_wait3A_636 = tpu.memref_squeeze %dma_wait3A_635 : memref<1x1x1x8x128xf32, #tpu.memory_space<hbm>> -> memref<8x128xf32, #tpu.memory_space<hbm>>
          %dma_wait3A_637 = arith.constant 8 : i32
          %dma_wait3A_638 = arith.constant 0 : i32
          %dma_wait3A_639 = tpu.memref_slice %arg11[%dma_wait3A_623, %dma_wait3A_637, %dma_wait3A_638] : memref<2x64x129xf32, #tpu.memory_space<vmem>> -> memref<1x8x128xf32, #tpu.memory_space<vmem>>
          %dma_wait3A_640 = tpu.memref_squeeze %dma_wait3A_639 : memref<1x8x128xf32, #tpu.memory_space<vmem>> -> memref<8x128xf32, #tpu.memory_space<vmem>>
          tpu.wait_dma2 semaphore(%arg15 : memref<!tpu.dma_semaphore, #tpu.memory_space<semaphore_mem>>) src(%dma_wait3A_640 : memref<8x128xf32, #tpu.memory_space<vmem>>) dst(%dma_wait3A_636 : memref<8x128xf32, #tpu.memory_space<hbm>>)
          %dma_wait3A_641 = arith.constant 1 : i32
          %dma_wait3A_642 = arith.constant 2 : i32
          %dma_wait3A_643 = arith.constant 16 : i32
          %dma_wait3A_644 = arith.constant 0 : i32
          %dma_wait3A_645 = tpu.memref_slice %arg11[%dma_wait3A_641, %dma_wait3A_643, %dma_wait3A_644] : memref<2x64x129xf32, #tpu.memory_space<vmem>> -> memref<1x8x128xf32, #tpu.memory_space<vmem>>
          %dma_wait3A_646 = tpu.memref_squeeze %dma_wait3A_645 : memref<1x8x128xf32, #tpu.memory_space<vmem>> -> memref<8x128xf32, #tpu.memory_space<vmem>>
          %dma_wait3A_647 = arith.constant 0 : i32
          %dma_wait3A_648 = arith.constant 0 : i32
          %dma_wait3A_649 = tpu.memref_slice %arg7[%add3A_604, %dma_wait3A_642, %select_n3A_9, %dma_wait3A_647, %dma_wait3A_648] : memref<228x8x8x8x128xf32, #tpu.memory_space<hbm>> -> memref<1x1x1x8x128xf32, #tpu.memory_space<hbm>>
          %dma_wait3A_650 = tpu.memref_squeeze %dma_wait3A_649 : memref<1x1x1x8x128xf32, #tpu.memory_space<hbm>> -> memref<8x128xf32, #tpu.memory_space<hbm>>
          %dma_wait3A_651 = arith.constant 0 : i32
          %dma_wait3A_652 = arith.constant 0 : i32
          %dma_wait3A_653 = tpu.memref_slice %arg7[%add3A_604, %dma_wait3A_642, %select_n3A_9, %dma_wait3A_651, %dma_wait3A_652] : memref<228x8x8x8x128xf32, #tpu.memory_space<hbm>> -> memref<1x1x1x8x128xf32, #tpu.memory_space<hbm>>
          %dma_wait3A_654 = tpu.memref_squeeze %dma_wait3A_653 : memref<1x1x1x8x128xf32, #tpu.memory_space<hbm>> -> memref<8x128xf32, #tpu.memory_space<hbm>>
          %dma_wait3A_655 = arith.constant 16 : i32
          %dma_wait3A_656 = arith.constant 0 : i32
          %dma_wait3A_657 = tpu.memref_slice %arg11[%dma_wait3A_641, %dma_wait3A_655, %dma_wait3A_656] : memref<2x64x129xf32, #tpu.memory_space<vmem>> -> memref<1x8x128xf32, #tpu.memory_space<vmem>>
          %dma_wait3A_658 = tpu.memref_squeeze %dma_wait3A_657 : memref<1x8x128xf32, #tpu.memory_space<vmem>> -> memref<8x128xf32, #tpu.memory_space<vmem>>
          tpu.wait_dma2 semaphore(%arg15 : memref<!tpu.dma_semaphore, #tpu.memory_space<semaphore_mem>>) src(%dma_wait3A_658 : memref<8x128xf32, #tpu.memory_space<vmem>>) dst(%dma_wait3A_654 : memref<8x128xf32, #tpu.memory_space<hbm>>)
          %dma_wait3A_659 = arith.constant 1 : i32
          %dma_wait3A_660 = arith.constant 3 : i32
          %dma_wait3A_661 = arith.constant 24 : i32
          %dma_wait3A_662 = arith.constant 0 : i32
          %dma_wait3A_663 = tpu.memref_slice %arg11[%dma_wait3A_659, %dma_wait3A_661, %dma_wait3A_662] : memref<2x64x129xf32, #tpu.memory_space<vmem>> -> memref<1x8x128xf32, #tpu.memory_space<vmem>>
          %dma_wait3A_664 = tpu.memref_squeeze %dma_wait3A_663 : memref<1x8x128xf32, #tpu.memory_space<vmem>> -> memref<8x128xf32, #tpu.memory_space<vmem>>
          %dma_wait3A_665 = arith.constant 0 : i32
          %dma_wait3A_666 = arith.constant 0 : i32
          %dma_wait3A_667 = tpu.memref_slice %arg7[%add3A_604, %dma_wait3A_660, %select_n3A_9, %dma_wait3A_665, %dma_wait3A_666] : memref<228x8x8x8x128xf32, #tpu.memory_space<hbm>> -> memref<1x1x1x8x128xf32, #tpu.memory_space<hbm>>
          %dma_wait3A_668 = tpu.memref_squeeze %dma_wait3A_667 : memref<1x1x1x8x128xf32, #tpu.memory_space<hbm>> -> memref<8x128xf32, #tpu.memory_space<hbm>>
          %dma_wait3A_669 = arith.constant 0 : i32
          %dma_wait3A_670 = arith.constant 0 : i32
          %dma_wait3A_671 = tpu.memref_slice %arg7[%add3A_604, %dma_wait3A_660, %select_n3A_9, %dma_wait3A_669, %dma_wait3A_670] : memref<228x8x8x8x128xf32, #tpu.memory_space<hbm>> -> memref<1x1x1x8x128xf32, #tpu.memory_space<hbm>>
          %dma_wait3A_672 = tpu.memref_squeeze %dma_wait3A_671 : memref<1x1x1x8x128xf32, #tpu.memory_space<hbm>> -> memref<8x128xf32, #tpu.memory_space<hbm>>
          %dma_wait3A_673 = arith.constant 24 : i32
          %dma_wait3A_674 = arith.constant 0 : i32
          %dma_wait3A_675 = tpu.memref_slice %arg11[%dma_wait3A_659, %dma_wait3A_673, %dma_wait3A_674] : memref<2x64x129xf32, #tpu.memory_space<vmem>> -> memref<1x8x128xf32, #tpu.memory_space<vmem>>
          %dma_wait3A_676 = tpu.memref_squeeze %dma_wait3A_675 : memref<1x8x128xf32, #tpu.memory_space<vmem>> -> memref<8x128xf32, #tpu.memory_space<vmem>>
          tpu.wait_dma2 semaphore(%arg15 : memref<!tpu.dma_semaphore, #tpu.memory_space<semaphore_mem>>) src(%dma_wait3A_676 : memref<8x128xf32, #tpu.memory_space<vmem>>) dst(%dma_wait3A_672 : memref<8x128xf32, #tpu.memory_space<hbm>>)
          %dma_wait3A_677 = arith.constant 1 : i32
          %dma_wait3A_678 = arith.constant 4 : i32
          %dma_wait3A_679 = arith.constant 32 : i32
          %dma_wait3A_680 = arith.constant 0 : i32
          %dma_wait3A_681 = tpu.memref_slice %arg11[%dma_wait3A_677, %dma_wait3A_679, %dma_wait3A_680] : memref<2x64x129xf32, #tpu.memory_space<vmem>> -> memref<1x8x128xf32, #tpu.memory_space<vmem>>
          %dma_wait3A_682 = tpu.memref_squeeze %dma_wait3A_681 : memref<1x8x128xf32, #tpu.memory_space<vmem>> -> memref<8x128xf32, #tpu.memory_space<vmem>>
          %dma_wait3A_683 = arith.constant 0 : i32
          %dma_wait3A_684 = arith.constant 0 : i32
          %dma_wait3A_685 = tpu.memref_slice %arg7[%add3A_604, %dma_wait3A_678, %select_n3A_9, %dma_wait3A_683, %dma_wait3A_684] : memref<228x8x8x8x128xf32, #tpu.memory_space<hbm>> -> memref<1x1x1x8x128xf32, #tpu.memory_space<hbm>>
          %dma_wait3A_686 = tpu.memref_squeeze %dma_wait3A_685 : memref<1x1x1x8x128xf32, #tpu.memory_space<hbm>> -> memref<8x128xf32, #tpu.memory_space<hbm>>
          %dma_wait3A_687 = arith.constant 0 : i32
          %dma_wait3A_688 = arith.constant 0 : i32
          %dma_wait3A_689 = tpu.memref_slice %arg7[%add3A_604, %dma_wait3A_678, %select_n3A_9, %dma_wait3A_687, %dma_wait3A_688] : memref<228x8x8x8x128xf32, #tpu.memory_space<hbm>> -> memref<1x1x1x8x128xf32, #tpu.memory_space<hbm>>
          %dma_wait3A_690 = tpu.memref_squeeze %dma_wait3A_689 : memref<1x1x1x8x128xf32, #tpu.memory_space<hbm>> -> memref<8x128xf32, #tpu.memory_space<hbm>>
          %dma_wait3A_691 = arith.constant 32 : i32
          %dma_wait3A_692 = arith.constant 0 : i32
          %dma_wait3A_693 = tpu.memref_slice %arg11[%dma_wait3A_677, %dma_wait3A_691, %dma_wait3A_692] : memref<2x64x129xf32, #tpu.memory_space<vmem>> -> memref<1x8x128xf32, #tpu.memory_space<vmem>>
          %dma_wait3A_694 = tpu.memref_squeeze %dma_wait3A_693 : memref<1x8x128xf32, #tpu.memory_space<vmem>> -> memref<8x128xf32, #tpu.memory_space<vmem>>
          tpu.wait_dma2 semaphore(%arg15 : memref<!tpu.dma_semaphore, #tpu.memory_space<semaphore_mem>>) src(%dma_wait3A_694 : memref<8x128xf32, #tpu.memory_space<vmem>>) dst(%dma_wait3A_690 : memref<8x128xf32, #tpu.memory_space<hbm>>)
          %dma_wait3A_695 = arith.constant 1 : i32
          %dma_wait3A_696 = arith.constant 5 : i32
          %dma_wait3A_697 = arith.constant 40 : i32
          %dma_wait3A_698 = arith.constant 0 : i32
          %dma_wait3A_699 = tpu.memref_slice %arg11[%dma_wait3A_695, %dma_wait3A_697, %dma_wait3A_698] : memref<2x64x129xf32, #tpu.memory_space<vmem>> -> memref<1x8x128xf32, #tpu.memory_space<vmem>>
          %dma_wait3A_700 = tpu.memref_squeeze %dma_wait3A_699 : memref<1x8x128xf32, #tpu.memory_space<vmem>> -> memref<8x128xf32, #tpu.memory_space<vmem>>
          %dma_wait3A_701 = arith.constant 0 : i32
          %dma_wait3A_702 = arith.constant 0 : i32
          %dma_wait3A_703 = tpu.memref_slice %arg7[%add3A_604, %dma_wait3A_696, %select_n3A_9, %dma_wait3A_701, %dma_wait3A_702] : memref<228x8x8x8x128xf32, #tpu.memory_space<hbm>> -> memref<1x1x1x8x128xf32, #tpu.memory_space<hbm>>
          %dma_wait3A_704 = tpu.memref_squeeze %dma_wait3A_703 : memref<1x1x1x8x128xf32, #tpu.memory_space<hbm>> -> memref<8x128xf32, #tpu.memory_space<hbm>>
          %dma_wait3A_705 = arith.constant 0 : i32
          %dma_wait3A_706 = arith.constant 0 : i32
          %dma_wait3A_707 = tpu.memref_slice %arg7[%add3A_604, %dma_wait3A_696, %select_n3A_9, %dma_wait3A_705, %dma_wait3A_706] : memref<228x8x8x8x128xf32, #tpu.memory_space<hbm>> -> memref<1x1x1x8x128xf32, #tpu.memory_space<hbm>>
          %dma_wait3A_708 = tpu.memref_squeeze %dma_wait3A_707 : memref<1x1x1x8x128xf32, #tpu.memory_space<hbm>> -> memref<8x128xf32, #tpu.memory_space<hbm>>
          %dma_wait3A_709 = arith.constant 40 : i32
          %dma_wait3A_710 = arith.constant 0 : i32
          %dma_wait3A_711 = tpu.memref_slice %arg11[%dma_wait3A_695, %dma_wait3A_709, %dma_wait3A_710] : memref<2x64x129xf32, #tpu.memory_space<vmem>> -> memref<1x8x128xf32, #tpu.memory_space<vmem>>
          %dma_wait3A_712 = tpu.memref_squeeze %dma_wait3A_711 : memref<1x8x128xf32, #tpu.memory_space<vmem>> -> memref<8x128xf32, #tpu.memory_space<vmem>>
          tpu.wait_dma2 semaphore(%arg15 : memref<!tpu.dma_semaphore, #tpu.memory_space<semaphore_mem>>) src(%dma_wait3A_712 : memref<8x128xf32, #tpu.memory_space<vmem>>) dst(%dma_wait3A_708 : memref<8x128xf32, #tpu.memory_space<hbm>>)
          %dma_wait3A_713 = arith.constant 1 : i32
          %dma_wait3A_714 = arith.constant 6 : i32
          %dma_wait3A_715 = arith.constant 48 : i32
          %dma_wait3A_716 = arith.constant 0 : i32
          %dma_wait3A_717 = tpu.memref_slice %arg11[%dma_wait3A_713, %dma_wait3A_715, %dma_wait3A_716] : memref<2x64x129xf32, #tpu.memory_space<vmem>> -> memref<1x8x128xf32, #tpu.memory_space<vmem>>
          %dma_wait3A_718 = tpu.memref_squeeze %dma_wait3A_717 : memref<1x8x128xf32, #tpu.memory_space<vmem>> -> memref<8x128xf32, #tpu.memory_space<vmem>>
          %dma_wait3A_719 = arith.constant 0 : i32
          %dma_wait3A_720 = arith.constant 0 : i32
          %dma_wait3A_721 = tpu.memref_slice %arg7[%add3A_604, %dma_wait3A_714, %select_n3A_9, %dma_wait3A_719, %dma_wait3A_720] : memref<228x8x8x8x128xf32, #tpu.memory_space<hbm>> -> memref<1x1x1x8x128xf32, #tpu.memory_space<hbm>>
          %dma_wait3A_722 = tpu.memref_squeeze %dma_wait3A_721 : memref<1x1x1x8x128xf32, #tpu.memory_space<hbm>> -> memref<8x128xf32, #tpu.memory_space<hbm>>
          %dma_wait3A_723 = arith.constant 0 : i32
          %dma_wait3A_724 = arith.constant 0 : i32
          %dma_wait3A_725 = tpu.memref_slice %arg7[%add3A_604, %dma_wait3A_714, %select_n3A_9, %dma_wait3A_723, %dma_wait3A_724] : memref<228x8x8x8x128xf32, #tpu.memory_space<hbm>> -> memref<1x1x1x8x128xf32, #tpu.memory_space<hbm>>
          %dma_wait3A_726 = tpu.memref_squeeze %dma_wait3A_725 : memref<1x1x1x8x128xf32, #tpu.memory_space<hbm>> -> memref<8x128xf32, #tpu.memory_space<hbm>>
          %dma_wait3A_727 = arith.constant 48 : i32
          %dma_wait3A_728 = arith.constant 0 : i32
          %dma_wait3A_729 = tpu.memref_slice %arg11[%dma_wait3A_713, %dma_wait3A_727, %dma_wait3A_728] : memref<2x64x129xf32, #tpu.memory_space<vmem>> -> memref<1x8x128xf32, #tpu.memory_space<vmem>>
          %dma_wait3A_730 = tpu.memref_squeeze %dma_wait3A_729 : memref<1x8x128xf32, #tpu.memory_space<vmem>> -> memref<8x128xf32, #tpu.memory_space<vmem>>
          tpu.wait_dma2 semaphore(%arg15 : memref<!tpu.dma_semaphore, #tpu.memory_space<semaphore_mem>>) src(%dma_wait3A_730 : memref<8x128xf32, #tpu.memory_space<vmem>>) dst(%dma_wait3A_726 : memref<8x128xf32, #tpu.memory_space<hbm>>)
          %dma_wait3A_731 = arith.constant 1 : i32
          %dma_wait3A_732 = arith.constant 7 : i32
          %dma_wait3A_733 = arith.constant 56 : i32
          %dma_wait3A_734 = arith.constant 0 : i32
          %dma_wait3A_735 = tpu.memref_slice %arg11[%dma_wait3A_731, %dma_wait3A_733, %dma_wait3A_734] : memref<2x64x129xf32, #tpu.memory_space<vmem>> -> memref<1x8x128xf32, #tpu.memory_space<vmem>>
          %dma_wait3A_736 = tpu.memref_squeeze %dma_wait3A_735 : memref<1x8x128xf32, #tpu.memory_space<vmem>> -> memref<8x128xf32, #tpu.memory_space<vmem>>
          %dma_wait3A_737 = arith.constant 0 : i32
          %dma_wait3A_738 = arith.constant 0 : i32
          %dma_wait3A_739 = tpu.memref_slice %arg7[%add3A_604, %dma_wait3A_732, %select_n3A_9, %dma_wait3A_737, %dma_wait3A_738] : memref<228x8x8x8x128xf32, #tpu.memory_space<hbm>> -> memref<1x1x1x8x128xf32, #tpu.memory_space<hbm>>
          %dma_wait3A_740 = tpu.memref_squeeze %dma_wait3A_739 : memref<1x1x1x8x128xf32, #tpu.memory_space<hbm>> -> memref<8x128xf32, #tpu.memory_space<hbm>>
          %dma_wait3A_741 = arith.constant 0 : i32
          %dma_wait3A_742 = arith.constant 0 : i32
          %dma_wait3A_743 = tpu.memref_slice %arg7[%add3A_604, %dma_wait3A_732, %select_n3A_9, %dma_wait3A_741, %dma_wait3A_742] : memref<228x8x8x8x128xf32, #tpu.memory_space<hbm>> -> memref<1x1x1x8x128xf32, #tpu.memory_space<hbm>>
          %dma_wait3A_744 = tpu.memref_squeeze %dma_wait3A_743 : memref<1x1x1x8x128xf32, #tpu.memory_space<hbm>> -> memref<8x128xf32, #tpu.memory_space<hbm>>
          %dma_wait3A_745 = arith.constant 56 : i32
          %dma_wait3A_746 = arith.constant 0 : i32
          %dma_wait3A_747 = tpu.memref_slice %arg11[%dma_wait3A_731, %dma_wait3A_745, %dma_wait3A_746] : memref<2x64x129xf32, #tpu.memory_space<vmem>> -> memref<1x8x128xf32, #tpu.memory_space<vmem>>
          %dma_wait3A_748 = tpu.memref_squeeze %dma_wait3A_747 : memref<1x8x128xf32, #tpu.memory_space<vmem>> -> memref<8x128xf32, #tpu.memory_space<vmem>>
          tpu.wait_dma2 semaphore(%arg15 : memref<!tpu.dma_semaphore, #tpu.memory_space<semaphore_mem>>) src(%dma_wait3A_748 : memref<8x128xf32, #tpu.memory_space<vmem>>) dst(%dma_wait3A_744 : memref<8x128xf32, #tpu.memory_space<hbm>>)
        } else {
        }
        %add3A_411 = arith.constant 1 : i32
        %add3A_412 = arith.addi %scan3A_364, %add3A_411 : i32
        %lt3A_413 = arith.constant 57 : i32
        %lt3A_414 = arith.cmpi slt, %add3A_412, %lt3A_413 : i32
        %convert_element_type3A_415 = arith.extui %lt3A_414 : i1 to i32
        %cond3A_416 = arith.constant 0 : i32
        %cond3A_417 = arith.cmpi ne, %convert_element_type3A_415, %cond3A_416 : i32
        scf.if %cond3A_417 {
          %add3A_602 = arith.constant 1 : i32
          %add3A_603 = arith.addi %scan3A_364, %add3A_602 : i32
          %lt3A_604 = arith.constant 3 : i32
          %lt3A_605 = arith.cmpi slt, %select_n3A_30, %lt3A_604 : i32
          %lt3A_606 = arith.constant 29 : i32
          %lt3A_607 = arith.cmpi slt, %add3A_603, %lt3A_606 : i32
          %or3A_608 = arith.ori %lt3A_605, %lt3A_607 : i1
          %convert_element_type3A_609 = arith.extui %or3A_608 : i1 to i32
          %cond3A_610 = arith.constant 0 : i32
          %cond3A_611 = arith.cmpi ne, %convert_element_type3A_609, %cond3A_610 : i32
          scf.if %cond3A_611 {
            %dma_start3A_622 = arith.constant 0 : i32
            %dma_start3A_623 = arith.constant 0 : i32
            %dma_start3A_624 = arith.constant 0 : i32
            %dma_start3A_625 = tpu.memref_slice %arg10[%dma_start3A_622, %dma_start3A_623, %dma_start3A_624] : memref<2x128x64xf32, #tpu.memory_space<vmem>> -> memref<1x128x64xf32, #tpu.memory_space<vmem>>
            %dma_start3A_626 = tpu.memref_squeeze %dma_start3A_625 : memref<1x128x64xf32, #tpu.memory_space<vmem>> -> memref<128x64xf32, #tpu.memory_space<vmem>>
            %dma_start3A_627 = arith.constant 0 : i32
            %dma_start3A_628 = tpu.memref_slice %arg8[%add3A_603, %dma_start3A_627] : memref<57x128xi32, #tpu.memory_space<vmem>> -> memref<1x128xi32, #tpu.memory_space<vmem>>
            %dma_start3A_629 = tpu.memref_squeeze %dma_start3A_628 : memref<1x128xi32, #tpu.memory_space<vmem>> -> memref<128xi32, #tpu.memory_space<vmem>>
            %dma_start3A_630 = arith.constant 0 : i32
            %dma_start3A_631 = arith.constant 0 : i32
            %dma_start3A_632 = tpu.memref_slice %arg4[%dma_start3A_630, %dma_start3A_631] : memref<100000x64xf32, #tpu.memory_space<hbm>> -> memref<100000x64xf32, #tpu.memory_space<hbm>>
            tpu.enqueue_indirect_dma source(%dma_start3A_632 : memref<100000x64xf32, #tpu.memory_space<hbm>>) target(%dma_start3A_626 : memref<128x64xf32, #tpu.memory_space<vmem>>) offsets(%dma_start3A_629 : memref<128xi32, #tpu.memory_space<vmem>>) semaphore(%arg12 : memref<!tpu.dma_semaphore, #tpu.memory_space<semaphore_mem>>)
          } else {
          }
          %eq3A_612 = arith.constant 3 : i32
          %eq3A_613 = arith.cmpi eq, %select_n3A_30, %eq3A_612 : i32
          %ge3A_614 = arith.constant 30 : i32
          %ge3A_615 = arith.cmpi sge, %add3A_603, %ge3A_614 : i32
          %and3A_616 = arith.andi %eq3A_613, %ge3A_615 : i1
          %le3A = arith.constant 55 : i32
          %le3A_617 = arith.cmpi sle, %add3A_603, %le3A : i32
          %and3A_618 = arith.andi %and3A_616, %le3A_617 : i1
          %convert_element_type3A_619 = arith.extui %and3A_618 : i1 to i32
          %cond3A_620 = arith.constant 0 : i32
          %cond3A_621 = arith.cmpi ne, %convert_element_type3A_619, %cond3A_620 : i32
          scf.if %cond3A_621 {
            %dma_start3A_622 = arith.constant 0 : i32
            %dma_start3A_623 = arith.constant 0 : i32
            %dma_start3A_624 = arith.constant 0 : i32
            %dma_start3A_625 = tpu.memref_slice %arg10[%dma_start3A_622, %dma_start3A_623, %dma_start3A_624] : memref<2x128x64xf32, #tpu.memory_space<vmem>> -> memref<1x128x64xf32, #tpu.memory_space<vmem>>
            %dma_start3A_626 = tpu.memref_squeeze %dma_start3A_625 : memref<1x128x64xf32, #tpu.memory_space<vmem>> -> memref<128x64xf32, #tpu.memory_space<vmem>>
            %dma_start3A_627 = arith.constant 0 : i32
            %dma_start3A_628 = tpu.memref_slice %arg8[%add3A_603, %dma_start3A_627] : memref<57x128xi32, #tpu.memory_space<vmem>> -> memref<1x128xi32, #tpu.memory_space<vmem>>
            %dma_start3A_629 = tpu.memref_squeeze %dma_start3A_628 : memref<1x128xi32, #tpu.memory_space<vmem>> -> memref<128xi32, #tpu.memory_space<vmem>>
            %dma_start3A_630 = arith.constant 0 : i32
            %dma_start3A_631 = arith.constant 0 : i32
            %dma_start3A_632 = tpu.memref_slice %arg5[%dma_start3A_630, %dma_start3A_631] : memref<1000x64xf32, #tpu.memory_space<hbm>> -> memref<1000x64xf32, #tpu.memory_space<hbm>>
            tpu.enqueue_indirect_dma source(%dma_start3A_632 : memref<1000x64xf32, #tpu.memory_space<hbm>>) target(%dma_start3A_626 : memref<128x64xf32, #tpu.memory_space<vmem>>) offsets(%dma_start3A_629 : memref<128xi32, #tpu.memory_space<vmem>>) semaphore(%arg12 : memref<!tpu.dma_semaphore, #tpu.memory_space<semaphore_mem>>)
          } else {
          }
        } else {
        }
        %eq3A_418 = arith.constant 3 : i32
        %eq3A_419 = arith.cmpi eq, %select_n3A_30, %eq3A_418 : i32
        %eq3A_420 = arith.constant 29 : i32
        %eq3A_421 = arith.cmpi eq, %scan3A_364, %eq3A_420 : i32
        %eq3A_422 = arith.constant 56 : i32
        %eq3A_423 = arith.cmpi eq, %scan3A_364, %eq3A_422 : i32
        %or3A_424 = arith.ori %eq3A_421, %eq3A_423 : i1
        %and3A_425 = arith.andi %eq3A_419, %or3A_424 : i1
        %not3A = arith.constant true
        %not3A_426 = arith.xori %and3A_425, %not3A : i1
        %convert_element_type3A_427 = arith.extui %not3A_426 : i1 to i32
        %cond3A_428 = arith.constant 0 : i32
        %cond3A_429 = arith.cmpi ne, %convert_element_type3A_427, %cond3A_428 : i32
        scf.if %cond3A_429 {
          %dma_wait3A_602 = arith.constant 1 : i32
          %dma_wait3A_603 = arith.constant 0 : i32
          %dma_wait3A_604 = arith.constant 0 : i32
          %dma_wait3A_605 = tpu.memref_slice %arg10[%dma_wait3A_602, %dma_wait3A_603, %dma_wait3A_604] : memref<2x128x64xf32, #tpu.memory_space<vmem>> -> memref<1x128x64xf32, #tpu.memory_space<vmem>>
          %dma_wait3A_606 = tpu.memref_squeeze %dma_wait3A_605 : memref<1x128x64xf32, #tpu.memory_space<vmem>> -> memref<128x64xf32, #tpu.memory_space<vmem>>
          %dma_wait3A_607 = arith.constant 0 : i32
          %dma_wait3A_608 = tpu.memref_slice %arg8[%scan3A_364, %dma_wait3A_607] : memref<57x128xi32, #tpu.memory_space<vmem>> -> memref<1x128xi32, #tpu.memory_space<vmem>>
          %dma_wait3A_609 = tpu.memref_squeeze %dma_wait3A_608 : memref<1x128xi32, #tpu.memory_space<vmem>> -> memref<128xi32, #tpu.memory_space<vmem>>
          %dma_wait3A_610 = arith.constant 0 : i32
          %dma_wait3A_611 = arith.constant 0 : i32
          %dma_wait3A_612 = tpu.memref_slice %arg4[%dma_wait3A_610, %dma_wait3A_611] : memref<100000x64xf32, #tpu.memory_space<hbm>> -> memref<100000x64xf32, #tpu.memory_space<hbm>>
          tpu.wait_indirect_dma semaphore(%arg13 : memref<!tpu.dma_semaphore, #tpu.memory_space<semaphore_mem>>) src(%dma_wait3A_612 : memref<100000x64xf32, #tpu.memory_space<hbm>>) dst(%dma_wait3A_606 : memref<128x64xf32, #tpu.memory_space<vmem>>)
        } else {
        }
        %add3A_430 = arith.addi %mul3A_32, %scan3A_364 : i32
        %get3A = arith.index_cast %add3A_430 : i32 to index
        %get3A_431 = arith.constant 0 : index
        %get3A_432 = tpu.vector_load %arg9[%get3A, %get3A_431] {strides = array<i32>} : memref<228x64xf32, #tpu.memory_space<vmem>>, vector<16xf32>,
        %get3A_433 = arith.index_cast %add3A_430 : i32 to index
        %get3A_434 = arith.constant 16 : index
        %get3A_435 = tpu.vector_load %arg9[%get3A_433, %get3A_434] {strides = array<i32>} : memref<228x64xf32, #tpu.memory_space<vmem>>, vector<16xf32>,
        %get3A_436 = arith.index_cast %add3A_430 : i32 to index
        %get3A_437 = arith.constant 32 : index
        %get3A_438 = tpu.vector_load %arg9[%get3A_436, %get3A_437] {strides = array<i32>} : memref<228x64xf32, #tpu.memory_space<vmem>>, vector<16xf32>,
        %get3A_439 = arith.index_cast %add3A_430 : i32 to index
        %get3A_440 = arith.constant 48 : index
        %get3A_441 = tpu.vector_load %arg9[%get3A_439, %get3A_440] {strides = array<i32>} : memref<228x64xf32, #tpu.memory_space<vmem>>, vector<16xf32>,
        %eq3A_442 = arith.constant 3 : i32
        %eq3A_443 = arith.cmpi eq, %select_n3A_30, %eq3A_442 : i32
        %eq3A_444 = arith.constant 29 : i32
        %eq3A_445 = arith.cmpi eq, %scan3A_364, %eq3A_444 : i32
        %eq3A_446 = arith.constant 56 : i32
        %eq3A_447 = arith.cmpi eq, %scan3A_364, %eq3A_446 : i32
        %or3A_448 = arith.ori %eq3A_445, %eq3A_447 : i1
        %and3A_449 = arith.andi %eq3A_443, %or3A_448 : i1
        %convert_element_type3A_450 = arith.extui %and3A_449 : i1 to i32
        %cond3A_451 = arith.constant 0 : i32
        %cond3A_452 = arith.cmpi ne, %convert_element_type3A_450, %cond3A_451 : i32
        scf.if %cond3A_452 {
          %parallel_loop3A = arith.constant 0 : i32
          %parallel_loop3A_602 = arith.constant 128 : i32
          %parallel_loop3A_603 = arith.constant 1 : i32
          scf.for %parallel_loop3A_604 = %parallel_loop3A to %parallel_loop3A_602 step %parallel_loop3A_603  : i32 {
            %parallel_loop3A_605 = vector.broadcast %parallel_loop3A_604 : i32 to vector<16xi32>
            %parallel_loop3A_606 = arith.constant 1 : i32
            %parallel_loop3A_607 = arith.constant 0 : i32
            %parallel_loop3A_608 = arith.constant 0 : i32
            %parallel_loop3A_609 = tpu.memref_slice %arg11[%parallel_loop3A_606, %parallel_loop3A_607, %parallel_loop3A_608] : memref<2x64x129xf32, #tpu.memory_space<vmem>> -> memref<1x64x129xf32, #tpu.memory_space<vmem>>
            %parallel_loop3A_610 = tpu.memref_squeeze %parallel_loop3A_609 : memref<1x64x129xf32, #tpu.memory_space<vmem>> -> memref<64x129xf32, #tpu.memory_space<vmem>>
            tpu.vector_store_idx %parallel_loop3A_610[%add3A_43, %parallel_loop3A_605], %get3A_432 : memref<64x129xf32, #tpu.memory_space<vmem>>[vector<16xi32>, vector<16xi32>], vector<16xf32>,
            %parallel_loop3A_611 = arith.constant 1 : i32
            %parallel_loop3A_612 = arith.constant 0 : i32
            %parallel_loop3A_613 = arith.constant 0 : i32
            %parallel_loop3A_614 = tpu.memref_slice %arg11[%parallel_loop3A_611, %parallel_loop3A_612, %parallel_loop3A_613] : memref<2x64x129xf32, #tpu.memory_space<vmem>> -> memref<1x64x129xf32, #tpu.memory_space<vmem>>
            %parallel_loop3A_615 = tpu.memref_squeeze %parallel_loop3A_614 : memref<1x64x129xf32, #tpu.memory_space<vmem>> -> memref<64x129xf32, #tpu.memory_space<vmem>>
            tpu.vector_store_idx %parallel_loop3A_615[%add3A_46, %parallel_loop3A_605], %get3A_435 : memref<64x129xf32, #tpu.memory_space<vmem>>[vector<16xi32>, vector<16xi32>], vector<16xf32>,
            %parallel_loop3A_616 = arith.constant 1 : i32
            %parallel_loop3A_617 = arith.constant 0 : i32
            %parallel_loop3A_618 = arith.constant 0 : i32
            %parallel_loop3A_619 = tpu.memref_slice %arg11[%parallel_loop3A_616, %parallel_loop3A_617, %parallel_loop3A_618] : memref<2x64x129xf32, #tpu.memory_space<vmem>> -> memref<1x64x129xf32, #tpu.memory_space<vmem>>
            %parallel_loop3A_620 = tpu.memref_squeeze %parallel_loop3A_619 : memref<1x64x129xf32, #tpu.memory_space<vmem>> -> memref<64x129xf32, #tpu.memory_space<vmem>>
            tpu.vector_store_idx %parallel_loop3A_620[%add3A_49, %parallel_loop3A_605], %get3A_438 : memref<64x129xf32, #tpu.memory_space<vmem>>[vector<16xi32>, vector<16xi32>], vector<16xf32>,
            %parallel_loop3A_621 = arith.constant 1 : i32
            %parallel_loop3A_622 = arith.constant 0 : i32
            %parallel_loop3A_623 = arith.constant 0 : i32
            %parallel_loop3A_624 = tpu.memref_slice %arg11[%parallel_loop3A_621, %parallel_loop3A_622, %parallel_loop3A_623] : memref<2x64x129xf32, #tpu.memory_space<vmem>> -> memref<1x64x129xf32, #tpu.memory_space<vmem>>
            %parallel_loop3A_625 = tpu.memref_squeeze %parallel_loop3A_624 : memref<1x64x129xf32, #tpu.memory_space<vmem>> -> memref<64x129xf32, #tpu.memory_space<vmem>>
            tpu.vector_store_idx %parallel_loop3A_625[%add3A_52, %parallel_loop3A_605], %get3A_441 : memref<64x129xf32, #tpu.memory_space<vmem>>[vector<16xi32>, vector<16xi32>], vector<16xf32>,
          } {sc.loop_unroll_factor = 2 : i64, sc.parallel_access}
        } else {
        }
        %not3A_453 = arith.constant true
        %not3A_454 = arith.xori %and3A_449, %not3A_453 : i1
        %convert_element_type3A_455 = arith.extui %not3A_454 : i1 to i32
        %cond3A_456 = arith.constant 0 : i32
        %cond3A_457 = arith.cmpi ne, %convert_element_type3A_455, %cond3A_456 : i32
        scf.if %cond3A_457 {
          %parallel_loop3A = arith.constant 0 : i32
          %parallel_loop3A_602 = arith.constant 128 : i32
          %parallel_loop3A_603 = arith.constant 1 : i32
          scf.for %parallel_loop3A_604 = %parallel_loop3A to %parallel_loop3A_602 step %parallel_loop3A_603  : i32 {
            %parallel_loop3A_605 = vector.broadcast %parallel_loop3A_604 : i32 to vector<16xi32>
            %parallel_loop3A_606 = arith.constant 1 : i32
            %parallel_loop3A_607 = arith.index_cast %parallel_loop3A_606 : i32 to index
            %parallel_loop3A_608 = arith.index_cast %parallel_loop3A_604 : i32 to index
            %parallel_loop3A_609 = arith.constant 0 : index
            %parallel_loop3A_610 = tpu.vector_load %arg10[%parallel_loop3A_607, %parallel_loop3A_608, %parallel_loop3A_609] {strides = array<i32>} : memref<2x128x64xf32, #tpu.memory_space<vmem>>, vector<16xf32>,
            %parallel_loop3A_611 = arith.addf %parallel_loop3A_610, %get3A_432 : vector<16xf32>
            %parallel_loop3A_612 = arith.constant 1 : i32
            %parallel_loop3A_613 = arith.constant 0 : i32
            %parallel_loop3A_614 = arith.constant 0 : i32
            %parallel_loop3A_615 = tpu.memref_slice %arg11[%parallel_loop3A_612, %parallel_loop3A_613, %parallel_loop3A_614] : memref<2x64x129xf32, #tpu.memory_space<vmem>> -> memref<1x64x129xf32, #tpu.memory_space<vmem>>
            %parallel_loop3A_616 = tpu.memref_squeeze %parallel_loop3A_615 : memref<1x64x129xf32, #tpu.memory_space<vmem>> -> memref<64x129xf32, #tpu.memory_space<vmem>>
            tpu.vector_store_idx %parallel_loop3A_616[%add3A_43, %parallel_loop3A_605], %parallel_loop3A_611 : memref<64x129xf32, #tpu.memory_space<vmem>>[vector<16xi32>, vector<16xi32>], vector<16xf32>,
            %parallel_loop3A_617 = arith.constant 1 : i32
            %parallel_loop3A_618 = arith.index_cast %parallel_loop3A_617 : i32 to index
            %parallel_loop3A_619 = arith.index_cast %parallel_loop3A_604 : i32 to index
            %parallel_loop3A_620 = arith.constant 16 : index
            %parallel_loop3A_621 = tpu.vector_load %arg10[%parallel_loop3A_618, %parallel_loop3A_619, %parallel_loop3A_620] {strides = array<i32>} : memref<2x128x64xf32, #tpu.memory_space<vmem>>, vector<16xf32>,
            %parallel_loop3A_622 = arith.addf %parallel_loop3A_621, %get3A_435 : vector<16xf32>
            %parallel_loop3A_623 = arith.constant 1 : i32
            %parallel_loop3A_624 = arith.constant 0 : i32
            %parallel_loop3A_625 = arith.constant 0 : i32
            %parallel_loop3A_626 = tpu.memref_slice %arg11[%parallel_loop3A_623, %parallel_loop3A_624, %parallel_loop3A_625] : memref<2x64x129xf32, #tpu.memory_space<vmem>> -> memref<1x64x129xf32, #tpu.memory_space<vmem>>
            %parallel_loop3A_627 = tpu.memref_squeeze %parallel_loop3A_626 : memref<1x64x129xf32, #tpu.memory_space<vmem>> -> memref<64x129xf32, #tpu.memory_space<vmem>>
            tpu.vector_store_idx %parallel_loop3A_627[%add3A_46, %parallel_loop3A_605], %parallel_loop3A_622 : memref<64x129xf32, #tpu.memory_space<vmem>>[vector<16xi32>, vector<16xi32>], vector<16xf32>,
            %parallel_loop3A_628 = arith.constant 1 : i32
            %parallel_loop3A_629 = arith.index_cast %parallel_loop3A_628 : i32 to index
            %parallel_loop3A_630 = arith.index_cast %parallel_loop3A_604 : i32 to index
            %parallel_loop3A_631 = arith.constant 32 : index
            %parallel_loop3A_632 = tpu.vector_load %arg10[%parallel_loop3A_629, %parallel_loop3A_630, %parallel_loop3A_631] {strides = array<i32>} : memref<2x128x64xf32, #tpu.memory_space<vmem>>, vector<16xf32>,
            %parallel_loop3A_633 = arith.addf %parallel_loop3A_632, %get3A_438 : vector<16xf32>
            %parallel_loop3A_634 = arith.constant 1 : i32
            %parallel_loop3A_635 = arith.constant 0 : i32
            %parallel_loop3A_636 = arith.constant 0 : i32
            %parallel_loop3A_637 = tpu.memref_slice %arg11[%parallel_loop3A_634, %parallel_loop3A_635, %parallel_loop3A_636] : memref<2x64x129xf32, #tpu.memory_space<vmem>> -> memref<1x64x129xf32, #tpu.memory_space<vmem>>
            %parallel_loop3A_638 = tpu.memref_squeeze %parallel_loop3A_637 : memref<1x64x129xf32, #tpu.memory_space<vmem>> -> memref<64x129xf32, #tpu.memory_space<vmem>>
            tpu.vector_store_idx %parallel_loop3A_638[%add3A_49, %parallel_loop3A_605], %parallel_loop3A_633 : memref<64x129xf32, #tpu.memory_space<vmem>>[vector<16xi32>, vector<16xi32>], vector<16xf32>,
            %parallel_loop3A_639 = arith.constant 1 : i32
            %parallel_loop3A_640 = arith.index_cast %parallel_loop3A_639 : i32 to index
            %parallel_loop3A_641 = arith.index_cast %parallel_loop3A_604 : i32 to index
            %parallel_loop3A_642 = arith.constant 48 : index
            %parallel_loop3A_643 = tpu.vector_load %arg10[%parallel_loop3A_640, %parallel_loop3A_641, %parallel_loop3A_642] {strides = array<i32>} : memref<2x128x64xf32, #tpu.memory_space<vmem>>, vector<16xf32>,
            %parallel_loop3A_644 = arith.addf %parallel_loop3A_643, %get3A_441 : vector<16xf32>
            %parallel_loop3A_645 = arith.constant 1 : i32
            %parallel_loop3A_646 = arith.constant 0 : i32
            %parallel_loop3A_647 = arith.constant 0 : i32
            %parallel_loop3A_648 = tpu.memref_slice %arg11[%parallel_loop3A_645, %parallel_loop3A_646, %parallel_loop3A_647] : memref<2x64x129xf32, #tpu.memory_space<vmem>> -> memref<1x64x129xf32, #tpu.memory_space<vmem>>
            %parallel_loop3A_649 = tpu.memref_squeeze %parallel_loop3A_648 : memref<1x64x129xf32, #tpu.memory_space<vmem>> -> memref<64x129xf32, #tpu.memory_space<vmem>>
            tpu.vector_store_idx %parallel_loop3A_649[%add3A_52, %parallel_loop3A_605], %parallel_loop3A_644 : memref<64x129xf32, #tpu.memory_space<vmem>>[vector<16xi32>, vector<16xi32>], vector<16xf32>,
          } {sc.loop_unroll_factor = 2 : i64, sc.parallel_access}
        } else {
        }
        %add3A_458 = arith.addi %mul3A_32, %scan3A_364 : i32
        %dma_start3A = arith.constant 1 : i32
        %dma_start3A_459 = arith.constant 0 : i32
        %dma_start3A_460 = arith.constant 0 : i32
        %dma_start3A_461 = arith.constant 0 : i32
        %dma_start3A_462 = tpu.memref_slice %arg11[%dma_start3A, %dma_start3A_460, %dma_start3A_461] : memref<2x64x129xf32, #tpu.memory_space<vmem>> -> memref<1x8x128xf32, #tpu.memory_space<vmem>>
        %dma_start3A_463 = tpu.memref_squeeze %dma_start3A_462 : memref<1x8x128xf32, #tpu.memory_space<vmem>> -> memref<8x128xf32, #tpu.memory_space<vmem>>
        %dma_start3A_464 = arith.constant 0 : i32
        %dma_start3A_465 = arith.constant 0 : i32
        %dma_start3A_466 = tpu.memref_slice %arg7[%add3A_458, %dma_start3A_459, %select_n3A_9, %dma_start3A_464, %dma_start3A_465] : memref<228x8x8x8x128xf32, #tpu.memory_space<hbm>> -> memref<1x1x1x8x128xf32, #tpu.memory_space<hbm>>
        %dma_start3A_467 = tpu.memref_squeeze %dma_start3A_466 : memref<1x1x1x8x128xf32, #tpu.memory_space<hbm>> -> memref<8x128xf32, #tpu.memory_space<hbm>>
        %dma_start3A_468 = arith.constant 0 : i32
        %dma_start3A_469 = arith.constant 0 : i32
        %dma_start3A_470 = tpu.memref_slice %arg7[%add3A_458, %dma_start3A_459, %select_n3A_9, %dma_start3A_468, %dma_start3A_469] : memref<228x8x8x8x128xf32, #tpu.memory_space<hbm>> -> memref<1x1x1x8x128xf32, #tpu.memory_space<hbm>>
        %dma_start3A_471 = tpu.memref_squeeze %dma_start3A_470 : memref<1x1x1x8x128xf32, #tpu.memory_space<hbm>> -> memref<8x128xf32, #tpu.memory_space<hbm>>
        %dma_start3A_472 = arith.constant 0 : i32
        %dma_start3A_473 = arith.constant 0 : i32
        %dma_start3A_474 = tpu.memref_slice %arg11[%dma_start3A, %dma_start3A_472, %dma_start3A_473] : memref<2x64x129xf32, #tpu.memory_space<vmem>> -> memref<1x8x128xf32, #tpu.memory_space<vmem>>
        %dma_start3A_475 = tpu.memref_squeeze %dma_start3A_474 : memref<1x8x128xf32, #tpu.memory_space<vmem>> -> memref<8x128xf32, #tpu.memory_space<vmem>>
        tpu.enqueue_dma source(%dma_start3A_475 : memref<8x128xf32, #tpu.memory_space<vmem>>) target(%dma_start3A_471 : memref<8x128xf32, #tpu.memory_space<hbm>>) target_semaphore(%arg15 : memref<!tpu.dma_semaphore, #tpu.memory_space<semaphore_mem>>)
        %dma_start3A_476 = arith.constant 1 : i32
        %dma_start3A_477 = arith.constant 1 : i32
        %dma_start3A_478 = arith.constant 8 : i32
        %dma_start3A_479 = arith.constant 0 : i32
        %dma_start3A_480 = tpu.memref_slice %arg11[%dma_start3A_476, %dma_start3A_478, %dma_start3A_479] : memref<2x64x129xf32, #tpu.memory_space<vmem>> -> memref<1x8x128xf32, #tpu.memory_space<vmem>>
        %dma_start3A_481 = tpu.memref_squeeze %dma_start3A_480 : memref<1x8x128xf32, #tpu.memory_space<vmem>> -> memref<8x128xf32, #tpu.memory_space<vmem>>
        %dma_start3A_482 = arith.constant 0 : i32
        %dma_start3A_483 = arith.constant 0 : i32
        %dma_start3A_484 = tpu.memref_slice %arg7[%add3A_458, %dma_start3A_477, %select_n3A_9, %dma_start3A_482, %dma_start3A_483] : memref<228x8x8x8x128xf32, #tpu.memory_space<hbm>> -> memref<1x1x1x8x128xf32, #tpu.memory_space<hbm>>
        %dma_start3A_485 = tpu.memref_squeeze %dma_start3A_484 : memref<1x1x1x8x128xf32, #tpu.memory_space<hbm>> -> memref<8x128xf32, #tpu.memory_space<hbm>>
        %dma_start3A_486 = arith.constant 0 : i32
        %dma_start3A_487 = arith.constant 0 : i32
        %dma_start3A_488 = tpu.memref_slice %arg7[%add3A_458, %dma_start3A_477, %select_n3A_9, %dma_start3A_486, %dma_start3A_487] : memref<228x8x8x8x128xf32, #tpu.memory_space<hbm>> -> memref<1x1x1x8x128xf32, #tpu.memory_space<hbm>>
        %dma_start3A_489 = tpu.memref_squeeze %dma_start3A_488 : memref<1x1x1x8x128xf32, #tpu.memory_space<hbm>> -> memref<8x128xf32, #tpu.memory_space<hbm>>
        %dma_start3A_490 = arith.constant 8 : i32
        %dma_start3A_491 = arith.constant 0 : i32
        %dma_start3A_492 = tpu.memref_slice %arg11[%dma_start3A_476, %dma_start3A_490, %dma_start3A_491] : memref<2x64x129xf32, #tpu.memory_space<vmem>> -> memref<1x8x128xf32, #tpu.memory_space<vmem>>
        %dma_start3A_493 = tpu.memref_squeeze %dma_start3A_492 : memref<1x8x128xf32, #tpu.memory_space<vmem>> -> memref<8x128xf32, #tpu.memory_space<vmem>>
        tpu.enqueue_dma source(%dma_start3A_493 : memref<8x128xf32, #tpu.memory_space<vmem>>) target(%dma_start3A_489 : memref<8x128xf32, #tpu.memory_space<hbm>>) target_semaphore(%arg15 : memref<!tpu.dma_semaphore, #tpu.memory_space<semaphore_mem>>)
        %dma_start3A_494 = arith.constant 1 : i32
        %dma_start3A_495 = arith.constant 2 : i32
        %dma_start3A_496 = arith.constant 16 : i32
        %dma_start3A_497 = arith.constant 0 : i32
        %dma_start3A_498 = tpu.memref_slice %arg11[%dma_start3A_494, %dma_start3A_496, %dma_start3A_497] : memref<2x64x129xf32, #tpu.memory_space<vmem>> -> memref<1x8x128xf32, #tpu.memory_space<vmem>>
        %dma_start3A_499 = tpu.memref_squeeze %dma_start3A_498 : memref<1x8x128xf32, #tpu.memory_space<vmem>> -> memref<8x128xf32, #tpu.memory_space<vmem>>
        %dma_start3A_500 = arith.constant 0 : i32
        %dma_start3A_501 = arith.constant 0 : i32
        %dma_start3A_502 = tpu.memref_slice %arg7[%add3A_458, %dma_start3A_495, %select_n3A_9, %dma_start3A_500, %dma_start3A_501] : memref<228x8x8x8x128xf32, #tpu.memory_space<hbm>> -> memref<1x1x1x8x128xf32, #tpu.memory_space<hbm>>
        %dma_start3A_503 = tpu.memref_squeeze %dma_start3A_502 : memref<1x1x1x8x128xf32, #tpu.memory_space<hbm>> -> memref<8x128xf32, #tpu.memory_space<hbm>>
        %dma_start3A_504 = arith.constant 0 : i32
        %dma_start3A_505 = arith.constant 0 : i32
        %dma_start3A_506 = tpu.memref_slice %arg7[%add3A_458, %dma_start3A_495, %select_n3A_9, %dma_start3A_504, %dma_start3A_505] : memref<228x8x8x8x128xf32, #tpu.memory_space<hbm>> -> memref<1x1x1x8x128xf32, #tpu.memory_space<hbm>>
        %dma_start3A_507 = tpu.memref_squeeze %dma_start3A_506 : memref<1x1x1x8x128xf32, #tpu.memory_space<hbm>> -> memref<8x128xf32, #tpu.memory_space<hbm>>
        %dma_start3A_508 = arith.constant 16 : i32
        %dma_start3A_509 = arith.constant 0 : i32
        %dma_start3A_510 = tpu.memref_slice %arg11[%dma_start3A_494, %dma_start3A_508, %dma_start3A_509] : memref<2x64x129xf32, #tpu.memory_space<vmem>> -> memref<1x8x128xf32, #tpu.memory_space<vmem>>
        %dma_start3A_511 = tpu.memref_squeeze %dma_start3A_510 : memref<1x8x128xf32, #tpu.memory_space<vmem>> -> memref<8x128xf32, #tpu.memory_space<vmem>>
        tpu.enqueue_dma source(%dma_start3A_511 : memref<8x128xf32, #tpu.memory_space<vmem>>) target(%dma_start3A_507 : memref<8x128xf32, #tpu.memory_space<hbm>>) target_semaphore(%arg15 : memref<!tpu.dma_semaphore, #tpu.memory_space<semaphore_mem>>)
        %dma_start3A_512 = arith.constant 1 : i32
        %dma_start3A_513 = arith.constant 3 : i32
        %dma_start3A_514 = arith.constant 24 : i32
        %dma_start3A_515 = arith.constant 0 : i32
        %dma_start3A_516 = tpu.memref_slice %arg11[%dma_start3A_512, %dma_start3A_514, %dma_start3A_515] : memref<2x64x129xf32, #tpu.memory_space<vmem>> -> memref<1x8x128xf32, #tpu.memory_space<vmem>>
        %dma_start3A_517 = tpu.memref_squeeze %dma_start3A_516 : memref<1x8x128xf32, #tpu.memory_space<vmem>> -> memref<8x128xf32, #tpu.memory_space<vmem>>
        %dma_start3A_518 = arith.constant 0 : i32
        %dma_start3A_519 = arith.constant 0 : i32
        %dma_start3A_520 = tpu.memref_slice %arg7[%add3A_458, %dma_start3A_513, %select_n3A_9, %dma_start3A_518, %dma_start3A_519] : memref<228x8x8x8x128xf32, #tpu.memory_space<hbm>> -> memref<1x1x1x8x128xf32, #tpu.memory_space<hbm>>
        %dma_start3A_521 = tpu.memref_squeeze %dma_start3A_520 : memref<1x1x1x8x128xf32, #tpu.memory_space<hbm>> -> memref<8x128xf32, #tpu.memory_space<hbm>>
        %dma_start3A_522 = arith.constant 0 : i32
        %dma_start3A_523 = arith.constant 0 : i32
        %dma_start3A_524 = tpu.memref_slice %arg7[%add3A_458, %dma_start3A_513, %select_n3A_9, %dma_start3A_522, %dma_start3A_523] : memref<228x8x8x8x128xf32, #tpu.memory_space<hbm>> -> memref<1x1x1x8x128xf32, #tpu.memory_space<hbm>>
        %dma_start3A_525 = tpu.memref_squeeze %dma_start3A_524 : memref<1x1x1x8x128xf32, #tpu.memory_space<hbm>> -> memref<8x128xf32, #tpu.memory_space<hbm>>
        %dma_start3A_526 = arith.constant 24 : i32
        %dma_start3A_527 = arith.constant 0 : i32
        %dma_start3A_528 = tpu.memref_slice %arg11[%dma_start3A_512, %dma_start3A_526, %dma_start3A_527] : memref<2x64x129xf32, #tpu.memory_space<vmem>> -> memref<1x8x128xf32, #tpu.memory_space<vmem>>
        %dma_start3A_529 = tpu.memref_squeeze %dma_start3A_528 : memref<1x8x128xf32, #tpu.memory_space<vmem>> -> memref<8x128xf32, #tpu.memory_space<vmem>>
        tpu.enqueue_dma source(%dma_start3A_529 : memref<8x128xf32, #tpu.memory_space<vmem>>) target(%dma_start3A_525 : memref<8x128xf32, #tpu.memory_space<hbm>>) target_semaphore(%arg15 : memref<!tpu.dma_semaphore, #tpu.memory_space<semaphore_mem>>)
        %dma_start3A_530 = arith.constant 1 : i32
        %dma_start3A_531 = arith.constant 4 : i32
        %dma_start3A_532 = arith.constant 32 : i32
        %dma_start3A_533 = arith.constant 0 : i32
        %dma_start3A_534 = tpu.memref_slice %arg11[%dma_start3A_530, %dma_start3A_532, %dma_start3A_533] : memref<2x64x129xf32, #tpu.memory_space<vmem>> -> memref<1x8x128xf32, #tpu.memory_space<vmem>>
        %dma_start3A_535 = tpu.memref_squeeze %dma_start3A_534 : memref<1x8x128xf32, #tpu.memory_space<vmem>> -> memref<8x128xf32, #tpu.memory_space<vmem>>
        %dma_start3A_536 = arith.constant 0 : i32
        %dma_start3A_537 = arith.constant 0 : i32
        %dma_start3A_538 = tpu.memref_slice %arg7[%add3A_458, %dma_start3A_531, %select_n3A_9, %dma_start3A_536, %dma_start3A_537] : memref<228x8x8x8x128xf32, #tpu.memory_space<hbm>> -> memref<1x1x1x8x128xf32, #tpu.memory_space<hbm>>
        %dma_start3A_539 = tpu.memref_squeeze %dma_start3A_538 : memref<1x1x1x8x128xf32, #tpu.memory_space<hbm>> -> memref<8x128xf32, #tpu.memory_space<hbm>>
        %dma_start3A_540 = arith.constant 0 : i32
        %dma_start3A_541 = arith.constant 0 : i32
        %dma_start3A_542 = tpu.memref_slice %arg7[%add3A_458, %dma_start3A_531, %select_n3A_9, %dma_start3A_540, %dma_start3A_541] : memref<228x8x8x8x128xf32, #tpu.memory_space<hbm>> -> memref<1x1x1x8x128xf32, #tpu.memory_space<hbm>>
        %dma_start3A_543 = tpu.memref_squeeze %dma_start3A_542 : memref<1x1x1x8x128xf32, #tpu.memory_space<hbm>> -> memref<8x128xf32, #tpu.memory_space<hbm>>
        %dma_start3A_544 = arith.constant 32 : i32
        %dma_start3A_545 = arith.constant 0 : i32
        %dma_start3A_546 = tpu.memref_slice %arg11[%dma_start3A_530, %dma_start3A_544, %dma_start3A_545] : memref<2x64x129xf32, #tpu.memory_space<vmem>> -> memref<1x8x128xf32, #tpu.memory_space<vmem>>
        %dma_start3A_547 = tpu.memref_squeeze %dma_start3A_546 : memref<1x8x128xf32, #tpu.memory_space<vmem>> -> memref<8x128xf32, #tpu.memory_space<vmem>>
        tpu.enqueue_dma source(%dma_start3A_547 : memref<8x128xf32, #tpu.memory_space<vmem>>) target(%dma_start3A_543 : memref<8x128xf32, #tpu.memory_space<hbm>>) target_semaphore(%arg15 : memref<!tpu.dma_semaphore, #tpu.memory_space<semaphore_mem>>)
        %dma_start3A_548 = arith.constant 1 : i32
        %dma_start3A_549 = arith.constant 5 : i32
        %dma_start3A_550 = arith.constant 40 : i32
        %dma_start3A_551 = arith.constant 0 : i32
        %dma_start3A_552 = tpu.memref_slice %arg11[%dma_start3A_548, %dma_start3A_550, %dma_start3A_551] : memref<2x64x129xf32, #tpu.memory_space<vmem>> -> memref<1x8x128xf32, #tpu.memory_space<vmem>>
        %dma_start3A_553 = tpu.memref_squeeze %dma_start3A_552 : memref<1x8x128xf32, #tpu.memory_space<vmem>> -> memref<8x128xf32, #tpu.memory_space<vmem>>
        %dma_start3A_554 = arith.constant 0 : i32
        %dma_start3A_555 = arith.constant 0 : i32
        %dma_start3A_556 = tpu.memref_slice %arg7[%add3A_458, %dma_start3A_549, %select_n3A_9, %dma_start3A_554, %dma_start3A_555] : memref<228x8x8x8x128xf32, #tpu.memory_space<hbm>> -> memref<1x1x1x8x128xf32, #tpu.memory_space<hbm>>
        %dma_start3A_557 = tpu.memref_squeeze %dma_start3A_556 : memref<1x1x1x8x128xf32, #tpu.memory_space<hbm>> -> memref<8x128xf32, #tpu.memory_space<hbm>>
        %dma_start3A_558 = arith.constant 0 : i32
        %dma_start3A_559 = arith.constant 0 : i32
        %dma_start3A_560 = tpu.memref_slice %arg7[%add3A_458, %dma_start3A_549, %select_n3A_9, %dma_start3A_558, %dma_start3A_559] : memref<228x8x8x8x128xf32, #tpu.memory_space<hbm>> -> memref<1x1x1x8x128xf32, #tpu.memory_space<hbm>>
        %dma_start3A_561 = tpu.memref_squeeze %dma_start3A_560 : memref<1x1x1x8x128xf32, #tpu.memory_space<hbm>> -> memref<8x128xf32, #tpu.memory_space<hbm>>
        %dma_start3A_562 = arith.constant 40 : i32
        %dma_start3A_563 = arith.constant 0 : i32
        %dma_start3A_564 = tpu.memref_slice %arg11[%dma_start3A_548, %dma_start3A_562, %dma_start3A_563] : memref<2x64x129xf32, #tpu.memory_space<vmem>> -> memref<1x8x128xf32, #tpu.memory_space<vmem>>
        %dma_start3A_565 = tpu.memref_squeeze %dma_start3A_564 : memref<1x8x128xf32, #tpu.memory_space<vmem>> -> memref<8x128xf32, #tpu.memory_space<vmem>>
        tpu.enqueue_dma source(%dma_start3A_565 : memref<8x128xf32, #tpu.memory_space<vmem>>) target(%dma_start3A_561 : memref<8x128xf32, #tpu.memory_space<hbm>>) target_semaphore(%arg15 : memref<!tpu.dma_semaphore, #tpu.memory_space<semaphore_mem>>)
        %dma_start3A_566 = arith.constant 1 : i32
        %dma_start3A_567 = arith.constant 6 : i32
        %dma_start3A_568 = arith.constant 48 : i32
        %dma_start3A_569 = arith.constant 0 : i32
        %dma_start3A_570 = tpu.memref_slice %arg11[%dma_start3A_566, %dma_start3A_568, %dma_start3A_569] : memref<2x64x129xf32, #tpu.memory_space<vmem>> -> memref<1x8x128xf32, #tpu.memory_space<vmem>>
        %dma_start3A_571 = tpu.memref_squeeze %dma_start3A_570 : memref<1x8x128xf32, #tpu.memory_space<vmem>> -> memref<8x128xf32, #tpu.memory_space<vmem>>
        %dma_start3A_572 = arith.constant 0 : i32
        %dma_start3A_573 = arith.constant 0 : i32
        %dma_start3A_574 = tpu.memref_slice %arg7[%add3A_458, %dma_start3A_567, %select_n3A_9, %dma_start3A_572, %dma_start3A_573] : memref<228x8x8x8x128xf32, #tpu.memory_space<hbm>> -> memref<1x1x1x8x128xf32, #tpu.memory_space<hbm>>
        %dma_start3A_575 = tpu.memref_squeeze %dma_start3A_574 : memref<1x1x1x8x128xf32, #tpu.memory_space<hbm>> -> memref<8x128xf32, #tpu.memory_space<hbm>>
        %dma_start3A_576 = arith.constant 0 : i32
        %dma_start3A_577 = arith.constant 0 : i32
        %dma_start3A_578 = tpu.memref_slice %arg7[%add3A_458, %dma_start3A_567, %select_n3A_9, %dma_start3A_576, %dma_start3A_577] : memref<228x8x8x8x128xf32, #tpu.memory_space<hbm>> -> memref<1x1x1x8x128xf32, #tpu.memory_space<hbm>>
        %dma_start3A_579 = tpu.memref_squeeze %dma_start3A_578 : memref<1x1x1x8x128xf32, #tpu.memory_space<hbm>> -> memref<8x128xf32, #tpu.memory_space<hbm>>
        %dma_start3A_580 = arith.constant 48 : i32
        %dma_start3A_581 = arith.constant 0 : i32
        %dma_start3A_582 = tpu.memref_slice %arg11[%dma_start3A_566, %dma_start3A_580, %dma_start3A_581] : memref<2x64x129xf32, #tpu.memory_space<vmem>> -> memref<1x8x128xf32, #tpu.memory_space<vmem>>
        %dma_start3A_583 = tpu.memref_squeeze %dma_start3A_582 : memref<1x8x128xf32, #tpu.memory_space<vmem>> -> memref<8x128xf32, #tpu.memory_space<vmem>>
        tpu.enqueue_dma source(%dma_start3A_583 : memref<8x128xf32, #tpu.memory_space<vmem>>) target(%dma_start3A_579 : memref<8x128xf32, #tpu.memory_space<hbm>>) target_semaphore(%arg15 : memref<!tpu.dma_semaphore, #tpu.memory_space<semaphore_mem>>)
        %dma_start3A_584 = arith.constant 1 : i32
        %dma_start3A_585 = arith.constant 7 : i32
        %dma_start3A_586 = arith.constant 56 : i32
        %dma_start3A_587 = arith.constant 0 : i32
        %dma_start3A_588 = tpu.memref_slice %arg11[%dma_start3A_584, %dma_start3A_586, %dma_start3A_587] : memref<2x64x129xf32, #tpu.memory_space<vmem>> -> memref<1x8x128xf32, #tpu.memory_space<vmem>>
        %dma_start3A_589 = tpu.memref_squeeze %dma_start3A_588 : memref<1x8x128xf32, #tpu.memory_space<vmem>> -> memref<8x128xf32, #tpu.memory_space<vmem>>
        %dma_start3A_590 = arith.constant 0 : i32
        %dma_start3A_591 = arith.constant 0 : i32
        %dma_start3A_592 = tpu.memref_slice %arg7[%add3A_458, %dma_start3A_585, %select_n3A_9, %dma_start3A_590, %dma_start3A_591] : memref<228x8x8x8x128xf32, #tpu.memory_space<hbm>> -> memref<1x1x1x8x128xf32, #tpu.memory_space<hbm>>
        %dma_start3A_593 = tpu.memref_squeeze %dma_start3A_592 : memref<1x1x1x8x128xf32, #tpu.memory_space<hbm>> -> memref<8x128xf32, #tpu.memory_space<hbm>>
        %dma_start3A_594 = arith.constant 0 : i32
        %dma_start3A_595 = arith.constant 0 : i32
        %dma_start3A_596 = tpu.memref_slice %arg7[%add3A_458, %dma_start3A_585, %select_n3A_9, %dma_start3A_594, %dma_start3A_595] : memref<228x8x8x8x128xf32, #tpu.memory_space<hbm>> -> memref<1x1x1x8x128xf32, #tpu.memory_space<hbm>>
        %dma_start3A_597 = tpu.memref_squeeze %dma_start3A_596 : memref<1x1x1x8x128xf32, #tpu.memory_space<hbm>> -> memref<8x128xf32, #tpu.memory_space<hbm>>
        %dma_start3A_598 = arith.constant 56 : i32
        %dma_start3A_599 = arith.constant 0 : i32
        %dma_start3A_600 = tpu.memref_slice %arg11[%dma_start3A_584, %dma_start3A_598, %dma_start3A_599] : memref<2x64x129xf32, #tpu.memory_space<vmem>> -> memref<1x8x128xf32, #tpu.memory_space<vmem>>
        %dma_start3A_601 = tpu.memref_squeeze %dma_start3A_600 : memref<1x8x128xf32, #tpu.memory_space<vmem>> -> memref<8x128xf32, #tpu.memory_space<vmem>>
        tpu.enqueue_dma source(%dma_start3A_601 : memref<8x128xf32, #tpu.memory_space<vmem>>) target(%dma_start3A_597 : memref<8x128xf32, #tpu.memory_space<hbm>>) target_semaphore(%arg15 : memref<!tpu.dma_semaphore, #tpu.memory_space<semaphore_mem>>)
      } else {
      }
    }
    %scan3A_72 = arith.constant 57 : i32
    %add3A_73 = arith.constant 55 : i32
    %add3A_74 = arith.addi %mul3A_32, %add3A_73 : i32
    %dma_wait3A = arith.constant 1 : i32
    %dma_wait3A_75 = arith.constant 0 : i32
    %dma_wait3A_76 = arith.constant 0 : i32
    %dma_wait3A_77 = arith.constant 0 : i32
    %dma_wait3A_78 = tpu.memref_slice %arg11[%dma_wait3A, %dma_wait3A_76, %dma_wait3A_77] : memref<2x64x129xf32, #tpu.memory_space<vmem>> -> memref<1x8x128xf32, #tpu.memory_space<vmem>>
    %dma_wait3A_79 = tpu.memref_squeeze %dma_wait3A_78 : memref<1x8x128xf32, #tpu.memory_space<vmem>> -> memref<8x128xf32, #tpu.memory_space<vmem>>
    %dma_wait3A_80 = arith.constant 0 : i32
    %dma_wait3A_81 = arith.constant 0 : i32
    %dma_wait3A_82 = tpu.memref_slice %arg7[%add3A_74, %dma_wait3A_75, %select_n3A_9, %dma_wait3A_80, %dma_wait3A_81] : memref<228x8x8x8x128xf32, #tpu.memory_space<hbm>> -> memref<1x1x1x8x128xf32, #tpu.memory_space<hbm>>
    %dma_wait3A_83 = tpu.memref_squeeze %dma_wait3A_82 : memref<1x1x1x8x128xf32, #tpu.memory_space<hbm>> -> memref<8x128xf32, #tpu.memory_space<hbm>>
    %dma_wait3A_84 = arith.constant 0 : i32
    %dma_wait3A_85 = arith.constant 0 : i32
    %dma_wait3A_86 = tpu.memref_slice %arg7[%add3A_74, %dma_wait3A_75, %select_n3A_9, %dma_wait3A_84, %dma_wait3A_85] : memref<228x8x8x8x128xf32, #tpu.memory_space<hbm>> -> memref<1x1x1x8x128xf32, #tpu.memory_space<hbm>>
    %dma_wait3A_87 = tpu.memref_squeeze %dma_wait3A_86 : memref<1x1x1x8x128xf32, #tpu.memory_space<hbm>> -> memref<8x128xf32, #tpu.memory_space<hbm>>
    %dma_wait3A_88 = arith.constant 0 : i32
    %dma_wait3A_89 = arith.constant 0 : i32
    %dma_wait3A_90 = tpu.memref_slice %arg11[%dma_wait3A, %dma_wait3A_88, %dma_wait3A_89] : memref<2x64x129xf32, #tpu.memory_space<vmem>> -> memref<1x8x128xf32, #tpu.memory_space<vmem>>
    %dma_wait3A_91 = tpu.memref_squeeze %dma_wait3A_90 : memref<1x8x128xf32, #tpu.memory_space<vmem>> -> memref<8x128xf32, #tpu.memory_space<vmem>>
    tpu.wait_dma2 semaphore(%arg15 : memref<!tpu.dma_semaphore, #tpu.memory_space<semaphore_mem>>) src(%dma_wait3A_91 : memref<8x128xf32, #tpu.memory_space<vmem>>) dst(%dma_wait3A_87 : memref<8x128xf32, #tpu.memory_space<hbm>>)
    %dma_wait3A_92 = arith.constant 1 : i32
    %dma_wait3A_93 = arith.constant 1 : i32
    %dma_wait3A_94 = arith.constant 8 : i32
    %dma_wait3A_95 = arith.constant 0 : i32
    %dma_wait3A_96 = tpu.memref_slice %arg11[%dma_wait3A_92, %dma_wait3A_94, %dma_wait3A_95] : memref<2x64x129xf32, #tpu.memory_space<vmem>> -> memref<1x8x128xf32, #tpu.memory_space<vmem>>
    %dma_wait3A_97 = tpu.memref_squeeze %dma_wait3A_96 : memref<1x8x128xf32, #tpu.memory_space<vmem>> -> memref<8x128xf32, #tpu.memory_space<vmem>>
    %dma_wait3A_98 = arith.constant 0 : i32
    %dma_wait3A_99 = arith.constant 0 : i32
    %dma_wait3A_100 = tpu.memref_slice %arg7[%add3A_74, %dma_wait3A_93, %select_n3A_9, %dma_wait3A_98, %dma_wait3A_99] : memref<228x8x8x8x128xf32, #tpu.memory_space<hbm>> -> memref<1x1x1x8x128xf32, #tpu.memory_space<hbm>>
    %dma_wait3A_101 = tpu.memref_squeeze %dma_wait3A_100 : memref<1x1x1x8x128xf32, #tpu.memory_space<hbm>> -> memref<8x128xf32, #tpu.memory_space<hbm>>
    %dma_wait3A_102 = arith.constant 0 : i32
    %dma_wait3A_103 = arith.constant 0 : i32
    %dma_wait3A_104 = tpu.memref_slice %arg7[%add3A_74, %dma_wait3A_93, %select_n3A_9, %dma_wait3A_102, %dma_wait3A_103] : memref<228x8x8x8x128xf32, #tpu.memory_space<hbm>> -> memref<1x1x1x8x128xf32, #tpu.memory_space<hbm>>
    %dma_wait3A_105 = tpu.memref_squeeze %dma_wait3A_104 : memref<1x1x1x8x128xf32, #tpu.memory_space<hbm>> -> memref<8x128xf32, #tpu.memory_space<hbm>>
    %dma_wait3A_106 = arith.constant 8 : i32
    %dma_wait3A_107 = arith.constant 0 : i32
    %dma_wait3A_108 = tpu.memref_slice %arg11[%dma_wait3A_92, %dma_wait3A_106, %dma_wait3A_107] : memref<2x64x129xf32, #tpu.memory_space<vmem>> -> memref<1x8x128xf32, #tpu.memory_space<vmem>>
    %dma_wait3A_109 = tpu.memref_squeeze %dma_wait3A_108 : memref<1x8x128xf32, #tpu.memory_space<vmem>> -> memref<8x128xf32, #tpu.memory_space<vmem>>
    tpu.wait_dma2 semaphore(%arg15 : memref<!tpu.dma_semaphore, #tpu.memory_space<semaphore_mem>>) src(%dma_wait3A_109 : memref<8x128xf32, #tpu.memory_space<vmem>>) dst(%dma_wait3A_105 : memref<8x128xf32, #tpu.memory_space<hbm>>)
    %dma_wait3A_110 = arith.constant 1 : i32
    %dma_wait3A_111 = arith.constant 2 : i32
    %dma_wait3A_112 = arith.constant 16 : i32
    %dma_wait3A_113 = arith.constant 0 : i32
    %dma_wait3A_114 = tpu.memref_slice %arg11[%dma_wait3A_110, %dma_wait3A_112, %dma_wait3A_113] : memref<2x64x129xf32, #tpu.memory_space<vmem>> -> memref<1x8x128xf32, #tpu.memory_space<vmem>>
    %dma_wait3A_115 = tpu.memref_squeeze %dma_wait3A_114 : memref<1x8x128xf32, #tpu.memory_space<vmem>> -> memref<8x128xf32, #tpu.memory_space<vmem>>
    %dma_wait3A_116 = arith.constant 0 : i32
    %dma_wait3A_117 = arith.constant 0 : i32
    %dma_wait3A_118 = tpu.memref_slice %arg7[%add3A_74, %dma_wait3A_111, %select_n3A_9, %dma_wait3A_116, %dma_wait3A_117] : memref<228x8x8x8x128xf32, #tpu.memory_space<hbm>> -> memref<1x1x1x8x128xf32, #tpu.memory_space<hbm>>
    %dma_wait3A_119 = tpu.memref_squeeze %dma_wait3A_118 : memref<1x1x1x8x128xf32, #tpu.memory_space<hbm>> -> memref<8x128xf32, #tpu.memory_space<hbm>>
    %dma_wait3A_120 = arith.constant 0 : i32
    %dma_wait3A_121 = arith.constant 0 : i32
    %dma_wait3A_122 = tpu.memref_slice %arg7[%add3A_74, %dma_wait3A_111, %select_n3A_9, %dma_wait3A_120, %dma_wait3A_121] : memref<228x8x8x8x128xf32, #tpu.memory_space<hbm>> -> memref<1x1x1x8x128xf32, #tpu.memory_space<hbm>>
    %dma_wait3A_123 = tpu.memref_squeeze %dma_wait3A_122 : memref<1x1x1x8x128xf32, #tpu.memory_space<hbm>> -> memref<8x128xf32, #tpu.memory_space<hbm>>
    %dma_wait3A_124 = arith.constant 16 : i32
    %dma_wait3A_125 = arith.constant 0 : i32
    %dma_wait3A_126 = tpu.memref_slice %arg11[%dma_wait3A_110, %dma_wait3A_124, %dma_wait3A_125] : memref<2x64x129xf32, #tpu.memory_space<vmem>> -> memref<1x8x128xf32, #tpu.memory_space<vmem>>
    %dma_wait3A_127 = tpu.memref_squeeze %dma_wait3A_126 : memref<1x8x128xf32, #tpu.memory_space<vmem>> -> memref<8x128xf32, #tpu.memory_space<vmem>>
    tpu.wait_dma2 semaphore(%arg15 : memref<!tpu.dma_semaphore, #tpu.memory_space<semaphore_mem>>) src(%dma_wait3A_127 : memref<8x128xf32, #tpu.memory_space<vmem>>) dst(%dma_wait3A_123 : memref<8x128xf32, #tpu.memory_space<hbm>>)
    %dma_wait3A_128 = arith.constant 1 : i32
    %dma_wait3A_129 = arith.constant 3 : i32
    %dma_wait3A_130 = arith.constant 24 : i32
    %dma_wait3A_131 = arith.constant 0 : i32
    %dma_wait3A_132 = tpu.memref_slice %arg11[%dma_wait3A_128, %dma_wait3A_130, %dma_wait3A_131] : memref<2x64x129xf32, #tpu.memory_space<vmem>> -> memref<1x8x128xf32, #tpu.memory_space<vmem>>
    %dma_wait3A_133 = tpu.memref_squeeze %dma_wait3A_132 : memref<1x8x128xf32, #tpu.memory_space<vmem>> -> memref<8x128xf32, #tpu.memory_space<vmem>>
    %dma_wait3A_134 = arith.constant 0 : i32
    %dma_wait3A_135 = arith.constant 0 : i32
    %dma_wait3A_136 = tpu.memref_slice %arg7[%add3A_74, %dma_wait3A_129, %select_n3A_9, %dma_wait3A_134, %dma_wait3A_135] : memref<228x8x8x8x128xf32, #tpu.memory_space<hbm>> -> memref<1x1x1x8x128xf32, #tpu.memory_space<hbm>>
    %dma_wait3A_137 = tpu.memref_squeeze %dma_wait3A_136 : memref<1x1x1x8x128xf32, #tpu.memory_space<hbm>> -> memref<8x128xf32, #tpu.memory_space<hbm>>
    %dma_wait3A_138 = arith.constant 0 : i32
    %dma_wait3A_139 = arith.constant 0 : i32
    %dma_wait3A_140 = tpu.memref_slice %arg7[%add3A_74, %dma_wait3A_129, %select_n3A_9, %dma_wait3A_138, %dma_wait3A_139] : memref<228x8x8x8x128xf32, #tpu.memory_space<hbm>> -> memref<1x1x1x8x128xf32, #tpu.memory_space<hbm>>
    %dma_wait3A_141 = tpu.memref_squeeze %dma_wait3A_140 : memref<1x1x1x8x128xf32, #tpu.memory_space<hbm>> -> memref<8x128xf32, #tpu.memory_space<hbm>>
    %dma_wait3A_142 = arith.constant 24 : i32
    %dma_wait3A_143 = arith.constant 0 : i32
    %dma_wait3A_144 = tpu.memref_slice %arg11[%dma_wait3A_128, %dma_wait3A_142, %dma_wait3A_143] : memref<2x64x129xf32, #tpu.memory_space<vmem>> -> memref<1x8x128xf32, #tpu.memory_space<vmem>>
    %dma_wait3A_145 = tpu.memref_squeeze %dma_wait3A_144 : memref<1x8x128xf32, #tpu.memory_space<vmem>> -> memref<8x128xf32, #tpu.memory_space<vmem>>
    tpu.wait_dma2 semaphore(%arg15 : memref<!tpu.dma_semaphore, #tpu.memory_space<semaphore_mem>>) src(%dma_wait3A_145 : memref<8x128xf32, #tpu.memory_space<vmem>>) dst(%dma_wait3A_141 : memref<8x128xf32, #tpu.memory_space<hbm>>)
    %dma_wait3A_146 = arith.constant 1 : i32
    %dma_wait3A_147 = arith.constant 4 : i32
    %dma_wait3A_148 = arith.constant 32 : i32
    %dma_wait3A_149 = arith.constant 0 : i32
    %dma_wait3A_150 = tpu.memref_slice %arg11[%dma_wait3A_146, %dma_wait3A_148, %dma_wait3A_149] : memref<2x64x129xf32, #tpu.memory_space<vmem>> -> memref<1x8x128xf32, #tpu.memory_space<vmem>>
    %dma_wait3A_151 = tpu.memref_squeeze %dma_wait3A_150 : memref<1x8x128xf32, #tpu.memory_space<vmem>> -> memref<8x128xf32, #tpu.memory_space<vmem>>
    %dma_wait3A_152 = arith.constant 0 : i32
    %dma_wait3A_153 = arith.constant 0 : i32
    %dma_wait3A_154 = tpu.memref_slice %arg7[%add3A_74, %dma_wait3A_147, %select_n3A_9, %dma_wait3A_152, %dma_wait3A_153] : memref<228x8x8x8x128xf32, #tpu.memory_space<hbm>> -> memref<1x1x1x8x128xf32, #tpu.memory_space<hbm>>
    %dma_wait3A_155 = tpu.memref_squeeze %dma_wait3A_154 : memref<1x1x1x8x128xf32, #tpu.memory_space<hbm>> -> memref<8x128xf32, #tpu.memory_space<hbm>>
    %dma_wait3A_156 = arith.constant 0 : i32
    %dma_wait3A_157 = arith.constant 0 : i32
    %dma_wait3A_158 = tpu.memref_slice %arg7[%add3A_74, %dma_wait3A_147, %select_n3A_9, %dma_wait3A_156, %dma_wait3A_157] : memref<228x8x8x8x128xf32, #tpu.memory_space<hbm>> -> memref<1x1x1x8x128xf32, #tpu.memory_space<hbm>>
    %dma_wait3A_159 = tpu.memref_squeeze %dma_wait3A_158 : memref<1x1x1x8x128xf32, #tpu.memory_space<hbm>> -> memref<8x128xf32, #tpu.memory_space<hbm>>
    %dma_wait3A_160 = arith.constant 32 : i32
    %dma_wait3A_161 = arith.constant 0 : i32
    %dma_wait3A_162 = tpu.memref_slice %arg11[%dma_wait3A_146, %dma_wait3A_160, %dma_wait3A_161] : memref<2x64x129xf32, #tpu.memory_space<vmem>> -> memref<1x8x128xf32, #tpu.memory_space<vmem>>
    %dma_wait3A_163 = tpu.memref_squeeze %dma_wait3A_162 : memref<1x8x128xf32, #tpu.memory_space<vmem>> -> memref<8x128xf32, #tpu.memory_space<vmem>>
    tpu.wait_dma2 semaphore(%arg15 : memref<!tpu.dma_semaphore, #tpu.memory_space<semaphore_mem>>) src(%dma_wait3A_163 : memref<8x128xf32, #tpu.memory_space<vmem>>) dst(%dma_wait3A_159 : memref<8x128xf32, #tpu.memory_space<hbm>>)
    %dma_wait3A_164 = arith.constant 1 : i32
    %dma_wait3A_165 = arith.constant 5 : i32
    %dma_wait3A_166 = arith.constant 40 : i32
    %dma_wait3A_167 = arith.constant 0 : i32
    %dma_wait3A_168 = tpu.memref_slice %arg11[%dma_wait3A_164, %dma_wait3A_166, %dma_wait3A_167] : memref<2x64x129xf32, #tpu.memory_space<vmem>> -> memref<1x8x128xf32, #tpu.memory_space<vmem>>
    %dma_wait3A_169 = tpu.memref_squeeze %dma_wait3A_168 : memref<1x8x128xf32, #tpu.memory_space<vmem>> -> memref<8x128xf32, #tpu.memory_space<vmem>>
    %dma_wait3A_170 = arith.constant 0 : i32
    %dma_wait3A_171 = arith.constant 0 : i32
    %dma_wait3A_172 = tpu.memref_slice %arg7[%add3A_74, %dma_wait3A_165, %select_n3A_9, %dma_wait3A_170, %dma_wait3A_171] : memref<228x8x8x8x128xf32, #tpu.memory_space<hbm>> -> memref<1x1x1x8x128xf32, #tpu.memory_space<hbm>>
    %dma_wait3A_173 = tpu.memref_squeeze %dma_wait3A_172 : memref<1x1x1x8x128xf32, #tpu.memory_space<hbm>> -> memref<8x128xf32, #tpu.memory_space<hbm>>
    %dma_wait3A_174 = arith.constant 0 : i32
    %dma_wait3A_175 = arith.constant 0 : i32
    %dma_wait3A_176 = tpu.memref_slice %arg7[%add3A_74, %dma_wait3A_165, %select_n3A_9, %dma_wait3A_174, %dma_wait3A_175] : memref<228x8x8x8x128xf32, #tpu.memory_space<hbm>> -> memref<1x1x1x8x128xf32, #tpu.memory_space<hbm>>
    %dma_wait3A_177 = tpu.memref_squeeze %dma_wait3A_176 : memref<1x1x1x8x128xf32, #tpu.memory_space<hbm>> -> memref<8x128xf32, #tpu.memory_space<hbm>>
    %dma_wait3A_178 = arith.constant 40 : i32
    %dma_wait3A_179 = arith.constant 0 : i32
    %dma_wait3A_180 = tpu.memref_slice %arg11[%dma_wait3A_164, %dma_wait3A_178, %dma_wait3A_179] : memref<2x64x129xf32, #tpu.memory_space<vmem>> -> memref<1x8x128xf32, #tpu.memory_space<vmem>>
    %dma_wait3A_181 = tpu.memref_squeeze %dma_wait3A_180 : memref<1x8x128xf32, #tpu.memory_space<vmem>> -> memref<8x128xf32, #tpu.memory_space<vmem>>
    tpu.wait_dma2 semaphore(%arg15 : memref<!tpu.dma_semaphore, #tpu.memory_space<semaphore_mem>>) src(%dma_wait3A_181 : memref<8x128xf32, #tpu.memory_space<vmem>>) dst(%dma_wait3A_177 : memref<8x128xf32, #tpu.memory_space<hbm>>)
    %dma_wait3A_182 = arith.constant 1 : i32
    %dma_wait3A_183 = arith.constant 6 : i32
    %dma_wait3A_184 = arith.constant 48 : i32
    %dma_wait3A_185 = arith.constant 0 : i32
    %dma_wait3A_186 = tpu.memref_slice %arg11[%dma_wait3A_182, %dma_wait3A_184, %dma_wait3A_185] : memref<2x64x129xf32, #tpu.memory_space<vmem>> -> memref<1x8x128xf32, #tpu.memory_space<vmem>>
    %dma_wait3A_187 = tpu.memref_squeeze %dma_wait3A_186 : memref<1x8x128xf32, #tpu.memory_space<vmem>> -> memref<8x128xf32, #tpu.memory_space<vmem>>
    %dma_wait3A_188 = arith.constant 0 : i32
    %dma_wait3A_189 = arith.constant 0 : i32
    %dma_wait3A_190 = tpu.memref_slice %arg7[%add3A_74, %dma_wait3A_183, %select_n3A_9, %dma_wait3A_188, %dma_wait3A_189] : memref<228x8x8x8x128xf32, #tpu.memory_space<hbm>> -> memref<1x1x1x8x128xf32, #tpu.memory_space<hbm>>
    %dma_wait3A_191 = tpu.memref_squeeze %dma_wait3A_190 : memref<1x1x1x8x128xf32, #tpu.memory_space<hbm>> -> memref<8x128xf32, #tpu.memory_space<hbm>>
    %dma_wait3A_192 = arith.constant 0 : i32
    %dma_wait3A_193 = arith.constant 0 : i32
    %dma_wait3A_194 = tpu.memref_slice %arg7[%add3A_74, %dma_wait3A_183, %select_n3A_9, %dma_wait3A_192, %dma_wait3A_193] : memref<228x8x8x8x128xf32, #tpu.memory_space<hbm>> -> memref<1x1x1x8x128xf32, #tpu.memory_space<hbm>>
    %dma_wait3A_195 = tpu.memref_squeeze %dma_wait3A_194 : memref<1x1x1x8x128xf32, #tpu.memory_space<hbm>> -> memref<8x128xf32, #tpu.memory_space<hbm>>
    %dma_wait3A_196 = arith.constant 48 : i32
    %dma_wait3A_197 = arith.constant 0 : i32
    %dma_wait3A_198 = tpu.memref_slice %arg11[%dma_wait3A_182, %dma_wait3A_196, %dma_wait3A_197] : memref<2x64x129xf32, #tpu.memory_space<vmem>> -> memref<1x8x128xf32, #tpu.memory_space<vmem>>
    %dma_wait3A_199 = tpu.memref_squeeze %dma_wait3A_198 : memref<1x8x128xf32, #tpu.memory_space<vmem>> -> memref<8x128xf32, #tpu.memory_space<vmem>>
    tpu.wait_dma2 semaphore(%arg15 : memref<!tpu.dma_semaphore, #tpu.memory_space<semaphore_mem>>) src(%dma_wait3A_199 : memref<8x128xf32, #tpu.memory_space<vmem>>) dst(%dma_wait3A_195 : memref<8x128xf32, #tpu.memory_space<hbm>>)
    %dma_wait3A_200 = arith.constant 1 : i32
    %dma_wait3A_201 = arith.constant 7 : i32
    %dma_wait3A_202 = arith.constant 56 : i32
    %dma_wait3A_203 = arith.constant 0 : i32
    %dma_wait3A_204 = tpu.memref_slice %arg11[%dma_wait3A_200, %dma_wait3A_202, %dma_wait3A_203] : memref<2x64x129xf32, #tpu.memory_space<vmem>> -> memref<1x8x128xf32, #tpu.memory_space<vmem>>
    %dma_wait3A_205 = tpu.memref_squeeze %dma_wait3A_204 : memref<1x8x128xf32, #tpu.memory_space<vmem>> -> memref<8x128xf32, #tpu.memory_space<vmem>>
    %dma_wait3A_206 = arith.constant 0 : i32
    %dma_wait3A_207 = arith.constant 0 : i32
    %dma_wait3A_208 = tpu.memref_slice %arg7[%add3A_74, %dma_wait3A_201, %select_n3A_9, %dma_wait3A_206, %dma_wait3A_207] : memref<228x8x8x8x128xf32, #tpu.memory_space<hbm>> -> memref<1x1x1x8x128xf32, #tpu.memory_space<hbm>>
    %dma_wait3A_209 = tpu.memref_squeeze %dma_wait3A_208 : memref<1x1x1x8x128xf32, #tpu.memory_space<hbm>> -> memref<8x128xf32, #tpu.memory_space<hbm>>
    %dma_wait3A_210 = arith.constant 0 : i32
    %dma_wait3A_211 = arith.constant 0 : i32
    %dma_wait3A_212 = tpu.memref_slice %arg7[%add3A_74, %dma_wait3A_201, %select_n3A_9, %dma_wait3A_210, %dma_wait3A_211] : memref<228x8x8x8x128xf32, #tpu.memory_space<hbm>> -> memref<1x1x1x8x128xf32, #tpu.memory_space<hbm>>
    %dma_wait3A_213 = tpu.memref_squeeze %dma_wait3A_212 : memref<1x1x1x8x128xf32, #tpu.memory_space<hbm>> -> memref<8x128xf32, #tpu.memory_space<hbm>>
    %dma_wait3A_214 = arith.constant 56 : i32
    %dma_wait3A_215 = arith.constant 0 : i32
    %dma_wait3A_216 = tpu.memref_slice %arg11[%dma_wait3A_200, %dma_wait3A_214, %dma_wait3A_215] : memref<2x64x129xf32, #tpu.memory_space<vmem>> -> memref<1x8x128xf32, #tpu.memory_space<vmem>>
    %dma_wait3A_217 = tpu.memref_squeeze %dma_wait3A_216 : memref<1x8x128xf32, #tpu.memory_space<vmem>> -> memref<8x128xf32, #tpu.memory_space<vmem>>
    tpu.wait_dma2 semaphore(%arg15 : memref<!tpu.dma_semaphore, #tpu.memory_space<semaphore_mem>>) src(%dma_wait3A_217 : memref<8x128xf32, #tpu.memory_space<vmem>>) dst(%dma_wait3A_213 : memref<8x128xf32, #tpu.memory_space<hbm>>)
    %add3A_218 = arith.constant 56 : i32
    %add3A_219 = arith.addi %mul3A_32, %add3A_218 : i32
    %dma_wait3A_220 = arith.constant 0 : i32
    %dma_wait3A_221 = arith.constant 0 : i32
    %dma_wait3A_222 = arith.constant 0 : i32
    %dma_wait3A_223 = arith.constant 0 : i32
    %dma_wait3A_224 = tpu.memref_slice %arg11[%dma_wait3A_220, %dma_wait3A_222, %dma_wait3A_223] : memref<2x64x129xf32, #tpu.memory_space<vmem>> -> memref<1x8x128xf32, #tpu.memory_space<vmem>>
    %dma_wait3A_225 = tpu.memref_squeeze %dma_wait3A_224 : memref<1x8x128xf32, #tpu.memory_space<vmem>> -> memref<8x128xf32, #tpu.memory_space<vmem>>
    %dma_wait3A_226 = arith.constant 0 : i32
    %dma_wait3A_227 = arith.constant 0 : i32
    %dma_wait3A_228 = tpu.memref_slice %arg7[%add3A_219, %dma_wait3A_221, %select_n3A_9, %dma_wait3A_226, %dma_wait3A_227] : memref<228x8x8x8x128xf32, #tpu.memory_space<hbm>> -> memref<1x1x1x8x128xf32, #tpu.memory_space<hbm>>
    %dma_wait3A_229 = tpu.memref_squeeze %dma_wait3A_228 : memref<1x1x1x8x128xf32, #tpu.memory_space<hbm>> -> memref<8x128xf32, #tpu.memory_space<hbm>>
    %dma_wait3A_230 = arith.constant 0 : i32
    %dma_wait3A_231 = arith.constant 0 : i32
    %dma_wait3A_232 = tpu.memref_slice %arg7[%add3A_219, %dma_wait3A_221, %select_n3A_9, %dma_wait3A_230, %dma_wait3A_231] : memref<228x8x8x8x128xf32, #tpu.memory_space<hbm>> -> memref<1x1x1x8x128xf32, #tpu.memory_space<hbm>>
    %dma_wait3A_233 = tpu.memref_squeeze %dma_wait3A_232 : memref<1x1x1x8x128xf32, #tpu.memory_space<hbm>> -> memref<8x128xf32, #tpu.memory_space<hbm>>
    %dma_wait3A_234 = arith.constant 0 : i32
    %dma_wait3A_235 = arith.constant 0 : i32
    %dma_wait3A_236 = tpu.memref_slice %arg11[%dma_wait3A_220, %dma_wait3A_234, %dma_wait3A_235] : memref<2x64x129xf32, #tpu.memory_space<vmem>> -> memref<1x8x128xf32, #tpu.memory_space<vmem>>
    %dma_wait3A_237 = tpu.memref_squeeze %dma_wait3A_236 : memref<1x8x128xf32, #tpu.memory_space<vmem>> -> memref<8x128xf32, #tpu.memory_space<vmem>>
    tpu.wait_dma2 semaphore(%arg14 : memref<!tpu.dma_semaphore, #tpu.memory_space<semaphore_mem>>) src(%dma_wait3A_237 : memref<8x128xf32, #tpu.memory_space<vmem>>) dst(%dma_wait3A_233 : memref<8x128xf32, #tpu.memory_space<hbm>>)
    %dma_wait3A_238 = arith.constant 0 : i32
    %dma_wait3A_239 = arith.constant 1 : i32
    %dma_wait3A_240 = arith.constant 8 : i32
    %dma_wait3A_241 = arith.constant 0 : i32
    %dma_wait3A_242 = tpu.memref_slice %arg11[%dma_wait3A_238, %dma_wait3A_240, %dma_wait3A_241] : memref<2x64x129xf32, #tpu.memory_space<vmem>> -> memref<1x8x128xf32, #tpu.memory_space<vmem>>
    %dma_wait3A_243 = tpu.memref_squeeze %dma_wait3A_242 : memref<1x8x128xf32, #tpu.memory_space<vmem>> -> memref<8x128xf32, #tpu.memory_space<vmem>>
    %dma_wait3A_244 = arith.constant 0 : i32
    %dma_wait3A_245 = arith.constant 0 : i32
    %dma_wait3A_246 = tpu.memref_slice %arg7[%add3A_219, %dma_wait3A_239, %select_n3A_9, %dma_wait3A_244, %dma_wait3A_245] : memref<228x8x8x8x128xf32, #tpu.memory_space<hbm>> -> memref<1x1x1x8x128xf32, #tpu.memory_space<hbm>>
    %dma_wait3A_247 = tpu.memref_squeeze %dma_wait3A_246 : memref<1x1x1x8x128xf32, #tpu.memory_space<hbm>> -> memref<8x128xf32, #tpu.memory_space<hbm>>
    %dma_wait3A_248 = arith.constant 0 : i32
    %dma_wait3A_249 = arith.constant 0 : i32
    %dma_wait3A_250 = tpu.memref_slice %arg7[%add3A_219, %dma_wait3A_239, %select_n3A_9, %dma_wait3A_248, %dma_wait3A_249] : memref<228x8x8x8x128xf32, #tpu.memory_space<hbm>> -> memref<1x1x1x8x128xf32, #tpu.memory_space<hbm>>
    %dma_wait3A_251 = tpu.memref_squeeze %dma_wait3A_250 : memref<1x1x1x8x128xf32, #tpu.memory_space<hbm>> -> memref<8x128xf32, #tpu.memory_space<hbm>>
    %dma_wait3A_252 = arith.constant 8 : i32
    %dma_wait3A_253 = arith.constant 0 : i32
    %dma_wait3A_254 = tpu.memref_slice %arg11[%dma_wait3A_238, %dma_wait3A_252, %dma_wait3A_253] : memref<2x64x129xf32, #tpu.memory_space<vmem>> -> memref<1x8x128xf32, #tpu.memory_space<vmem>>
    %dma_wait3A_255 = tpu.memref_squeeze %dma_wait3A_254 : memref<1x8x128xf32, #tpu.memory_space<vmem>> -> memref<8x128xf32, #tpu.memory_space<vmem>>
    tpu.wait_dma2 semaphore(%arg14 : memref<!tpu.dma_semaphore, #tpu.memory_space<semaphore_mem>>) src(%dma_wait3A_255 : memref<8x128xf32, #tpu.memory_space<vmem>>) dst(%dma_wait3A_251 : memref<8x128xf32, #tpu.memory_space<hbm>>)
    %dma_wait3A_256 = arith.constant 0 : i32
    %dma_wait3A_257 = arith.constant 2 : i32
    %dma_wait3A_258 = arith.constant 16 : i32
    %dma_wait3A_259 = arith.constant 0 : i32
    %dma_wait3A_260 = tpu.memref_slice %arg11[%dma_wait3A_256, %dma_wait3A_258, %dma_wait3A_259] : memref<2x64x129xf32, #tpu.memory_space<vmem>> -> memref<1x8x128xf32, #tpu.memory_space<vmem>>
    %dma_wait3A_261 = tpu.memref_squeeze %dma_wait3A_260 : memref<1x8x128xf32, #tpu.memory_space<vmem>> -> memref<8x128xf32, #tpu.memory_space<vmem>>
    %dma_wait3A_262 = arith.constant 0 : i32
    %dma_wait3A_263 = arith.constant 0 : i32
    %dma_wait3A_264 = tpu.memref_slice %arg7[%add3A_219, %dma_wait3A_257, %select_n3A_9, %dma_wait3A_262, %dma_wait3A_263] : memref<228x8x8x8x128xf32, #tpu.memory_space<hbm>> -> memref<1x1x1x8x128xf32, #tpu.memory_space<hbm>>
    %dma_wait3A_265 = tpu.memref_squeeze %dma_wait3A_264 : memref<1x1x1x8x128xf32, #tpu.memory_space<hbm>> -> memref<8x128xf32, #tpu.memory_space<hbm>>
    %dma_wait3A_266 = arith.constant 0 : i32
    %dma_wait3A_267 = arith.constant 0 : i32
    %dma_wait3A_268 = tpu.memref_slice %arg7[%add3A_219, %dma_wait3A_257, %select_n3A_9, %dma_wait3A_266, %dma_wait3A_267] : memref<228x8x8x8x128xf32, #tpu.memory_space<hbm>> -> memref<1x1x1x8x128xf32, #tpu.memory_space<hbm>>
    %dma_wait3A_269 = tpu.memref_squeeze %dma_wait3A_268 : memref<1x1x1x8x128xf32, #tpu.memory_space<hbm>> -> memref<8x128xf32, #tpu.memory_space<hbm>>
    %dma_wait3A_270 = arith.constant 16 : i32
    %dma_wait3A_271 = arith.constant 0 : i32
    %dma_wait3A_272 = tpu.memref_slice %arg11[%dma_wait3A_256, %dma_wait3A_270, %dma_wait3A_271] : memref<2x64x129xf32, #tpu.memory_space<vmem>> -> memref<1x8x128xf32, #tpu.memory_space<vmem>>
    %dma_wait3A_273 = tpu.memref_squeeze %dma_wait3A_272 : memref<1x8x128xf32, #tpu.memory_space<vmem>> -> memref<8x128xf32, #tpu.memory_space<vmem>>
    tpu.wait_dma2 semaphore(%arg14 : memref<!tpu.dma_semaphore, #tpu.memory_space<semaphore_mem>>) src(%dma_wait3A_273 : memref<8x128xf32, #tpu.memory_space<vmem>>) dst(%dma_wait3A_269 : memref<8x128xf32, #tpu.memory_space<hbm>>)
    %dma_wait3A_274 = arith.constant 0 : i32
    %dma_wait3A_275 = arith.constant 3 : i32
    %dma_wait3A_276 = arith.constant 24 : i32
    %dma_wait3A_277 = arith.constant 0 : i32
    %dma_wait3A_278 = tpu.memref_slice %arg11[%dma_wait3A_274, %dma_wait3A_276, %dma_wait3A_277] : memref<2x64x129xf32, #tpu.memory_space<vmem>> -> memref<1x8x128xf32, #tpu.memory_space<vmem>>
    %dma_wait3A_279 = tpu.memref_squeeze %dma_wait3A_278 : memref<1x8x128xf32, #tpu.memory_space<vmem>> -> memref<8x128xf32, #tpu.memory_space<vmem>>
    %dma_wait3A_280 = arith.constant 0 : i32
    %dma_wait3A_281 = arith.constant 0 : i32
    %dma_wait3A_282 = tpu.memref_slice %arg7[%add3A_219, %dma_wait3A_275, %select_n3A_9, %dma_wait3A_280, %dma_wait3A_281] : memref<228x8x8x8x128xf32, #tpu.memory_space<hbm>> -> memref<1x1x1x8x128xf32, #tpu.memory_space<hbm>>
    %dma_wait3A_283 = tpu.memref_squeeze %dma_wait3A_282 : memref<1x1x1x8x128xf32, #tpu.memory_space<hbm>> -> memref<8x128xf32, #tpu.memory_space<hbm>>
    %dma_wait3A_284 = arith.constant 0 : i32
    %dma_wait3A_285 = arith.constant 0 : i32
    %dma_wait3A_286 = tpu.memref_slice %arg7[%add3A_219, %dma_wait3A_275, %select_n3A_9, %dma_wait3A_284, %dma_wait3A_285] : memref<228x8x8x8x128xf32, #tpu.memory_space<hbm>> -> memref<1x1x1x8x128xf32, #tpu.memory_space<hbm>>
    %dma_wait3A_287 = tpu.memref_squeeze %dma_wait3A_286 : memref<1x1x1x8x128xf32, #tpu.memory_space<hbm>> -> memref<8x128xf32, #tpu.memory_space<hbm>>
    %dma_wait3A_288 = arith.constant 24 : i32
    %dma_wait3A_289 = arith.constant 0 : i32
    %dma_wait3A_290 = tpu.memref_slice %arg11[%dma_wait3A_274, %dma_wait3A_288, %dma_wait3A_289] : memref<2x64x129xf32, #tpu.memory_space<vmem>> -> memref<1x8x128xf32, #tpu.memory_space<vmem>>
    %dma_wait3A_291 = tpu.memref_squeeze %dma_wait3A_290 : memref<1x8x128xf32, #tpu.memory_space<vmem>> -> memref<8x128xf32, #tpu.memory_space<vmem>>
    tpu.wait_dma2 semaphore(%arg14 : memref<!tpu.dma_semaphore, #tpu.memory_space<semaphore_mem>>) src(%dma_wait3A_291 : memref<8x128xf32, #tpu.memory_space<vmem>>) dst(%dma_wait3A_287 : memref<8x128xf32, #tpu.memory_space<hbm>>)
    %dma_wait3A_292 = arith.constant 0 : i32
    %dma_wait3A_293 = arith.constant 4 : i32
    %dma_wait3A_294 = arith.constant 32 : i32
    %dma_wait3A_295 = arith.constant 0 : i32
    %dma_wait3A_296 = tpu.memref_slice %arg11[%dma_wait3A_292, %dma_wait3A_294, %dma_wait3A_295] : memref<2x64x129xf32, #tpu.memory_space<vmem>> -> memref<1x8x128xf32, #tpu.memory_space<vmem>>
    %dma_wait3A_297 = tpu.memref_squeeze %dma_wait3A_296 : memref<1x8x128xf32, #tpu.memory_space<vmem>> -> memref<8x128xf32, #tpu.memory_space<vmem>>
    %dma_wait3A_298 = arith.constant 0 : i32
    %dma_wait3A_299 = arith.constant 0 : i32
    %dma_wait3A_300 = tpu.memref_slice %arg7[%add3A_219, %dma_wait3A_293, %select_n3A_9, %dma_wait3A_298, %dma_wait3A_299] : memref<228x8x8x8x128xf32, #tpu.memory_space<hbm>> -> memref<1x1x1x8x128xf32, #tpu.memory_space<hbm>>
    %dma_wait3A_301 = tpu.memref_squeeze %dma_wait3A_300 : memref<1x1x1x8x128xf32, #tpu.memory_space<hbm>> -> memref<8x128xf32, #tpu.memory_space<hbm>>
    %dma_wait3A_302 = arith.constant 0 : i32
    %dma_wait3A_303 = arith.constant 0 : i32
    %dma_wait3A_304 = tpu.memref_slice %arg7[%add3A_219, %dma_wait3A_293, %select_n3A_9, %dma_wait3A_302, %dma_wait3A_303] : memref<228x8x8x8x128xf32, #tpu.memory_space<hbm>> -> memref<1x1x1x8x128xf32, #tpu.memory_space<hbm>>
    %dma_wait3A_305 = tpu.memref_squeeze %dma_wait3A_304 : memref<1x1x1x8x128xf32, #tpu.memory_space<hbm>> -> memref<8x128xf32, #tpu.memory_space<hbm>>
    %dma_wait3A_306 = arith.constant 32 : i32
    %dma_wait3A_307 = arith.constant 0 : i32
    %dma_wait3A_308 = tpu.memref_slice %arg11[%dma_wait3A_292, %dma_wait3A_306, %dma_wait3A_307] : memref<2x64x129xf32, #tpu.memory_space<vmem>> -> memref<1x8x128xf32, #tpu.memory_space<vmem>>
    %dma_wait3A_309 = tpu.memref_squeeze %dma_wait3A_308 : memref<1x8x128xf32, #tpu.memory_space<vmem>> -> memref<8x128xf32, #tpu.memory_space<vmem>>
    tpu.wait_dma2 semaphore(%arg14 : memref<!tpu.dma_semaphore, #tpu.memory_space<semaphore_mem>>) src(%dma_wait3A_309 : memref<8x128xf32, #tpu.memory_space<vmem>>) dst(%dma_wait3A_305 : memref<8x128xf32, #tpu.memory_space<hbm>>)
    %dma_wait3A_310 = arith.constant 0 : i32
    %dma_wait3A_311 = arith.constant 5 : i32
    %dma_wait3A_312 = arith.constant 40 : i32
    %dma_wait3A_313 = arith.constant 0 : i32
    %dma_wait3A_314 = tpu.memref_slice %arg11[%dma_wait3A_310, %dma_wait3A_312, %dma_wait3A_313] : memref<2x64x129xf32, #tpu.memory_space<vmem>> -> memref<1x8x128xf32, #tpu.memory_space<vmem>>
    %dma_wait3A_315 = tpu.memref_squeeze %dma_wait3A_314 : memref<1x8x128xf32, #tpu.memory_space<vmem>> -> memref<8x128xf32, #tpu.memory_space<vmem>>
    %dma_wait3A_316 = arith.constant 0 : i32
    %dma_wait3A_317 = arith.constant 0 : i32
    %dma_wait3A_318 = tpu.memref_slice %arg7[%add3A_219, %dma_wait3A_311, %select_n3A_9, %dma_wait3A_316, %dma_wait3A_317] : memref<228x8x8x8x128xf32, #tpu.memory_space<hbm>> -> memref<1x1x1x8x128xf32, #tpu.memory_space<hbm>>
    %dma_wait3A_319 = tpu.memref_squeeze %dma_wait3A_318 : memref<1x1x1x8x128xf32, #tpu.memory_space<hbm>> -> memref<8x128xf32, #tpu.memory_space<hbm>>
    %dma_wait3A_320 = arith.constant 0 : i32
    %dma_wait3A_321 = arith.constant 0 : i32
    %dma_wait3A_322 = tpu.memref_slice %arg7[%add3A_219, %dma_wait3A_311, %select_n3A_9, %dma_wait3A_320, %dma_wait3A_321] : memref<228x8x8x8x128xf32, #tpu.memory_space<hbm>> -> memref<1x1x1x8x128xf32, #tpu.memory_space<hbm>>
    %dma_wait3A_323 = tpu.memref_squeeze %dma_wait3A_322 : memref<1x1x1x8x128xf32, #tpu.memory_space<hbm>> -> memref<8x128xf32, #tpu.memory_space<hbm>>
    %dma_wait3A_324 = arith.constant 40 : i32
    %dma_wait3A_325 = arith.constant 0 : i32
    %dma_wait3A_326 = tpu.memref_slice %arg11[%dma_wait3A_310, %dma_wait3A_324, %dma_wait3A_325] : memref<2x64x129xf32, #tpu.memory_space<vmem>> -> memref<1x8x128xf32, #tpu.memory_space<vmem>>
    %dma_wait3A_327 = tpu.memref_squeeze %dma_wait3A_326 : memref<1x8x128xf32, #tpu.memory_space<vmem>> -> memref<8x128xf32, #tpu.memory_space<vmem>>
    tpu.wait_dma2 semaphore(%arg14 : memref<!tpu.dma_semaphore, #tpu.memory_space<semaphore_mem>>) src(%dma_wait3A_327 : memref<8x128xf32, #tpu.memory_space<vmem>>) dst(%dma_wait3A_323 : memref<8x128xf32, #tpu.memory_space<hbm>>)
    %dma_wait3A_328 = arith.constant 0 : i32
    %dma_wait3A_329 = arith.constant 6 : i32
    %dma_wait3A_330 = arith.constant 48 : i32
    %dma_wait3A_331 = arith.constant 0 : i32
    %dma_wait3A_332 = tpu.memref_slice %arg11[%dma_wait3A_328, %dma_wait3A_330, %dma_wait3A_331] : memref<2x64x129xf32, #tpu.memory_space<vmem>> -> memref<1x8x128xf32, #tpu.memory_space<vmem>>
    %dma_wait3A_333 = tpu.memref_squeeze %dma_wait3A_332 : memref<1x8x128xf32, #tpu.memory_space<vmem>> -> memref<8x128xf32, #tpu.memory_space<vmem>>
    %dma_wait3A_334 = arith.constant 0 : i32
    %dma_wait3A_335 = arith.constant 0 : i32
    %dma_wait3A_336 = tpu.memref_slice %arg7[%add3A_219, %dma_wait3A_329, %select_n3A_9, %dma_wait3A_334, %dma_wait3A_335] : memref<228x8x8x8x128xf32, #tpu.memory_space<hbm>> -> memref<1x1x1x8x128xf32, #tpu.memory_space<hbm>>
    %dma_wait3A_337 = tpu.memref_squeeze %dma_wait3A_336 : memref<1x1x1x8x128xf32, #tpu.memory_space<hbm>> -> memref<8x128xf32, #tpu.memory_space<hbm>>
    %dma_wait3A_338 = arith.constant 0 : i32
    %dma_wait3A_339 = arith.constant 0 : i32
    %dma_wait3A_340 = tpu.memref_slice %arg7[%add3A_219, %dma_wait3A_329, %select_n3A_9, %dma_wait3A_338, %dma_wait3A_339] : memref<228x8x8x8x128xf32, #tpu.memory_space<hbm>> -> memref<1x1x1x8x128xf32, #tpu.memory_space<hbm>>
    %dma_wait3A_341 = tpu.memref_squeeze %dma_wait3A_340 : memref<1x1x1x8x128xf32, #tpu.memory_space<hbm>> -> memref<8x128xf32, #tpu.memory_space<hbm>>
    %dma_wait3A_342 = arith.constant 48 : i32
    %dma_wait3A_343 = arith.constant 0 : i32
    %dma_wait3A_344 = tpu.memref_slice %arg11[%dma_wait3A_328, %dma_wait3A_342, %dma_wait3A_343] : memref<2x64x129xf32, #tpu.memory_space<vmem>> -> memref<1x8x128xf32, #tpu.memory_space<vmem>>
    %dma_wait3A_345 = tpu.memref_squeeze %dma_wait3A_344 : memref<1x8x128xf32, #tpu.memory_space<vmem>> -> memref<8x128xf32, #tpu.memory_space<vmem>>
    tpu.wait_dma2 semaphore(%arg14 : memref<!tpu.dma_semaphore, #tpu.memory_space<semaphore_mem>>) src(%dma_wait3A_345 : memref<8x128xf32, #tpu.memory_space<vmem>>) dst(%dma_wait3A_341 : memref<8x128xf32, #tpu.memory_space<hbm>>)
    %dma_wait3A_346 = arith.constant 0 : i32
    %dma_wait3A_347 = arith.constant 7 : i32
    %dma_wait3A_348 = arith.constant 56 : i32
    %dma_wait3A_349 = arith.constant 0 : i32
    %dma_wait3A_350 = tpu.memref_slice %arg11[%dma_wait3A_346, %dma_wait3A_348, %dma_wait3A_349] : memref<2x64x129xf32, #tpu.memory_space<vmem>> -> memref<1x8x128xf32, #tpu.memory_space<vmem>>
    %dma_wait3A_351 = tpu.memref_squeeze %dma_wait3A_350 : memref<1x8x128xf32, #tpu.memory_space<vmem>> -> memref<8x128xf32, #tpu.memory_space<vmem>>
    %dma_wait3A_352 = arith.constant 0 : i32
    %dma_wait3A_353 = arith.constant 0 : i32
    %dma_wait3A_354 = tpu.memref_slice %arg7[%add3A_219, %dma_wait3A_347, %select_n3A_9, %dma_wait3A_352, %dma_wait3A_353] : memref<228x8x8x8x128xf32, #tpu.memory_space<hbm>> -> memref<1x1x1x8x128xf32, #tpu.memory_space<hbm>>
    %dma_wait3A_355 = tpu.memref_squeeze %dma_wait3A_354 : memref<1x1x1x8x128xf32, #tpu.memory_space<hbm>> -> memref<8x128xf32, #tpu.memory_space<hbm>>
    %dma_wait3A_356 = arith.constant 0 : i32
    %dma_wait3A_357 = arith.constant 0 : i32
    %dma_wait3A_358 = tpu.memref_slice %arg7[%add3A_219, %dma_wait3A_347, %select_n3A_9, %dma_wait3A_356, %dma_wait3A_357] : memref<228x8x8x8x128xf32, #tpu.memory_space<hbm>> -> memref<1x1x1x8x128xf32, #tpu.memory_space<hbm>>
    %dma_wait3A_359 = tpu.memref_squeeze %dma_wait3A_358 : memref<1x1x1x8x128xf32, #tpu.memory_space<hbm>> -> memref<8x128xf32, #tpu.memory_space<hbm>>
    %dma_wait3A_360 = arith.constant 56 : i32
    %dma_wait3A_361 = arith.constant 0 : i32
    %dma_wait3A_362 = tpu.memref_slice %arg11[%dma_wait3A_346, %dma_wait3A_360, %dma_wait3A_361] : memref<2x64x129xf32, #tpu.memory_space<vmem>> -> memref<1x8x128xf32, #tpu.memory_space<vmem>>
    %dma_wait3A_363 = tpu.memref_squeeze %dma_wait3A_362 : memref<1x8x128xf32, #tpu.memory_space<vmem>> -> memref<8x128xf32, #tpu.memory_space<vmem>>
    tpu.wait_dma2 semaphore(%arg14 : memref<!tpu.dma_semaphore, #tpu.memory_space<semaphore_mem>>) src(%dma_wait3A_363 : memref<8x128xf32, #tpu.memory_space<vmem>>) dst(%dma_wait3A_359 : memref<8x128xf32, #tpu.memory_space<hbm>>)
    return
  }
}

</mosaic_0001>

<sc_bundles>
// kernel: _sc_embed.3.cloned.1.call-start
scs
__scs_entry_jumppad:
0x0: {  	(pc) =	sbr.rel $0x88, $3  }
0x1: {  	(tag) =	ssettag $0x0;
	lr =	simm.s32 $0x1  }
0x2: {  	[smem:$0x3F9C] =	sst lr;
	_ =	strace $0xD0000000  }
0x3: {  	_ = 	snop  }
0x4: {  	_ = 	snop  }
0x5: {  	_ = 	snop  }
0x6: {  	_ = 	snop  }
0x7: {  	_ = 	snop  }
__scs_overlays_trampoline_lowered:
0x8: {  	[smem:$0x3FAB] =	sst s0  }
0x9: {  	[smem:$0x3FAC] =	sst s1  }
0xa: {  	[smem:$0x3FAD] =	sst s2  }
0xb: {  	[smem:$0x3FAE] =	sst s3  }
0xc: {  	[smem:$0x3FAF] =	sst s4  }
0xd: {  	[smem:$0x3FB0] =	sst s5  }
0xe: {  	[smem:$0x3FB1] =	sst s6  }
0xf: {  	[smem:$0x3FB2] =	sst s7  }
0x10: {  	[smem:$0x3FB3] =	sst s8  }
0x11: {  	[smem:$0x3FB4] =	sst s9;
	s0 =	simm.s32 @!p0 $0x0  }
0x12: {  	s1 =	sld [smem:$0x3F9A];
	s0 =	simm.s32 @p0 $0x1  }
0x13: {  	[smem:$0x3FB5] =	sst s0;
	s0 =	simm.s32 @!p1 $0x0  }
0x14: {  	s2 =	sld [smem:$0x3F99];
	s0 =	simm.s32 @p1 $0x1  }
0x15: {  	[smem:$0x3FB6] =	sst s0;
	s0 =	simm.s32 @!p2 $0x0  }
0x16: {  	s3 =	sld [smem:$0x3FDB];
	s0 =	simm.s32 @p2 $0x1  }
0x17: {  	s4 =	simm.s32 $0x1BF5;
	[smem:$0x3FB8] =	sst s0  }
0x18: {  	s0 =	sld [smem:$0x3F9B];
	_ =	swait.ge [sflag:s4], $0x0  }
0x19: {  	s7 =	sld [smem:$0x3F9C]  }
0x1a: {  	s8 =	sadd.s32 $0xFFFFE003, lr  }
0x1b: {  	s9 =	sadd.s32 $0xFFFFFEF7, lr;
	s5 =	simm.s32 $0xFFFFFFFF;
	p2 =	slt.u32 s8, $0xFFFFF086  }
0x1c: {  	p1 =	slt.u32 s9, $0xF7A;
	s5 =	simm.s32 @!p2 $0x0  }
0x1d: {  	s5 =	simm.s32 @p1 $0x1;
	p0 =	seq.s32 s7, s2  }
0x1e: {  	s7 =	smul.u32 @!p0 $0xF7A, s2;
	p2 =	seq.s32 @!p0 s5, $0x0  }
0x1f: {  	s9 =	smul.u32 $0xF7A, s1;
	s8 =	simm.s32 @!p0 $0x1BF5;
	p2 =	por !p2, p0  }
0x20: {  	[sflag:s8] =	ssyncset.s32 @!p0 $0xFFFFF086;
	s6 =	sadd.s32 @!p0 s3, s7;
	s7 =	simm.s32 @!p0 $0x108  }
0x21: {  	s3 =	sadd.s32 s3, s9;
	s6 =	sadd.s32 @!p0 $0x88, s6;
	s7 =	simm.s32 @p2 $0x1082  }
0x22: {  	[simem:s7], [sflag:s8] =	dma.local @!p0 [hbm:s6], $0xF7A  }
0x23: {  	s9 =	sor.u32 $0xD0000000, s2;
	s6 =	simm.s32 $0x108;
	_ =	swait.ge @!p0 [sflag:s8], $0x0  }
0x24: {  	s3 =	sadd.s32 $0x88, s3;
	s6 =	simm.s32 @!p1 $0x1082;
	[sflag:s4] =	ssyncset.s32 $0xFFFFF086  }
0x25: {  	[simem:s6], [sflag:s4] =	dma.local [hbm:s3], $0xF7A  }
0x26: {  	[smem:$0x3F9C] =	sst s1;
	(tag) =	ssettag s2;
	_ =	strace s9  }
0x27: {  	s1 =	sld [smem:$0x3FAC]  }
0x28: {  	s2 =	sld [smem:$0x3FAD]  }
0x29: {  	s4 =	sld [smem:$0x3FAF]  }
0x2a: {  	p0 =	seq.s32 s5, $0x0;
	s5 =	sld [smem:$0x3FB0]  }
0x2b: {  	s6 =	sld [smem:$0x3FB1]  }
0x2c: {  	s7 =	sld [smem:$0x3FB2]  }
0x2d: {  	s3 =	simm.s32 $0x108;
	s8 =	sld [smem:$0x3FB3]  }
0x2e: {  	s3 =	simm.s32 @!p0 $0x1082;
	s9 =	sld [smem:$0x3FB4]  }
0x2f: {  	lr =	sadd.s32 s0, s3;
	s0 =	sld [smem:$0x3FAB]  }
0x30: {  	s3 =	sld [smem:$0x3FAE]  }
0x31: {  	[smem:$0x3FB7] =	sst s10  }
0x32: {  	s10 =	sld [smem:$0x3FB5];
	_ =	sdelay $0x3  }
0x33: {  	p0 =	seq.s32 s10, $0x1;
	s10 =	sld [smem:$0x3FB7];
	_ =	sdelay $0x3  }
0x34: {  	[smem:$0x3FB7] =	sst s10  }
0x35: {  	s10 =	sld [smem:$0x3FB6];
	_ =	sdelay $0x3  }
0x36: {  	p1 =	seq.s32 s10, $0x1;
	s10 =	sld [smem:$0x3FB7];
	_ =	sdelay $0x3  }
0x37: {  	[smem:$0x3FB7] =	sst s10  }
0x38: {  	s10 =	sld [smem:$0x3FB8]  }
0x39: {  	_ = 	snop;
	(pc) =	sbr.ind lr, $3  }
0x3a: {  	_ = 	snop  }
0x3b: {  	_ = 	snop  }
0x3c: {  	p2 =	seq.s32 s10, $0x1;
	s10 =	sld [smem:$0x3FB7]  }
0x3d: {  	_ =	shalt  }
0x3e: {  	_ =	shalt  }
0x3f: {  	_ =	shalt  }
0x40: {  	_ =	shalt  }
0x41: {  	_ =	shalt  }
0x42: {  	_ =	shalt  }
0x43: {  	_ =	shalt  }
0x44: {  	_ =	shalt  }
0x45: {  	_ =	shalt  }
0x46: {  	_ =	shalt  }
0x47: {  	_ =	shalt  }
0x48: {  	_ =	shalt  }
0x49: {  	_ =	shalt  }
0x4a: {  	_ =	shalt  }
0x4b: {  	_ =	shalt  }
0x4c: {  	_ =	shalt  }
0x4d: {  	_ =	shalt  }
0x4e: {  	_ =	shalt  }
0x4f: {  	_ =	shalt  }
0x50: {  	_ =	shalt  }
0x51: {  	_ =	shalt  }
0x52: {  	_ =	shalt  }
0x53: {  	_ =	shalt  }
0x54: {  	_ =	shalt  }
0x55: {  	_ =	shalt  }
0x56: {  	_ =	shalt  }
0x57: {  	_ =	shalt  }
0x58: {  	_ =	shalt  }
0x59: {  	_ =	shalt  }
0x5a: {  	_ =	shalt  }
0x5b: {  	_ =	shalt  }
0x5c: {  	_ =	shalt  }
0x5d: {  	_ =	shalt  }
0x5e: {  	_ =	shalt  }
0x5f: {  	_ =	shalt  }
0x60: {  	_ =	shalt  }
0x61: {  	_ =	shalt  }
0x62: {  	_ =	shalt  }
0x63: {  	_ =	shalt  }
0x64: {  	_ =	shalt  }
0x65: {  	_ =	shalt  }
0x66: {  	_ =	shalt  }
0x67: {  	_ =	shalt  }
0x68: {  	_ =	shalt  }
0x69: {  	_ =	shalt  }
0x6a: {  	_ =	shalt  }
0x6b: {  	_ =	shalt  }
0x6c: {  	_ =	shalt  }
0x6d: {  	_ =	shalt  }
0x6e: {  	_ =	shalt  }
0x6f: {  	_ =	shalt  }
0x70: {  	_ =	shalt  }
0x71: {  	_ =	shalt  }
0x72: {  	_ =	shalt  }
0x73: {  	_ =	shalt  }
0x74: {  	_ =	shalt  }
0x75: {  	_ =	shalt  }
0x76: {  	_ =	shalt  }
0x77: {  	_ =	shalt  }
0x78: {  	_ =	shalt  }
0x79: {  	_ =	shalt  }
0x7a: {  	_ =	shalt  }
0x7b: {  	_ =	shalt  }
0x7c: {  	_ =	shalt  }
0x7d: {  	_ =	shalt  }
0x7e: {  	_ =	shalt  }
0x7f: {  	_ =	shalt  }
0x80: {  	_ =	shalt  }
0x81: {  	_ =	shalt  }
0x82: {  	_ =	shalt  }
0x83: {  	_ =	shalt  }
0x84: {  	_ =	shalt  }
0x85: {  	_ =	shalt  }
0x86: {  	_ =	shalt  }
0x87: {  	_ =	shalt  }
.Lfunc_end0:
.L_simem_size_0:
called_computation_lowered:
.L_overlay_start_0:
0x88: {  	s2 =	sld [smem:$0x3FD9]  }
0x89: {  	s3 =	sld [smem:$0x3FFE];
	_ =	sdelay $0x1  }
0x8a: {  	s1 =	srdreg.scid  }
0x8b: {  	s0 =	sand.u32 $0x1, s1  }
0x8c: {  	s17 =	sshll.u32 s0, $0xA;
	s2 =	sadd.s32 s3, s2  }
0x8d: {  	s2 =	sadd.s32 s2, s17  }
0x8e: {  	[smem:$0x3FC3] =	sst s2  }
0x8f: {  	_ = 	snop  }
0x90: {  	s2 =	sld [smem:$0x3FD0];
	(tm) =	ssettm $0x1  }
0x91: {  	s18 =	sld [smem:$0x3FFB];
	_ =	sdelay $0x3  }
0x92: {  	_ =	strace s18  }
0x93: {  	s3 =	sld [smem:$0x3FFC];
	_ =	sdelay $0x3  }
0x94: {  	_ =	strace s3  }
0x95: {  	s3 =	sld [smem:$0x3FFD];
	_ =	sdelay $0x3  }
0x96: {  	_ =	strace s3  }
0x97: {  	_ =	strace $0x8FFFFFFF  }
0x98: {  	s19 =	sld [smem:$0x3FDB];
	_ =	sdelay $0x1  }
0x99: {  	s4 =	simm.s32 $_scs_section_size  }
0x9a: {  	s5 =	simm.s32 $_size__tile_overlayer_lowered;
	s6 =	simm.s32 $_tile_overlayer_lowered  }
0x9b: {  	s22 =	simm.s32 $0x1BFF;
	s21 =	sshll.u32 s6, $0x1;
	s3 =	sadd.s32 s4, s19  }
0x9c: {  	s7 =	simm.s32 $0x0;
	s20 =	sshll.u32 s5, $0x1;
	s5 =	sadd.s32 s21, s3  }
0x9d: {  	[timem:s7], [sflag:s22] =	dma.local [hbm:s5], s20  }
0x9e: {  	_ =	swait.ge [sflag:s22], s20  }
0x9f: {  	s4 =	ssub.s32 $0x0, s20;
	[sflag:s22] =	ssyncset.done $0x0  }
0xa0: {  	[sflag:s22] =	ssyncadd.s32 s4;
	_ =	sdelay $0x1  }
0xa1: {  	s23 =	simm.s32 $0x1B8B  }
0xa2: {  	_ =	swait.ge [sflag:s23], $0x1  }
0xa3: {  	[sflag:s23] =	ssyncset.done $0x0  }
0xa4: {  	s25 =	simm.s32 $0x1B8E;
	s24 =	sld [smem:$0x3FFE];
	[sflag:s23] =	ssyncadd.s32 $0xFFFFFFFF  }
0xa5: {  	s26 =	simm.s32 $execute0_lowered;
	[smem:$0x3FD2] =	sst s25  }
0xa6: {  	s5 =	sshll.u32 s26, $0x1;
	_ =	strace $0x80000046;
	[dreg:$0x1] =	wrdreg $0xFFFFFFFF  }
0xa7: {  	s28 =	simm.s32 $_size_execute0_lowered;
	s3 =	sadd.s32 s3, s5;
	[dreg:$0x0] =	wrdreg $0x0  }
0xa8: {  	s5 =	sshll.u32 s28, $0x1;
	[dreg:$0x2] =	wrdreg s3  }
0xa9: {  	[dreg:$0x3] =	wrdreg s5  }
0xaa: {  	[dreg:$0x4] =	wrdreg $0xC0  }
0xab: {  	_ =	task [dreg:s7], $0x5FFFF  }
0xac: {  	[dreg:$0x1] =	wrdreg $0xFFFFFFFF  }
0xad: {  	[dreg:$0x0] =	wrdreg $0x60  }
0xae: {  	[dreg:$0x2] =	wrdreg s24  }
0xaf: {  	[dreg:$0x3] =	wrdreg s2  }
0xb0: {  	[dreg:$0x4] =	wrdreg $0x9  }
0xb1: {  	_ =	task.clear_ibuf [dreg:s7], $0x5FFFF;
	_ =	strace $0x90000046  }
0xb2: {  	s29 =	simm.s32 $0x9;
	_ =	strace $0x80000048  }
0xb3: {  	_ =	swait.ge [sflag:s29], $0x1  }
0xb4: {  	[sflag:s29] =	ssyncadd.s32 $0xFFFFFFFF  }
0xb5: {  	_ =	strace $0x90000048  }
0xb6: {  	_ =	sfence  }
0xb7: {  	s30 =	sld [smem:$0x0];
	_ =	sdelay $0x2  }
0xb8: {  	s31 =	sshll.u32 s1, $0xD;
	s1 =	sshrl.u32 s1, $0x2  }
0xb9: {  	s3 =	sand.u32 $0x4000, s31;
	s1 =	sadd.s32 s1, s30  }
0xba: {  	s0 =	sor.u32 s3, s0;
	s1 =	sshll.u32 s1, $0x11  }
0xbb: {  	s0 =	sor.u32 s1, s0  }
0xbc: {  	s0 =	sadd.s32 $0x8F2B, s0  }
0xbd: {  	[sflag:s0] =	ssyncadd.remote.s32 $0x1  }
0xbe: {  	_ =	sfence.sel $0xFFFF  }
0xbf: {  	[dreg:$0x0] =	wrdreg $0xFFFFFFFF;
	(pc) =	sbr.abs _section_cstart, $3  }
0xc0: {  	[dreg:$0x1] =	wrdreg $0xFFFFFFFF  }
0xc1: {  	_ =	task.clear_ibuf [dreg:s7], $0x2FFFF;
	_ =	strace $0x9FFFFFFF  }
0xc2: {  	(tm) =	ssettm $0x7FFFFFFF  }
0xc3: {  	_ =	shalt  }
tec
execute0_lowered:
.L_overlay_start_1:
0x0: {  	(tag) =	ssettag $0x1  }
0x1: {  	s5 =	stileid.u32;
	s0 =	rddreg [dreg:$0x0]  }
0x2: {  	s1 =	srdreg.scid;
	s2 =	rddreg [dreg:$0x1]  }
0x3: {  	p2 =	por $0x1, $0x1;
	s23 =	simm.s32 $0xD870;
	s28 =	simm.s32 $0x3  }
0x4: {  	s29 =	simm.s32 $0x9580;
	s30 =	simm.s32 $0x1;
	s3 =	sshll.u32 s5, $0x1  }
0x5: {  	s1 =	sand.u32 $0x1, s1;
	s10 =	sadd.s32 $0x3A00, s0;
	s19 =	sshrl.u32 s5, $0x2  }
0x6: {  	s5 =	sadd.s32 $0x1A00, s0;
	s13 =	sadd.s32 $0x800, s2;
	s14 =	sadd.s32 $0xC00, s2  }
0x7: {  	s15 =	sadd.s32 $0x1000, s2;
	s16 =	sadd.s32 $0x1400, s2;
	s17 =	sadd.s32 $0x1800, s2  }
0x8: {  	s18 =	sadd.s32 $0x1C00, s2;
	s4 =	sand.u32 $0x6, s3;
	s12 =	smul.u32 $0xE400, s19  }
0x9: {  	s3 =	simm.s32 $0x0;
	s8 =	smul.u32 $0x39, s19;
	p0 =	seq.s32 s19, $0x3  }
0xa: {  	p1 =	sne.s32 s19, $0x3;
	s6 =	sor.u32 s1, s4;
	[smem:$0x7FF] =	sst s3  }
0xb: {  	s4 =	sadd.s32 $0x9E00, s0;
	s1 =	ssub.s32 $0x2, s1;
	s9 =	sshll.u32 s6, $0x4  }
0xc: {  	_ =	strace $0x80000047;
	s7 =	sshrl.u32 s1, $0x1;
	s11 =	sadd.s32 s9, s0  }
0xd: {  	s0 =	sadd.s32 $0x1200, s0;
	s24 =	ssub.s32 s1, s7;
	s7 =	sshll.u32 s6, $0x7  }
0xe: {  	s25 =	sadd.s32 s9, s10;
	[dreg:$0x3] =	wrdreg s0;
	s6 =	sor.u32 s12, s7  }
.Ltmp0:
0xf: {  	s1 =	sadd.s32 $0x5580, s25;
	s26 =	sadd.s32 $0x400, s11;
	(pc) =	sbr.rel .LBB2_1-.Ltmp0, $4  }
0x10: {  	v0 =	vlaneseq.u32;
	s12 =	sadd.s32 $0x400, s2;
	s0 =	smax.u32 s24, $0x1;
	[dreg:$0x4] =	wrdreg s1  }
0x11: {  	v0 =	vmul.u32 $0x88, v0;
	s24 =	simm.s32 $0x4;
	[dreg:$0x5] =	wrdreg s26;
	s31 =	sshrl.u32 s6, $0x3  }
0x12: {  	s25 =	simm.s32 $0xD8F8;
	[dreg:$0x7] =	wrdreg s0;
	s1 =	sadd.s32 s10, s31  }
0x13: {  	v1 =	vadd.s32 $0x880, v0;
	v2 =	vadd.s32 $0x1100, v0;
	v3 =	vadd.s32 $0x1980, v0;
	s26 =	simm.s32 $0xB780;
	[dreg:$0x6] =	wrdreg s1;
	s1 =	simm.s32 $0x0  }
.LBB2_32:
0x14: {  	_ =	swait.ge [sflag:s24], $0x400  }
0x15: {  	[sflag:s24] =	ssyncset.done $0x0  }
0x16: {  	[sflag:s24] =	ssyncadd.s32 $0xFFFFFC00  }
0x17: {  	_ =	swait.ge [sflag:s24], $0x400  }
0x18: {  	[sflag:s24] =	ssyncset.done $0x0  }
0x19: {  	[sflag:s24] =	ssyncadd.s32 $0xFFFFFC00  }
0x1a: {  	_ =	swait.ge [sflag:s24], $0x400  }
0x1b: {  	[sflag:s24] =	ssyncset.done $0x0  }
0x1c: {  	[sflag:s24] =	ssyncadd.s32 $0xFFFFFC00  }
0x1d: {  	_ =	swait.ge [sflag:s24], $0x400  }
0x1e: {  	[sflag:s24] =	ssyncset.done $0x0  }
0x1f: {  	[sflag:s24] =	ssyncadd.s32 $0xFFFFFC00  }
0x20: {  	_ =	swait.ge [sflag:s24], $0x400  }
0x21: {  	[sflag:s24] =	ssyncset.done $0x0  }
0x22: {  	[sflag:s24] =	ssyncadd.s32 $0xFFFFFC00  }
0x23: {  	_ =	swait.ge [sflag:s24], $0x400  }
0x24: {  	[sflag:s24] =	ssyncset.done $0x0  }
0x25: {  	[sflag:s24] =	ssyncadd.s32 $0xFFFFFC00  }
0x26: {  	_ =	swait.ge [sflag:s24], $0x400  }
0x27: {  	[sflag:s24] =	ssyncset.done $0x0  }
0x28: {  	[sflag:s24] =	ssyncadd.s32 $0xFFFFFC00  }
0x29: {  	_ =	swait.ge [sflag:s24], $0x400  }
0x2a: {  	[sflag:s24] =	ssyncset.done $0x0  }
0x2b: {  	[sflag:s24] =	ssyncadd.s32 $0xFFFFFC00  }
0x2c: {  	_ =	swait.ge [sflag:s28], $0x400  }
0x2d: {  	[sflag:s28] =	ssyncset.done $0x0  }
0x2e: {  	[sflag:s28] =	ssyncadd.s32 $0xFFFFFC00  }
0x2f: {  	_ =	swait.ge [sflag:s28], $0x400  }
0x30: {  	[sflag:s28] =	ssyncset.done $0x0  }
0x31: {  	[sflag:s28] =	ssyncadd.s32 $0xFFFFFC00  }
0x32: {  	_ =	swait.ge [sflag:s28], $0x400  }
0x33: {  	[sflag:s28] =	ssyncset.done $0x0  }
0x34: {  	[sflag:s28] =	ssyncadd.s32 $0xFFFFFC00  }
0x35: {  	_ =	swait.ge [sflag:s28], $0x400  }
0x36: {  	[sflag:s28] =	ssyncset.done $0x0  }
0x37: {  	[sflag:s28] =	ssyncadd.s32 $0xFFFFFC00  }
0x38: {  	_ =	swait.ge [sflag:s28], $0x400  }
0x39: {  	[sflag:s28] =	ssyncset.done $0x0  }
0x3a: {  	[sflag:s28] =	ssyncadd.s32 $0xFFFFFC00  }
0x3b: {  	_ =	swait.ge [sflag:s28], $0x400  }
0x3c: {  	[sflag:s28] =	ssyncset.done $0x0  }
0x3d: {  	[sflag:s28] =	ssyncadd.s32 $0xFFFFFC00  }
0x3e: {  	_ =	swait.ge [sflag:s28], $0x400  }
0x3f: {  	[sflag:s28] =	ssyncset.done $0x0  }
0x40: {  	[sflag:s28] =	ssyncadd.s32 $0xFFFFFC00  }
0x41: {  	_ =	swait.ge [sflag:s28], $0x400  }
0x42: {  	s1 =	rddreg [dreg:$0x8]  }
0x43: {  	s0 =	rddreg [dreg:$0x7];
	s1 =	sadd.s32 $0x1, s1  }
0x44: {  	p3 =	sne.s32 s1, s0  }
.Ltmp1:
0x45: {  	_ = 	snop;
	(pc) =	sbr.rel @!p3 .LBB2_33-.Ltmp1, $3  }
0x46: {  	_ =	sdelay $0x1  }
0x47: {  	[sflag:s28] =	ssyncset.done $0x0  }
0x48: {  	[sflag:s28] =	ssyncadd.s32 $0xFFFFFC00  }
.LBB2_1:
0x49: {  	[dreg:$0x8] =	wrdreg s1  }
0x4a: {  	s0 =	rddreg [dreg:$0x3];
	s19 =	simm.s32 $0x1C80;
	s20 =	simm.s32 $0x5  }
0x4b: {  	[tilespmem:s19], [sflag:$0x5] =	stream.linear.gather [hbm4b:s0+s3], $0x3900, $0x38;
	[tilespmem:$0xD980] =	vst v63  }
0x4c: {  	_ =	swait.ge [sflag:s20], $0x3900  }
0x4d: {  	s1 =	simm.s32 @p0 $0x400;
	s6 =	simm.s32 @p0 $0x0;
	[sflag:s20] =	ssyncset.done $0x0  }
0x4e: {  	s0 =	simm.s32 @p0 $0x80;
	s9 =	rddreg [dreg:$0x4];
	[sflag:s20] =	ssyncadd.s32 $0xFFFFC700  }
0x4f: {  	[tilespmem:s6], [sflag:$0x5] =	stream.strided.gather @p0 [hbm4b:s9+s0], $0xE80, s1, s0, $0x38;
	[tilespmem:$0xD980] =	vst v63  }
0x50: {  	s6 =	simm.s32 @p0 $0x5  }
0x51: {  	_ =	swait.ge @p0 [sflag:s6], $0xE80  }
0x52: {  	[sflag:s6] =	ssyncset.done @p0 $0x0  }
0x53: {  	s9 =	simm.s32 @p0 $0xF00;
	s10 =	rddreg [dreg:$0x5];
	[sflag:s6] =	ssyncadd.s32 @p0 $0xFFFFF180  }
0x54: {  	[tilespmem:s9], [sflag:$0x5] =	stream.strided.gather @p0 [hbm4b:s10+s0], $0xD00, s1, s0, $0x38;
	[tilespmem:$0xD980] =	vst v63  }
0x55: {  	_ =	swait.ge @p0 [sflag:s6], $0xD00  }
0x56: {  	s0 =	simm.s32 @!p0 $0x80;
	s1 =	simm.s32 @!p0 $0x400;
	[sflag:s6] =	ssyncset.done @p0 $0x0  }
0x57: {  	s9 =	rddreg [dreg:$0x6];
	[sflag:s6] =	ssyncadd.s32 @p0 $0xFFFFF300;
	s6 =	simm.s32 @!p0 $0x0  }
0x58: {  	[tilespmem:s6], [sflag:$0x5] =	stream.strided.gather @!p0 [hbm4b:s9+s0], $0x1C80, s1, s0, $0x38;
	[tilespmem:$0xD980] =	vst v63  }
.Ltmp2:
0x59: {  	s0 =	simm.s32 @!p0 $0x5;
	(pc) =	sbr.rel .LBB2_2-.Ltmp2, $4  }
0x5a: {  	_ =	swait.ge @!p0 [sflag:s0], $0x1C80  }
0x5b: {  	s21 =	simm.s32 $0x80;
	[sflag:s0] =	ssyncset.done @!p0 $0x0  }
0x5c: {  	s22 =	simm.s32 $0x5580;
	s31 =	simm.s32 $0x0;
	[sflag:s0] =	ssyncadd.s32 @!p0 $0xFFFFE380  }
0x5d: {  	[tilespmem:s22], [sflag:$0x1] =	stream.indirect.gather [hbm4b:s4+s21], $0x40, s3, s21, $0xb8;
	[tilespmem:$0xD980] =	vst v63  }
.LBB2_26:
0x5e: {  	_ =	sdelay $0x3  }
0x5f: {  	[tilespmem:v12+s26+$0x0] =	vst.idx.msk $0xffff, v4;
	v61 =	vadd.s32 v1, v13  }
0x60: {  	v62 =	vadd.s32 v2, v13;
	[tilespmem:v9+s26+$0x0] =	vst.idx.msk $0xffff, v4  }
0x61: {  	v63 =	vadd.s32 v3, v13;
	[tilespmem:v10+s26+$0x0] =	vst.idx.msk $0xffff, v5  }
0x62: {  	[tilespmem:v11+s26+$0x0] =	vst.idx.msk $0xffff, v6  }
0x63: {  	[tilespmem:v8+s26+$0x0] =	vst.idx.msk $0xffff, v7  }
0x64: {  	[tilespmem:v61+s26+$0x0] =	vst.idx.msk $0xffff, v5  }
0x65: {  	[tilespmem:v62+s26+$0x0] =	vst.idx.msk $0xffff, v6  }
0x66: {  	[tilespmem:v63+s26+$0x0] =	vst.idx.msk $0xffff, v7  }
.LBB2_30:
0x67: {  	s0 =	sshll.u32 s1, $0xD  }
0x68: {  	s0 =	sor.u32 s7, s0  }
0x69: {  	s1 =	sadd.s32 s2, s0  }
0x6a: {  	[hbm4b:s1+s3] =	stream.linear.scatter [tilespmem:s26], [sflag:$0x4], $0x80, $0x38;
	[tilespmem:$0xD980] =	vst v63  }
0x6b: {  	s9 =	simm.s32 $0xB808;
	s6 =	sadd.s32 $0x10, s1  }
0x6c: {  	[hbm4b:s6+s3] =	stream.linear.scatter [tilespmem:s9], [sflag:$0x4], $0x80, $0x38;
	[tilespmem:$0xD980] =	vst v63  }
0x6d: {  	s20 =	simm.s32 $0xB890;
	s19 =	sadd.s32 $0x20, s1  }
0x6e: {  	[hbm4b:s19+s3] =	stream.linear.scatter [tilespmem:s20], [sflag:$0x4], $0x80, $0x38;
	[tilespmem:$0xD980] =	vst v63  }
0x6f: {  	s22 =	simm.s32 $0xB918;
	s21 =	sadd.s32 $0x30, s1  }
0x70: {  	[hbm4b:s21+s3] =	stream.linear.scatter [tilespmem:s22], [sflag:$0x4], $0x80, $0x38;
	[tilespmem:$0xD980] =	vst v63  }
0x71: {  	s10 =	simm.s32 $0xB9A0;
	s9 =	sadd.s32 $0x40, s1  }
0x72: {  	[hbm4b:s9+s3] =	stream.linear.scatter [tilespmem:s10], [sflag:$0x4], $0x80, $0x38;
	[tilespmem:$0xD980] =	vst v63  }
0x73: {  	s11 =	sadd.s32 $0x50, s1;
	s19 =	simm.s32 $0xBA28  }
0x74: {  	[hbm4b:s11+s3] =	stream.linear.scatter [tilespmem:s19], [sflag:$0x4], $0x80, $0x38;
	[tilespmem:$0xD980] =	vst v63  }
0x75: {  	s20 =	sadd.s32 $0x60, s1;
	s21 =	simm.s32 $0xBAB0  }
0x76: {  	[hbm4b:s20+s3] =	stream.linear.scatter [tilespmem:s21], [sflag:$0x4], $0x80, $0x38;
	[tilespmem:$0xD980] =	vst v63  }
0x77: {  	s1 =	sadd.s32 $0x70, s1;
	s22 =	simm.s32 $0xBB38  }
0x78: {  	[hbm4b:s1+s3] =	stream.linear.scatter [tilespmem:s22], [sflag:$0x4], $0x80, $0x38;
	[tilespmem:$0xD980] =	vst v63  }
0x79: {  	s9 =	simm.s32 $0xBBC0;
	s1 =	sadd.s32 s0, s12  }
0x7a: {  	[hbm4b:s1+s3] =	stream.linear.scatter [tilespmem:s9], [sflag:$0x4], $0x80, $0x38;
	[tilespmem:$0xD980] =	vst v63  }
0x7b: {  	s11 =	simm.s32 $0xBC48;
	s10 =	sadd.s32 $0x10, s1  }
0x7c: {  	[hbm4b:s10+s3] =	stream.linear.scatter [tilespmem:s11], [sflag:$0x4], $0x80, $0x38;
	[tilespmem:$0xD980] =	vst v63  }
0x7d: {  	s20 =	simm.s32 $0xBCD0;
	s19 =	sadd.s32 $0x20, s1  }
0x7e: {  	[hbm4b:s19+s3] =	stream.linear.scatter [tilespmem:s20], [sflag:$0x4], $0x80, $0x38;
	[tilespmem:$0xD980] =	vst v63  }
0x7f: {  	s22 =	simm.s32 $0xBD58;
	s21 =	sadd.s32 $0x30, s1  }
0x80: {  	[hbm4b:s21+s3] =	stream.linear.scatter [tilespmem:s22], [sflag:$0x4], $0x80, $0x38;
	[tilespmem:$0xD980] =	vst v63  }
0x81: {  	s9 =	sadd.s32 $0x40, s1;
	s10 =	simm.s32 $0xBDE0  }
0x82: {  	[hbm4b:s9+s3] =	stream.linear.scatter [tilespmem:s10], [sflag:$0x4], $0x80, $0x38;
	[tilespmem:$0xD980] =	vst v63  }
0x83: {  	s11 =	sadd.s32 $0x50, s1;
	s19 =	simm.s32 $0xBE68  }
0x84: {  	[hbm4b:s11+s3] =	stream.linear.scatter [tilespmem:s19], [sflag:$0x4], $0x80, $0x38;
	[tilespmem:$0xD980] =	vst v63  }
0x85: {  	s20 =	sadd.s32 $0x60, s1;
	s21 =	simm.s32 $0xBEF0  }
0x86: {  	[hbm4b:s20+s3] =	stream.linear.scatter [tilespmem:s21], [sflag:$0x4], $0x80, $0x38;
	[tilespmem:$0xD980] =	vst v63  }
0x87: {  	s1 =	sadd.s32 $0x70, s1;
	s22 =	simm.s32 $0xBF78  }
0x88: {  	[hbm4b:s1+s3] =	stream.linear.scatter [tilespmem:s22], [sflag:$0x4], $0x80, $0x38;
	[tilespmem:$0xD980] =	vst v63  }
0x89: {  	s9 =	simm.s32 $0xC000;
	s1 =	sadd.s32 s0, s13  }
0x8a: {  	[hbm4b:s1+s3] =	stream.linear.scatter [tilespmem:s9], [sflag:$0x4], $0x80, $0x38;
	[tilespmem:$0xD980] =	vst v63  }
0x8b: {  	s11 =	simm.s32 $0xC088;
	s10 =	sadd.s32 $0x10, s1  }
0x8c: {  	[hbm4b:s10+s3] =	stream.linear.scatter [tilespmem:s11], [sflag:$0x4], $0x80, $0x38;
	[tilespmem:$0xD980] =	vst v63  }
0x8d: {  	s20 =	simm.s32 $0xC110;
	s19 =	sadd.s32 $0x20, s1  }
0x8e: {  	[hbm4b:s19+s3] =	stream.linear.scatter [tilespmem:s20], [sflag:$0x4], $0x80, $0x38;
	[tilespmem:$0xD980] =	vst v63  }
0x8f: {  	s22 =	simm.s32 $0xC198;
	s21 =	sadd.s32 $0x30, s1  }
0x90: {  	[hbm4b:s21+s3] =	stream.linear.scatter [tilespmem:s22], [sflag:$0x4], $0x80, $0x38;
	[tilespmem:$0xD980] =	vst v63  }
0x91: {  	s9 =	sadd.s32 $0x40, s1;
	s10 =	simm.s32 $0xC220  }
0x92: {  	[hbm4b:s9+s3] =	stream.linear.scatter [tilespmem:s10], [sflag:$0x4], $0x80, $0x38;
	[tilespmem:$0xD980] =	vst v63  }
0x93: {  	s11 =	sadd.s32 $0x50, s1;
	s19 =	simm.s32 $0xC2A8  }
0x94: {  	[hbm4b:s11+s3] =	stream.linear.scatter [tilespmem:s19], [sflag:$0x4], $0x80, $0x38;
	[tilespmem:$0xD980] =	vst v63  }
0x95: {  	s20 =	sadd.s32 $0x60, s1;
	s21 =	simm.s32 $0xC330  }
0x96: {  	[hbm4b:s20+s3] =	stream.linear.scatter [tilespmem:s21], [sflag:$0x4], $0x80, $0x38;
	[tilespmem:$0xD980] =	vst v63  }
0x97: {  	s1 =	sadd.s32 $0x70, s1;
	s22 =	simm.s32 $0xC3B8  }
0x98: {  	[hbm4b:s1+s3] =	stream.linear.scatter [tilespmem:s22], [sflag:$0x4], $0x80, $0x38;
	[tilespmem:$0xD980] =	vst v63  }
0x99: {  	s9 =	simm.s32 $0xC440;
	s1 =	sadd.s32 s0, s14  }
0x9a: {  	[hbm4b:s1+s3] =	stream.linear.scatter [tilespmem:s9], [sflag:$0x4], $0x80, $0x38;
	[tilespmem:$0xD980] =	vst v63  }
0x9b: {  	s11 =	simm.s32 $0xC4C8;
	s10 =	sadd.s32 $0x10, s1  }
0x9c: {  	[hbm4b:s10+s3] =	stream.linear.scatter [tilespmem:s11], [sflag:$0x4], $0x80, $0x38;
	[tilespmem:$0xD980] =	vst v63  }
0x9d: {  	s20 =	simm.s32 $0xC550;
	s19 =	sadd.s32 $0x20, s1  }
0x9e: {  	[hbm4b:s19+s3] =	stream.linear.scatter [tilespmem:s20], [sflag:$0x4], $0x80, $0x38;
	[tilespmem:$0xD980] =	vst v63  }
0x9f: {  	s22 =	simm.s32 $0xC5D8;
	s21 =	sadd.s32 $0x30, s1  }
0xa0: {  	[hbm4b:s21+s3] =	stream.linear.scatter [tilespmem:s22], [sflag:$0x4], $0x80, $0x38;
	[tilespmem:$0xD980] =	vst v63  }
0xa1: {  	s9 =	sadd.s32 $0x40, s1;
	s10 =	simm.s32 $0xC660  }
0xa2: {  	[hbm4b:s9+s3] =	stream.linear.scatter [tilespmem:s10], [sflag:$0x4], $0x80, $0x38;
	[tilespmem:$0xD980] =	vst v63  }
0xa3: {  	s11 =	sadd.s32 $0x50, s1;
	s19 =	simm.s32 $0xC6E8  }
0xa4: {  	[hbm4b:s11+s3] =	stream.linear.scatter [tilespmem:s19], [sflag:$0x4], $0x80, $0x38;
	[tilespmem:$0xD980] =	vst v63  }
0xa5: {  	s20 =	sadd.s32 $0x60, s1;
	s21 =	simm.s32 $0xC770  }
0xa6: {  	[hbm4b:s20+s3] =	stream.linear.scatter [tilespmem:s21], [sflag:$0x4], $0x80, $0x38;
	[tilespmem:$0xD980] =	vst v63  }
0xa7: {  	s1 =	sadd.s32 $0x70, s1;
	s22 =	simm.s32 $0xC7F8  }
0xa8: {  	[hbm4b:s1+s3] =	stream.linear.scatter [tilespmem:s22], [sflag:$0x4], $0x80, $0x38;
	[tilespmem:$0xD980] =	vst v63  }
0xa9: {  	s9 =	simm.s32 $0xC880;
	s1 =	sadd.s32 s0, s15  }
0xaa: {  	[hbm4b:s1+s3] =	stream.linear.scatter [tilespmem:s9], [sflag:$0x4], $0x80, $0x38;
	[tilespmem:$0xD980] =	vst v63  }
0xab: {  	s11 =	simm.s32 $0xC908;
	s10 =	sadd.s32 $0x10, s1  }
0xac: {  	[hbm4b:s10+s3] =	stream.linear.scatter [tilespmem:s11], [sflag:$0x4], $0x80, $0x38;
	[tilespmem:$0xD980] =	vst v63  }
0xad: {  	s20 =	simm.s32 $0xC990;
	s19 =	sadd.s32 $0x20, s1  }
0xae: {  	[hbm4b:s19+s3] =	stream.linear.scatter [tilespmem:s20], [sflag:$0x4], $0x80, $0x38;
	[tilespmem:$0xD980] =	vst v63  }
0xaf: {  	s22 =	simm.s32 $0xCA18;
	s21 =	sadd.s32 $0x30, s1  }
0xb0: {  	[hbm4b:s21+s3] =	stream.linear.scatter [tilespmem:s22], [sflag:$0x4], $0x80, $0x38;
	[tilespmem:$0xD980] =	vst v63  }
0xb1: {  	s9 =	sadd.s32 $0x40, s1;
	s10 =	simm.s32 $0xCAA0  }
0xb2: {  	[hbm4b:s9+s3] =	stream.linear.scatter [tilespmem:s10], [sflag:$0x4], $0x80, $0x38;
	[tilespmem:$0xD980] =	vst v63  }
0xb3: {  	s11 =	sadd.s32 $0x50, s1;
	s19 =	simm.s32 $0xCB28  }
0xb4: {  	[hbm4b:s11+s3] =	stream.linear.scatter [tilespmem:s19], [sflag:$0x4], $0x80, $0x38;
	[tilespmem:$0xD980] =	vst v63  }
0xb5: {  	s20 =	sadd.s32 $0x60, s1;
	s21 =	simm.s32 $0xCBB0  }
0xb6: {  	[hbm4b:s20+s3] =	stream.linear.scatter [tilespmem:s21], [sflag:$0x4], $0x80, $0x38;
	[tilespmem:$0xD980] =	vst v63  }
0xb7: {  	s1 =	sadd.s32 $0x70, s1;
	s22 =	simm.s32 $0xCC38  }
0xb8: {  	[hbm4b:s1+s3] =	stream.linear.scatter [tilespmem:s22], [sflag:$0x4], $0x80, $0x38;
	[tilespmem:$0xD980] =	vst v63  }
0xb9: {  	s9 =	simm.s32 $0xCCC0;
	s1 =	sadd.s32 s0, s16  }
0xba: {  	[hbm4b:s1+s3] =	stream.linear.scatter [tilespmem:s9], [sflag:$0x4], $0x80, $0x38;
	[tilespmem:$0xD980] =	vst v63  }
0xbb: {  	s11 =	simm.s32 $0xCD48;
	s10 =	sadd.s32 $0x10, s1  }
0xbc: {  	[hbm4b:s10+s3] =	stream.linear.scatter [tilespmem:s11], [sflag:$0x4], $0x80, $0x38;
	[tilespmem:$0xD980] =	vst v63  }
0xbd: {  	s20 =	simm.s32 $0xCDD0;
	s19 =	sadd.s32 $0x20, s1  }
0xbe: {  	[hbm4b:s19+s3] =	stream.linear.scatter [tilespmem:s20], [sflag:$0x4], $0x80, $0x38;
	[tilespmem:$0xD980] =	vst v63  }
0xbf: {  	s22 =	simm.s32 $0xCE58;
	s21 =	sadd.s32 $0x30, s1  }
0xc0: {  	[hbm4b:s21+s3] =	stream.linear.scatter [tilespmem:s22], [sflag:$0x4], $0x80, $0x38;
	[tilespmem:$0xD980] =	vst v63  }
0xc1: {  	s9 =	sadd.s32 $0x40, s1;
	s10 =	simm.s32 $0xCEE0  }
0xc2: {  	[hbm4b:s9+s3] =	stream.linear.scatter [tilespmem:s10], [sflag:$0x4], $0x80, $0x38;
	[tilespmem:$0xD980] =	vst v63  }
0xc3: {  	s11 =	sadd.s32 $0x50, s1;
	s19 =	simm.s32 $0xCF68  }
0xc4: {  	[hbm4b:s11+s3] =	stream.linear.scatter [tilespmem:s19], [sflag:$0x4], $0x80, $0x38;
	[tilespmem:$0xD980] =	vst v63  }
0xc5: {  	s20 =	sadd.s32 $0x60, s1;
	s21 =	simm.s32 $0xCFF0  }
0xc6: {  	[hbm4b:s20+s3] =	stream.linear.scatter [tilespmem:s21], [sflag:$0x4], $0x80, $0x38;
	[tilespmem:$0xD980] =	vst v63  }
0xc7: {  	s1 =	sadd.s32 $0x70, s1;
	s22 =	simm.s32 $0xD078  }
0xc8: {  	[hbm4b:s1+s3] =	stream.linear.scatter [tilespmem:s22], [sflag:$0x4], $0x80, $0x38;
	[tilespmem:$0xD980] =	vst v63  }
0xc9: {  	s9 =	simm.s32 $0xD100;
	s1 =	sadd.s32 s0, s17  }
0xca: {  	[hbm4b:s1+s3] =	stream.linear.scatter [tilespmem:s9], [sflag:$0x4], $0x80, $0x38;
	[tilespmem:$0xD980] =	vst v63  }
0xcb: {  	s11 =	simm.s32 $0xD188;
	s10 =	sadd.s32 $0x10, s1  }
0xcc: {  	[hbm4b:s10+s3] =	stream.linear.scatter [tilespmem:s11], [sflag:$0x4], $0x80, $0x38;
	[tilespmem:$0xD980] =	vst v63  }
0xcd: {  	s20 =	simm.s32 $0xD210;
	s19 =	sadd.s32 $0x20, s1  }
0xce: {  	[hbm4b:s19+s3] =	stream.linear.scatter [tilespmem:s20], [sflag:$0x4], $0x80, $0x38;
	[tilespmem:$0xD980] =	vst v63  }
0xcf: {  	s22 =	simm.s32 $0xD298;
	s21 =	sadd.s32 $0x30, s1  }
0xd0: {  	[hbm4b:s21+s3] =	stream.linear.scatter [tilespmem:s22], [sflag:$0x4], $0x80, $0x38;
	[tilespmem:$0xD980] =	vst v63  }
0xd1: {  	s10 =	sadd.s32 $0x40, s1;
	s11 =	simm.s32 $0xD320  }
0xd2: {  	[hbm4b:s10+s3] =	stream.linear.scatter [tilespmem:s11], [sflag:$0x4], $0x80, $0x38;
	[tilespmem:$0xD980] =	vst v63  }
0xd3: {  	s19 =	sadd.s32 $0x50, s1;
	s20 =	simm.s32 $0xD3A8  }
0xd4: {  	[hbm4b:s19+s3] =	stream.linear.scatter [tilespmem:s20], [sflag:$0x4], $0x80, $0x38;
	[tilespmem:$0xD980] =	vst v63  }
0xd5: {  	s21 =	sadd.s32 $0x60, s1;
	s22 =	simm.s32 $0xD430  }
0xd6: {  	[hbm4b:s21+s3] =	stream.linear.scatter [tilespmem:s22], [sflag:$0x4], $0x80, $0x38;
	[tilespmem:$0xD980] =	vst v63  }
0xd7: {  	s1 =	sadd.s32 $0x70, s1;
	s10 =	simm.s32 $0xD4B8  }
0xd8: {  	[hbm4b:s1+s3] =	stream.linear.scatter [tilespmem:s10], [sflag:$0x4], $0x80, $0x38;
	[tilespmem:$0xD980] =	vst v63  }
0xd9: {  	s0 =	sadd.s32 s0, s18;
	s11 =	simm.s32 $0xD540  }
0xda: {  	[hbm4b:s0+s3] =	stream.linear.scatter [tilespmem:s11], [sflag:$0x4], $0x80, $0x38;
	[tilespmem:$0xD980] =	vst v63  }
0xdb: {  	s19 =	sadd.s32 $0x10, s0;
	s20 =	simm.s32 $0xD5C8  }
0xdc: {  	[hbm4b:s19+s3] =	stream.linear.scatter [tilespmem:s20], [sflag:$0x4], $0x80, $0x38;
	[tilespmem:$0xD980] =	vst v63  }
0xdd: {  	s21 =	sadd.s32 $0x20, s0;
	s22 =	simm.s32 $0xD650  }
0xde: {  	[hbm4b:s21+s3] =	stream.linear.scatter [tilespmem:s22], [sflag:$0x4], $0x80, $0x38;
	[tilespmem:$0xD980] =	vst v63  }
0xdf: {  	s9 =	sadd.s32 $0x30, s0;
	s10 =	simm.s32 $0xD6D8  }
0xe0: {  	[hbm4b:s9+s3] =	stream.linear.scatter [tilespmem:s10], [sflag:$0x4], $0x80, $0x38;
	[tilespmem:$0xD980] =	vst v63  }
0xe1: {  	s11 =	sadd.s32 $0x40, s0;
	s19 =	simm.s32 $0xD760  }
0xe2: {  	[hbm4b:s11+s3] =	stream.linear.scatter [tilespmem:s19], [sflag:$0x4], $0x80, $0x38;
	[tilespmem:$0xD980] =	vst v63  }
0xe3: {  	s20 =	sadd.s32 $0x50, s0;
	s21 =	simm.s32 $0xD7E8  }
0xe4: {  	[hbm4b:s20+s3] =	stream.linear.scatter [tilespmem:s21], [sflag:$0x4], $0x80, $0x38;
	[tilespmem:$0xD980] =	vst v63  }
0xe5: {  	s22 =	sadd.s32 $0x60, s0  }
0xe6: {  	[hbm4b:s22+s3] =	stream.linear.scatter [tilespmem:s23], [sflag:$0x4], $0x80, $0x38;
	[tilespmem:$0xD980] =	vst v63  }
0xe7: {  	s0 =	sadd.s32 $0x70, s0  }
0xe8: {  	[hbm4b:s0+s3] =	stream.linear.scatter [tilespmem:s25], [sflag:$0x4], $0x80, $0x38;
	[tilespmem:$0xD980] =	vst v63  }
.LBB2_31:
0xe9: {  	s31 =	sadd.s32 $0x1, s31  }
0xea: {  	p3 =	sne.s32 s31, $0x39  }
.Ltmp3:
0xeb: {  	_ = 	snop;
	(pc) =	sbr.rel @!p3 .LBB2_32-.Ltmp3, $1  }
0xec: {  	_ =	sdelay $0x3  }
.LBB2_2:
0xed: {  	s1 =	sand.u32 $0x1, s31  }
0xee: {  	p3 =	seq.s32 s1, $0x1  }
.Ltmp4:
0xef: {  	_ = 	snop;
	(pc) =	sbr.rel @p3 .LBB2_17-.Ltmp4, $1  }
0xf0: {  	_ =	sdelay $0x3  }
0xf1: {  	p3 =	slt.u32 s31, $0x2  }
.Ltmp5:
0xf2: {  	_ = 	snop;
	(pc) =	sbr.rel @p3 .LBB2_7-.Ltmp5, $2  }
0xf3: {  	_ =	sdelay $0x2  }
0xf4: {  	s0 =	simm.s32 $0x1  }
0xf5: {  	_ =	swait.ge [sflag:s28], $0x400  }
0xf6: {  	[sflag:s28] =	ssyncset.done $0x0  }
0xf7: {  	[sflag:s28] =	ssyncadd.s32 $0xFFFFFC00  }
0xf8: {  	_ =	swait.ge [sflag:s28], $0x400  }
0xf9: {  	[sflag:s28] =	ssyncset.done $0x0  }
0xfa: {  	[sflag:s28] =	ssyncadd.s32 $0xFFFFFC00  }
0xfb: {  	_ =	swait.ge [sflag:s28], $0x400  }
0xfc: {  	[sflag:s28] =	ssyncset.done $0x0  }
0xfd: {  	[sflag:s28] =	ssyncadd.s32 $0xFFFFFC00  }
0xfe: {  	_ =	swait.ge [sflag:s28], $0x400  }
0xff: {  	[sflag:s28] =	ssyncset.done $0x0  }
0x100: {  	[sflag:s28] =	ssyncadd.s32 $0xFFFFFC00  }
0x101: {  	_ =	swait.ge [sflag:s28], $0x400  }
0x102: {  	[sflag:s28] =	ssyncset.done $0x0  }
0x103: {  	[sflag:s28] =	ssyncadd.s32 $0xFFFFFC00  }
0x104: {  	_ =	swait.ge [sflag:s28], $0x400  }
0x105: {  	[sflag:s28] =	ssyncset.done $0x0  }
0x106: {  	[sflag:s28] =	ssyncadd.s32 $0xFFFFFC00  }
0x107: {  	p3 =	seq.s32 s31, $0x38;
	_ =	swait.ge [sflag:s28], $0x400  }
.Ltmp6:
0x108: {  	[sflag:s28] =	ssyncset.done $0x0;
	(pc) =	sbr.rel @!p3 .LBB2_5-.Ltmp6, $4  }
0x109: {  	[sflag:s28] =	ssyncadd.s32 $0xFFFFFC00  }
0x10a: {  	_ =	swait.ge [sflag:s28], $0x400  }
0x10b: {  	[sflag:s28] =	ssyncset.done $0x0  }
0x10c: {  	[sflag:s28] =	ssyncadd.s32 $0xFFFFFC00  }
.Ltmp7:
0x10d: {  	(pc) =	sbr.rel @!p0 .LBB2_10-.Ltmp7, $1  }
0x10e: {  	_ =	sdelay $0x3  }
0x10f: {  	s0 =	simm.s32 $0x0  }
0x110: {  	v6 =	vmov s0  }
0x111: {  	v9 =	vand.u32 $0x7E, v6  }
0x112: {  	v4 =	vld [tilespmem:$0x5540];
	v11 =	vadd.s32 v0, v9  }
0x113: {  	s22 =	simm.s32 $0x1;
	v5 =	vld [tilespmem:$0x5550];
	v8 =	vadd.s32 v1, v9  }
0x114: {  	v7 =	vmov s22;
	v6 =	vld [tilespmem:$0x5560];
	v13 =	vadd.s32 v2, v9  }
0x115: {  	v12 =	vand.u32 $0x7F, v7;
	v7 =	vld [tilespmem:$0x5570];
	v9 =	vadd.s32 v3, v9  }
0x116: {  	s6 =	simm.s32 $0x2;
	s0 =	sadd.s32 s8, s31;
	v10 =	vadd.s32 v0, v12  }
.LBB2_14:
0x117: {  	p3 =	slt.u32 s6, $0x7E;
	[tilespmem:v11+s29+$0x0] =	vst.idx.msk $0xffff, v4;
	v14 =	vadd.s32 v1, v12  }
0x118: {  	v11 =	vmov s6;
	v15 =	vadd.s32 v2, v12;
	[tilespmem:v8+s29+$0x0] =	vst.idx.msk $0xffff, v5  }
0x119: {  	v17 =	vadd.s32 v3, v12;
	v16 =	vand.u32 $0x7E, v11;
	[tilespmem:v13+s29+$0x0] =	vst.idx.msk $0xffff, v6  }
.Ltmp8:
0x11a: {  	v11 =	vadd.s32 v0, v16;
	[tilespmem:v9+s29+$0x0] =	vst.idx.msk $0xffff, v7;
	(pc) =	sbr.rel @p3 .LBB2_14-.Ltmp8, $4  }
0x11b: {  	s9 =	sadd.s32 $0x1, s6;
	v8 =	vadd.s32 v1, v16;
	[tilespmem:v10+s29+$0x0] =	vst.idx.msk $0xffff, v4  }
0x11c: {  	v13 =	vadd.s32 v2, v16;
	v10 =	vmov s9;
	[tilespmem:v14+s29+$0x0] =	vst.idx.msk $0xffff, v5  }
0x11d: {  	v9 =	vadd.s32 v3, v16;
	v12 =	vand.u32 $0x7F, v10;
	[tilespmem:v15+s29+$0x0] =	vst.idx.msk $0xffff, v6  }
0x11e: {  	s6 =	sadd.s32 $0x2, s6;
	v10 =	vadd.s32 v0, v12;
	[tilespmem:v17+s29+$0x0] =	vst.idx.msk $0xffff, v7  }
0x11f: {  	_ =	sdelay $0x3  }
0x120: {  	[tilespmem:v11+s29+$0x0] =	vst.idx.msk $0xffff, v4;
	v61 =	vadd.s32 v1, v12  }
0x121: {  	v62 =	vadd.s32 v2, v12;
	[tilespmem:v10+s29+$0x0] =	vst.idx.msk $0xffff, v4  }
0x122: {  	v63 =	vadd.s32 v3, v12;
	[tilespmem:v8+s29+$0x0] =	vst.idx.msk $0xffff, v5  }
.Ltmp9:
0x123: {  	[tilespmem:v13+s29+$0x0] =	vst.idx.msk $0xffff, v6;
	(pc) =	sbr.rel .LBB2_16-.Ltmp9, $4  }
0x124: {  	[tilespmem:v9+s29+$0x0] =	vst.idx.msk $0xffff, v7  }
0x125: {  	[tilespmem:v61+s29+$0x0] =	vst.idx.msk $0xffff, v5  }
0x126: {  	[tilespmem:v62+s29+$0x0] =	vst.idx.msk $0xffff, v6  }
0x127: {  	[tilespmem:v63+s29+$0x0] =	vst.idx.msk $0xffff, v7  }
.LBB2_5:
0x128: {  	p3 =	sgt.u32 @!p1 s31, $0x1B  }
0x129: {  	p3 =	por p1, !p3  }
.Ltmp10:
0x12a: {  	_ = 	snop;
	(pc) =	sbr.rel @!p3 .LBB2_8-.Ltmp10, $2  }
0x12b: {  	_ =	sdelay $0x2  }
0x12c: {  	s0 =	sor.u32 $0x1, s31  }
0x12d: {  	s0 =	smov.u32 @p1 s0  }
.LBB2_7:
0x12e: {  	s6 =	sshll.u32 s0, $0x7  }
0x12f: {  	s9 =	simm.s32 $0x80;
	s10 =	simm.s32 $0x7580;
	s6 =	sand.u32 $0x3FFFFF80, s6  }
0x130: {  	[tilespmem:s10], [sflag:$0x2] =	stream.indirect.gather [hbm4b:s4+s9], $0x40, s6, s9, $0xb8;
	[tilespmem:$0xD980] =	vst v63  }
.LBB2_8:
0x131: {  	p3 =	slt.u32 @!p1 s31, $0x1D  }
0x132: {  	p3 =	por p3, p1  }
0x133: {  	s0 =	sshll.u32 @!p3 s0, $0x7  }
0x134: {  	s6 =	simm.s32 @!p3 $0x80;
	s9 =	simm.s32 @!p3 $0x7580;
	s0 =	sand.u32 @!p3 $0x3FFFFF80, s0  }
0x135: {  	[tilespmem:s9], [sflag:$0x2] =	stream.indirect.gather @!p3 [hbm4b:s5+s6], $0x40, s0, s6, $0xb8;
	[tilespmem:$0xD980] =	vst v63  }
.LBB2_10:
0x136: {  	_ =	swait.ge [sflag:s30], $0x2000;
	s0 =	sadd.s32 s8, s31  }
0x137: {  	[sflag:s30] =	ssyncset.done $0x0;
	s6 =	sshll.u32 s0, $0x6  }
0x138: {  	[sflag:s30] =	ssyncadd.s32 $0xFFFFE000;
	s6 =	sand.u32 $0x3FFFFFC0, s6  }
0x139: {  	s10 =	simm.s32 $0x55C0;
	s9 =	simm.s32 $0x1;
	v9 =	vld [tilespmem:s6+$0x1C80]  }
0x13a: {  	v7 =	vmov s9;
	v8 =	vld [tilespmem:s10+$0x0]  }
0x13b: {  	v14 =	vand.u32 $0x7F, v7  }
0x13c: {  	v7 =	vadd.s32 v0, v14  }
0x13d: {  	s22 =	simm.s32 $0x0;
	v6 =	vld [tilespmem:s6+$0x1C90]  }
0x13e: {  	v10 =	vmov s22;
	v11 =	vld [tilespmem:s10+$0xFFFFFFC0]  }
0x13f: {  	v18 =	vand.u32 $0x7E, v10;
	v5 =	vld [tilespmem:s6+$0x1CA0];
	v8 =	vadd.f32 v8, v9  }
0x140: {  	s20 =	simm.s32 $0x5640;
	s9 =	simm.s32 $0x3;
	v4 =	vld [tilespmem:s6+$0x1CB0];
	v10 =	vadd.s32 v0, v18  }
0x141: {  	v12 =	vld [tilespmem:s20+$0x0];
	[tilespmem:v7+s29+$0x0] =	vst.idx.msk $0xffff, v8;
	v7 =	vmov s9  }
0x142: {  	v7 =	vand.u32 $0x7F, v7;
	v13 =	vld [tilespmem:s10+$0x10]  }
0x143: {  	v8 =	vadd.f32 v11, v9;
	v11 =	vadd.s32 v0, v7  }
0x144: {  	s11 =	simm.s32 $0x2;
	v15 =	vadd.s32 v1, v14  }
0x145: {  	v16 =	vld [tilespmem:s20+$0xFFFFFFC0];
	[tilespmem:v10+s29+$0x0] =	vst.idx.msk $0xffff, v8;
	v8 =	vmov s11  }
0x146: {  	v10 =	vadd.f32 v12, v9;
	v8 =	vand.u32 $0x7E, v8;
	v12 =	vld [tilespmem:s10+$0xFFFFFFD0]  }
0x147: {  	s19 =	simm.s32 $0x5;
	s6 =	simm.s32 $0x56C0;
	v17 =	vadd.s32 v0, v8;
	v13 =	vadd.f32 v13, v6  }
0x148: {  	v19 =	vld [tilespmem:s6+$0x0];
	[tilespmem:v11+s29+$0x0] =	vst.idx.msk $0xffff, v10;
	v11 =	vadd.s32 v1, v18;
	v10 =	vmov s19  }
0x149: {  	[tilespmem:v15+s29+$0x0] =	vst.idx.msk $0xffff, v13;
	v10 =	vand.u32 $0x7F, v10;
	v13 =	vld [tilespmem:s20+$0x10]  }
0x14a: {  	v15 =	vadd.f32 v16, v9;
	v16 =	vadd.s32 v0, v10;
	v20 =	vld [tilespmem:s10+$0x20]  }
0x14b: {  	s21 =	simm.s32 $0x4;
	v21 =	vadd.s32 v1, v7;
	v12 =	vadd.f32 v12, v6  }
0x14c: {  	v22 =	vadd.s32 v2, v14;
	[tilespmem:v17+s29+$0x0] =	vst.idx.msk $0xffff, v15;
	v15 =	vmov s21;
	v17 =	vld [tilespmem:s6+$0xFFFFFFC0]  }
0x14d: {  	[tilespmem:v11+s29+$0x0] =	vst.idx.msk $0xffff, v12;
	v11 =	vand.u32 $0x7E, v15;
	v12 =	vadd.f32 v19, v9;
	v15 =	vld [tilespmem:s20+$0xFFFFFFD0]  }
0x14e: {  	s9 =	simm.s32 $0x5740;
	s11 =	simm.s32 $0x7;
	v19 =	vadd.s32 v0, v11;
	v13 =	vadd.f32 v13, v6;
	v23 =	vld [tilespmem:s10+$0xFFFFFFE0]  }
0x14f: {  	v24 =	vld [tilespmem:s9+$0x0];
	[tilespmem:v16+s29+$0x0] =	vst.idx.msk $0xffff, v12;
	v16 =	vadd.s32 v1, v8;
	v20 =	vadd.f32 v20, v5;
	v12 =	vmov s11  }
0x150: {  	[tilespmem:v21+s29+$0x0] =	vst.idx.msk $0xffff, v13;
	v21 =	vadd.s32 v2, v18;
	v12 =	vand.u32 $0x7F, v12;
	v25 =	vld [tilespmem:s6+$0x10]  }
0x151: {  	v13 =	vadd.f32 v17, v9;
	[tilespmem:v22+s29+$0x0] =	vst.idx.msk $0xffff, v20;
	v17 =	vadd.s32 v0, v12;
	v20 =	vld [tilespmem:s20+$0x20]  }
0x152: {  	s22 =	simm.s32 $0x6;
	v26 =	vadd.s32 v1, v10;
	v15 =	vadd.f32 v15, v6;
	v27 =	vld [tilespmem:s10+$0x30]  }
0x153: {  	v28 =	vadd.s32 v2, v7;
	[tilespmem:v19+s29+$0x0] =	vst.idx.msk $0xffff, v13;
	v19 =	vadd.f32 v23, v5;
	v13 =	vmov s22;
	v23 =	vld [tilespmem:s9+$0xFFFFFFC0]  }
0x154: {  	v30 =	vadd.s32 v3, v14;
	[tilespmem:v16+s29+$0x0] =	vst.idx.msk $0xffff, v15;
	v13 =	vand.u32 $0x7E, v13;
	v16 =	vadd.f32 v24, v9;
	v29 =	vld [tilespmem:s6+$0xFFFFFFD0]  }
0x155: {  	[tilespmem:v21+s29+$0x0] =	vst.idx.msk $0xffff, v19;
	v21 =	vadd.s32 v0, v13;
	v14 =	vadd.f32 v25, v6;
	v15 =	vld [tilespmem:s20+$0xFFFFFFE0]  }
0x156: {  	s19 =	simm.s32 $0x9;
	s11 =	simm.s32 $0x57C0;
	v19 =	vadd.s32 v1, v11;
	[tilespmem:v17+s29+$0x0] =	vst.idx.msk $0xffff, v16;
	v20 =	vadd.f32 v20, v5;
	v16 =	vld [tilespmem:s10+$0xFFFFFFF0]  }
0x157: {  	v22 =	vld [tilespmem:s11+$0x0];
	v24 =	vmov s19;
	v17 =	vadd.s32 v2, v8;
	[tilespmem:v26+s29+$0x0] =	vst.idx.msk $0xffff, v14;
	v27 =	vadd.f32 v27, v4  }
0x158: {  	v18 =	vadd.s32 v3, v18;
	v14 =	vand.u32 $0x7F, v24;
	v26 =	vadd.f32 v23, v9;
	v23 =	vld [tilespmem:s9+$0x10];
	[tilespmem:v28+s29+$0x0] =	vst.idx.msk $0xffff, v20  }
0x159: {  	s22 =	simm.s32 $0x8;
	s19 =	simm.s32 $0xA;
	s10 =	simm.s32 $0x57C0;
	v24 =	vadd.s32 v0, v14;
	v20 =	vld [tilespmem:s6+$0x20];
	v25 =	vadd.f32 v29, v6;
	[tilespmem:v30+s29+$0x0] =	vst.idx.msk $0xffff, v27  }
.LBB2_11:
0x15a: {  	p3 =	slt.u32 s19, $0x7E;
	[tilespmem:v21+s29+$0x0] =	vst.idx.msk $0xffff, v26;
	v26 =	vadd.s32 v1, v12;
	v15 =	vadd.f32 v15, v5;
	v27 =	vld [tilespmem:s20+$0x30];
	v28 =	vmov v11  }
0x15b: {  	v21 =	vmov s22;
	v11 =	vmovc v13;
	s22 =	smov.u32 s19;
	v29 =	vld [tilespmem:s11+$0xFFFFFFC0];
	[tilespmem:v19+s29+$0x0] =	vst.idx.msk $0xffff, v25;
	v25 =	vadd.s32 v2, v10;
	v16 =	vadd.f32 v16, v4  }
0x15c: {  	v31 =	vadd.s32 v3, v7;
	v13 =	vand.u32 $0x7E, v21;
	v19 =	vadd.f32 v22, v9;
	v30 =	vld [tilespmem:s9+$0xFFFFFFD0];
	[tilespmem:v17+s29+$0x0] =	vst.idx.msk $0xffff, v15  }
.Ltmp11:
0x15d: {  	v7 =	vmov v10;
	v21 =	vadd.s32 v0, v13;
	v17 =	vadd.f32 v23, v6;
	v15 =	vld [tilespmem:s6+$0xFFFFFFE0];
	[tilespmem:v18+s29+$0x0] =	vst.idx.msk $0xffff, v16;
	(pc) =	sbr.rel @p3 .LBB2_11-.Ltmp11, $4  }
0x15e: {  	s21 =	sadd.s32 $0x1, s19;
	s11 =	sadd.s32 $0x80, s11;
	v10 =	vmov v12;
	[tilespmem:v24+s29+$0x0] =	vst.idx.msk $0xffff, v19;
	v19 =	vadd.s32 v1, v11;
	v18 =	vadd.f32 v20, v5;
	v16 =	vld [tilespmem:s20+$0xFFFFFFF0];
	s20 =	smov.u32 s6  }
0x15f: {  	v12 =	vmovc v14;
	v20 =	vmov s21;
	s6 =	smov.u32 s9;
	s9 =	smov.u32 s10;
	s10 =	smov.u32 s11;
	v22 =	vld [tilespmem:s11+$0x0];
	[tilespmem:v26+s29+$0x0] =	vst.idx.msk $0xffff, v17;
	v17 =	vadd.s32 v2, v28;
	v27 =	vadd.f32 v27, v4  }
0x160: {  	v14 =	vand.u32 $0x7F, v20;
	v26 =	vadd.f32 v29, v9;
	v23 =	vld [tilespmem:s9+$0x10];
	[tilespmem:v25+s29+$0x0] =	vst.idx.msk $0xffff, v18;
	v18 =	vadd.s32 v3, v8  }
0x161: {  	s19 =	sadd.s32 $0x2, s19;
	v24 =	vadd.s32 v0, v14;
	v8 =	vmov v28;
	v25 =	vadd.f32 v30, v6;
	v20 =	vld [tilespmem:s6+$0x20];
	[tilespmem:v31+s29+$0x0] =	vst.idx.msk $0xffff, v27  }
0x162: {  	v27 =	vmov s22;
	v28 =	vld [tilespmem:s11+$0xFFFFFFC0]  }
0x163: {  	v27 =	vand.u32 $0x7E, v27  }
0x164: {  	v29 =	vadd.s32 v0, v27;
	_ =	sdelay $0x1  }
0x165: {  	v22 =	vadd.f32 v22, v9  }
0x166: {  	[tilespmem:v21+s29+$0x0] =	vst.idx.msk $0xffff, v26;
	v57 =	vadd.f32 v28, v9  }
0x167: {  	v21 =	vld [tilespmem:s9+$0xFFFFFFD0];
	[tilespmem:v24+s29+$0x0] =	vst.idx.msk $0xffff, v22  }
0x168: {  	v58 =	vadd.s32 v1, v12;
	v24 =	vld [tilespmem:s10+$0x10];
	[tilespmem:v29+s29+$0x0] =	vst.idx.msk $0xffff, v57  }
0x169: {  	v59 =	vadd.s32 v1, v13;
	v60 =	vld [tilespmem:s10+$0xFFFFFFD0]  }
0x16a: {  	v61 =	vadd.s32 v1, v14  }
0x16b: {  	v62 =	vadd.s32 v1, v27;
	v23 =	vadd.f32 v23, v6  }
0x16c: {  	[tilespmem:v19+s29+$0x0] =	vst.idx.msk $0xffff, v25;
	v63 =	vadd.f32 v21, v6  }
0x16d: {  	v30 =	vld [tilespmem:s6+$0xFFFFFFE0];
	[tilespmem:v58+s29+$0x0] =	vst.idx.msk $0xffff, v23;
	v31 =	vadd.f32 v24, v6  }
0x16e: {  	v32 =	vadd.s32 v2, v10;
	v33 =	vld [tilespmem:s9+$0x20];
	[tilespmem:v59+s29+$0x0] =	vst.idx.msk $0xffff, v63;
	v34 =	vadd.f32 v60, v6  }
0x16f: {  	v35 =	vadd.f32 v15, v5;
	v36 =	vadd.s32 v2, v11;
	v19 =	vld [tilespmem:s9+$0xFFFFFFE0];
	[tilespmem:v61+s29+$0x0] =	vst.idx.msk $0xffff, v31  }
0x170: {  	v37 =	vadd.s32 v2, v12;
	v16 =	vadd.f32 v16, v4;
	v38 =	vld [tilespmem:s10+$0x20];
	[tilespmem:v62+s29+$0x0] =	vst.idx.msk $0xffff, v34  }
0x171: {  	v40 =	vadd.s32 v2, v13;
	[tilespmem:v17+s29+$0x0] =	vst.idx.msk $0xffff, v35;
	v39 =	vadd.f32 v20, v5;
	v41 =	vld [tilespmem:s10+$0xFFFFFFE0]  }
0x172: {  	v42 =	vld [tilespmem:s20+$0x30];
	v44 =	vadd.s32 v2, v14;
	[tilespmem:v18+s29+$0x0] =	vst.idx.msk $0xffff, v16;
	v43 =	vadd.f32 v30, v5  }
0x173: {  	v47 =	vadd.s32 v2, v27;
	v45 =	vld [tilespmem:s20+$0xFFFFFFF0];
	[tilespmem:v32+s29+$0x0] =	vst.idx.msk $0xffff, v39;
	v46 =	vadd.f32 v33, v5  }
0x174: {  	v7 =	vadd.s32 v3, v7;
	v48 =	vld [tilespmem:s6+$0x30];
	[tilespmem:v36+s29+$0x0] =	vst.idx.msk $0xffff, v43;
	v49 =	vadd.f32 v19, v5  }
0x175: {  	v8 =	vadd.s32 v3, v8;
	v16 =	vld [tilespmem:s6+$0xFFFFFFF0];
	[tilespmem:v37+s29+$0x0] =	vst.idx.msk $0xffff, v46;
	v50 =	vadd.f32 v38, v5  }
0x176: {  	v51 =	vadd.s32 v3, v10;
	v52 =	vld [tilespmem:s9+$0x30];
	[tilespmem:v40+s29+$0x0] =	vst.idx.msk $0xffff, v49;
	v5 =	vadd.f32 v41, v5  }
0x177: {  	v54 =	vadd.s32 v3, v11;
	v53 =	vadd.f32 v42, v4;
	v15 =	vld [tilespmem:s9+$0xFFFFFFF0];
	[tilespmem:v44+s29+$0x0] =	vst.idx.msk $0xffff, v50  }
0x178: {  	v56 =	vadd.s32 v3, v12;
	v55 =	vadd.f32 v45, v4;
	v57 =	vld [tilespmem:s10+$0x30];
	[tilespmem:v47+s29+$0x0] =	vst.idx.msk $0xffff, v5  }
0x179: {  	v58 =	vadd.s32 v3, v13;
	[tilespmem:v7+s29+$0x0] =	vst.idx.msk $0xffff, v53;
	v5 =	vadd.f32 v48, v4;
	v59 =	vld [tilespmem:s10+$0xFFFFFFF0]  }
0x17a: {  	[tilespmem:v8+s29+$0x0] =	vst.idx.msk $0xffff, v55;
	v61 =	vadd.s32 v3, v14;
	v60 =	vadd.f32 v16, v4  }
0x17b: {  	v62 =	vadd.s32 v3, v27;
	[tilespmem:v51+s29+$0x0] =	vst.idx.msk $0xffff, v5;
	v5 =	vadd.f32 v52, v4  }
0x17c: {  	[tilespmem:v54+s29+$0x0] =	vst.idx.msk $0xffff, v60;
	v63 =	vadd.f32 v15, v4  }
0x17d: {  	[tilespmem:v56+s29+$0x0] =	vst.idx.msk $0xffff, v5;
	v5 =	vadd.f32 v57, v4  }
0x17e: {  	[tilespmem:v58+s29+$0x0] =	vst.idx.msk $0xffff, v63;
	v4 =	vadd.f32 v59, v4  }
0x17f: {  	[tilespmem:v61+s29+$0x0] =	vst.idx.msk $0xffff, v5  }
0x180: {  	[tilespmem:v62+s29+$0x0] =	vst.idx.msk $0xffff, v4  }
.LBB2_16:
0x181: {  	s0 =	sshll.u32 s0, $0xD  }
0x182: {  	s0 =	sor.u32 s7, s0  }
0x183: {  	s6 =	sadd.s32 s2, s0  }
0x184: {  	[hbm4b:s6+s3] =	stream.linear.scatter [tilespmem:s29], [sflag:$0x3], $0x80, $0x38;
	[tilespmem:$0xD980] =	vst v63  }
0x185: {  	s10 =	simm.s32 $0x9608;
	s9 =	sadd.s32 $0x10, s6  }
0x186: {  	[hbm4b:s9+s3] =	stream.linear.scatter [tilespmem:s10], [sflag:$0x3], $0x80, $0x38;
	[tilespmem:$0xD980] =	vst v63  }
0x187: {  	s11 =	simm.s32 $0x9690;
	s10 =	sadd.s32 $0x20, s6  }
0x188: {  	[hbm4b:s10+s3] =	stream.linear.scatter [tilespmem:s11], [sflag:$0x3], $0x80, $0x38;
	[tilespmem:$0xD980] =	vst v63  }
0x189: {  	s20 =	simm.s32 $0x9718;
	s19 =	sadd.s32 $0x30, s6  }
0x18a: {  	[hbm4b:s19+s3] =	stream.linear.scatter [tilespmem:s20], [sflag:$0x3], $0x80, $0x38;
	[tilespmem:$0xD980] =	vst v63  }
0x18b: {  	s22 =	simm.s32 $0x97A0;
	s21 =	sadd.s32 $0x40, s6  }
0x18c: {  	[hbm4b:s21+s3] =	stream.linear.scatter [tilespmem:s22], [sflag:$0x3], $0x80, $0x38;
	[tilespmem:$0xD980] =	vst v63  }
0x18d: {  	s10 =	sadd.s32 $0x50, s6;
	s11 =	simm.s32 $0x9828  }
0x18e: {  	[hbm4b:s10+s3] =	stream.linear.scatter [tilespmem:s11], [sflag:$0x3], $0x80, $0x38;
	[tilespmem:$0xD980] =	vst v63  }
0x18f: {  	s19 =	sadd.s32 $0x60, s6;
	s20 =	simm.s32 $0x98B0  }
0x190: {  	[hbm4b:s19+s3] =	stream.linear.scatter [tilespmem:s20], [sflag:$0x3], $0x80, $0x38;
	[tilespmem:$0xD980] =	vst v63  }
0x191: {  	s6 =	sadd.s32 $0x70, s6;
	s21 =	simm.s32 $0x9938  }
0x192: {  	[hbm4b:s6+s3] =	stream.linear.scatter [tilespmem:s21], [sflag:$0x3], $0x80, $0x38;
	[tilespmem:$0xD980] =	vst v63  }
0x193: {  	s22 =	simm.s32 $0x99C0;
	s6 =	sadd.s32 s0, s12  }
0x194: {  	[hbm4b:s6+s3] =	stream.linear.scatter [tilespmem:s22], [sflag:$0x3], $0x80, $0x38;
	[tilespmem:$0xD980] =	vst v63  }
0x195: {  	s11 =	simm.s32 $0x9A48;
	s10 =	sadd.s32 $0x10, s6  }
0x196: {  	[hbm4b:s10+s3] =	stream.linear.scatter [tilespmem:s11], [sflag:$0x3], $0x80, $0x38;
	[tilespmem:$0xD980] =	vst v63  }
0x197: {  	s20 =	simm.s32 $0x9AD0;
	s19 =	sadd.s32 $0x20, s6  }
0x198: {  	[hbm4b:s19+s3] =	stream.linear.scatter [tilespmem:s20], [sflag:$0x3], $0x80, $0x38;
	[tilespmem:$0xD980] =	vst v63  }
0x199: {  	s21 =	sadd.s32 $0x30, s6;
	s22 =	simm.s32 $0x9B58  }
0x19a: {  	[hbm4b:s21+s3] =	stream.linear.scatter [tilespmem:s22], [sflag:$0x3], $0x80, $0x38;
	[tilespmem:$0xD980] =	vst v63  }
0x19b: {  	s10 =	sadd.s32 $0x40, s6;
	s11 =	simm.s32 $0x9BE0  }
0x19c: {  	[hbm4b:s10+s3] =	stream.linear.scatter [tilespmem:s11], [sflag:$0x3], $0x80, $0x38;
	[tilespmem:$0xD980] =	vst v63  }
0x19d: {  	s19 =	sadd.s32 $0x50, s6;
	s20 =	simm.s32 $0x9C68  }
0x19e: {  	[hbm4b:s19+s3] =	stream.linear.scatter [tilespmem:s20], [sflag:$0x3], $0x80, $0x38;
	[tilespmem:$0xD980] =	vst v63  }
0x19f: {  	s21 =	sadd.s32 $0x60, s6;
	s22 =	simm.s32 $0x9CF0  }
0x1a0: {  	[hbm4b:s21+s3] =	stream.linear.scatter [tilespmem:s22], [sflag:$0x3], $0x80, $0x38;
	[tilespmem:$0xD980] =	vst v63  }
0x1a1: {  	s6 =	sadd.s32 $0x70, s6;
	s10 =	simm.s32 $0x9D78  }
0x1a2: {  	[hbm4b:s6+s3] =	stream.linear.scatter [tilespmem:s10], [sflag:$0x3], $0x80, $0x38;
	[tilespmem:$0xD980] =	vst v63  }
0x1a3: {  	s11 =	simm.s32 $0x9E00;
	s6 =	sadd.s32 s0, s13  }
0x1a4: {  	[hbm4b:s6+s3] =	stream.linear.scatter [tilespmem:s11], [sflag:$0x3], $0x80, $0x38;
	[tilespmem:$0xD980] =	vst v63  }
0x1a5: {  	s20 =	simm.s32 $0x9E88;
	s19 =	sadd.s32 $0x10, s6  }
0x1a6: {  	[hbm4b:s19+s3] =	stream.linear.scatter [tilespmem:s20], [sflag:$0x3], $0x80, $0x38;
	[tilespmem:$0xD980] =	vst v63  }
0x1a7: {  	s22 =	simm.s32 $0x9F10;
	s21 =	sadd.s32 $0x20, s6  }
0x1a8: {  	[hbm4b:s21+s3] =	stream.linear.scatter [tilespmem:s22], [sflag:$0x3], $0x80, $0x38;
	[tilespmem:$0xD980] =	vst v63  }
0x1a9: {  	s10 =	sadd.s32 $0x30, s6;
	s11 =	simm.s32 $0x9F98  }
0x1aa: {  	[hbm4b:s10+s3] =	stream.linear.scatter [tilespmem:s11], [sflag:$0x3], $0x80, $0x38;
	[tilespmem:$0xD980] =	vst v63  }
0x1ab: {  	s19 =	sadd.s32 $0x40, s6;
	s20 =	simm.s32 $0xA020  }
0x1ac: {  	[hbm4b:s19+s3] =	stream.linear.scatter [tilespmem:s20], [sflag:$0x3], $0x80, $0x38;
	[tilespmem:$0xD980] =	vst v63  }
0x1ad: {  	s21 =	sadd.s32 $0x50, s6;
	s22 =	simm.s32 $0xA0A8  }
0x1ae: {  	[hbm4b:s21+s3] =	stream.linear.scatter [tilespmem:s22], [sflag:$0x3], $0x80, $0x38;
	[tilespmem:$0xD980] =	vst v63  }
0x1af: {  	s10 =	sadd.s32 $0x60, s6;
	s11 =	simm.s32 $0xA130  }
0x1b0: {  	[hbm4b:s10+s3] =	stream.linear.scatter [tilespmem:s11], [sflag:$0x3], $0x80, $0x38;
	[tilespmem:$0xD980] =	vst v63  }
0x1b1: {  	s6 =	sadd.s32 $0x70, s6;
	s19 =	simm.s32 $0xA1B8  }
0x1b2: {  	[hbm4b:s6+s3] =	stream.linear.scatter [tilespmem:s19], [sflag:$0x3], $0x80, $0x38;
	[tilespmem:$0xD980] =	vst v63  }
0x1b3: {  	s20 =	simm.s32 $0xA240;
	s6 =	sadd.s32 s0, s14  }
0x1b4: {  	[hbm4b:s6+s3] =	stream.linear.scatter [tilespmem:s20], [sflag:$0x3], $0x80, $0x38;
	[tilespmem:$0xD980] =	vst v63  }
0x1b5: {  	s22 =	simm.s32 $0xA2C8;
	s21 =	sadd.s32 $0x10, s6  }
0x1b6: {  	[hbm4b:s21+s3] =	stream.linear.scatter [tilespmem:s22], [sflag:$0x3], $0x80, $0x38;
	[tilespmem:$0xD980] =	vst v63  }
0x1b7: {  	s11 =	simm.s32 $0xA350;
	s10 =	sadd.s32 $0x20, s6  }
0x1b8: {  	[hbm4b:s10+s3] =	stream.linear.scatter [tilespmem:s11], [sflag:$0x3], $0x80, $0x38;
	[tilespmem:$0xD980] =	vst v63  }
0x1b9: {  	s19 =	sadd.s32 $0x30, s6;
	s20 =	simm.s32 $0xA3D8  }
0x1ba: {  	[hbm4b:s19+s3] =	stream.linear.scatter [tilespmem:s20], [sflag:$0x3], $0x80, $0x38;
	[tilespmem:$0xD980] =	vst v63  }
0x1bb: {  	s21 =	sadd.s32 $0x40, s6;
	s22 =	simm.s32 $0xA460  }
0x1bc: {  	[hbm4b:s21+s3] =	stream.linear.scatter [tilespmem:s22], [sflag:$0x3], $0x80, $0x38;
	[tilespmem:$0xD980] =	vst v63  }
0x1bd: {  	s10 =	sadd.s32 $0x50, s6;
	s11 =	simm.s32 $0xA4E8  }
0x1be: {  	[hbm4b:s10+s3] =	stream.linear.scatter [tilespmem:s11], [sflag:$0x3], $0x80, $0x38;
	[tilespmem:$0xD980] =	vst v63  }
0x1bf: {  	s19 =	sadd.s32 $0x60, s6;
	s20 =	simm.s32 $0xA570  }
0x1c0: {  	[hbm4b:s19+s3] =	stream.linear.scatter [tilespmem:s20], [sflag:$0x3], $0x80, $0x38;
	[tilespmem:$0xD980] =	vst v63  }
0x1c1: {  	s6 =	sadd.s32 $0x70, s6;
	s21 =	simm.s32 $0xA5F8  }
0x1c2: {  	[hbm4b:s6+s3] =	stream.linear.scatter [tilespmem:s21], [sflag:$0x3], $0x80, $0x38;
	[tilespmem:$0xD980] =	vst v63  }
0x1c3: {  	s22 =	simm.s32 $0xA680;
	s6 =	sadd.s32 s0, s15  }
0x1c4: {  	[hbm4b:s6+s3] =	stream.linear.scatter [tilespmem:s22], [sflag:$0x3], $0x80, $0x38;
	[tilespmem:$0xD980] =	vst v63  }
0x1c5: {  	s11 =	simm.s32 $0xA708;
	s10 =	sadd.s32 $0x10, s6  }
0x1c6: {  	[hbm4b:s10+s3] =	stream.linear.scatter [tilespmem:s11], [sflag:$0x3], $0x80, $0x38;
	[tilespmem:$0xD980] =	vst v63  }
0x1c7: {  	s20 =	simm.s32 $0xA790;
	s19 =	sadd.s32 $0x20, s6  }
0x1c8: {  	[hbm4b:s19+s3] =	stream.linear.scatter [tilespmem:s20], [sflag:$0x3], $0x80, $0x38;
	[tilespmem:$0xD980] =	vst v63  }
0x1c9: {  	s21 =	sadd.s32 $0x30, s6;
	s22 =	simm.s32 $0xA818  }
0x1ca: {  	[hbm4b:s21+s3] =	stream.linear.scatter [tilespmem:s22], [sflag:$0x3], $0x80, $0x38;
	[tilespmem:$0xD980] =	vst v63  }
0x1cb: {  	s10 =	sadd.s32 $0x40, s6;
	s11 =	simm.s32 $0xA8A0  }
0x1cc: {  	[hbm4b:s10+s3] =	stream.linear.scatter [tilespmem:s11], [sflag:$0x3], $0x80, $0x38;
	[tilespmem:$0xD980] =	vst v63  }
0x1cd: {  	s19 =	sadd.s32 $0x50, s6;
	s20 =	simm.s32 $0xA928  }
0x1ce: {  	[hbm4b:s19+s3] =	stream.linear.scatter [tilespmem:s20], [sflag:$0x3], $0x80, $0x38;
	[tilespmem:$0xD980] =	vst v63  }
0x1cf: {  	s21 =	sadd.s32 $0x60, s6;
	s22 =	simm.s32 $0xA9B0  }
0x1d0: {  	[hbm4b:s21+s3] =	stream.linear.scatter [tilespmem:s22], [sflag:$0x3], $0x80, $0x38;
	[tilespmem:$0xD980] =	vst v63  }
0x1d1: {  	s6 =	sadd.s32 $0x70, s6;
	s10 =	simm.s32 $0xAA38  }
0x1d2: {  	[hbm4b:s6+s3] =	stream.linear.scatter [tilespmem:s10], [sflag:$0x3], $0x80, $0x38;
	[tilespmem:$0xD980] =	vst v63  }
0x1d3: {  	s11 =	simm.s32 $0xAAC0;
	s6 =	sadd.s32 s0, s16  }
0x1d4: {  	[hbm4b:s6+s3] =	stream.linear.scatter [tilespmem:s11], [sflag:$0x3], $0x80, $0x38;
	[tilespmem:$0xD980] =	vst v63  }
0x1d5: {  	s20 =	simm.s32 $0xAB48;
	s19 =	sadd.s32 $0x10, s6  }
0x1d6: {  	[hbm4b:s19+s3] =	stream.linear.scatter [tilespmem:s20], [sflag:$0x3], $0x80, $0x38;
	[tilespmem:$0xD980] =	vst v63  }
0x1d7: {  	s22 =	simm.s32 $0xABD0;
	s21 =	sadd.s32 $0x20, s6  }
0x1d8: {  	[hbm4b:s21+s3] =	stream.linear.scatter [tilespmem:s22], [sflag:$0x3], $0x80, $0x38;
	[tilespmem:$0xD980] =	vst v63  }
0x1d9: {  	s10 =	sadd.s32 $0x30, s6;
	s11 =	simm.s32 $0xAC58  }
0x1da: {  	[hbm4b:s10+s3] =	stream.linear.scatter [tilespmem:s11], [sflag:$0x3], $0x80, $0x38;
	[tilespmem:$0xD980] =	vst v63  }
0x1db: {  	s19 =	sadd.s32 $0x40, s6;
	s20 =	simm.s32 $0xACE0  }
0x1dc: {  	[hbm4b:s19+s3] =	stream.linear.scatter [tilespmem:s20], [sflag:$0x3], $0x80, $0x38;
	[tilespmem:$0xD980] =	vst v63  }
0x1dd: {  	s21 =	sadd.s32 $0x50, s6;
	s22 =	simm.s32 $0xAD68  }
0x1de: {  	[hbm4b:s21+s3] =	stream.linear.scatter [tilespmem:s22], [sflag:$0x3], $0x80, $0x38;
	[tilespmem:$0xD980] =	vst v63  }
0x1df: {  	s10 =	sadd.s32 $0x60, s6;
	s11 =	simm.s32 $0xADF0  }
0x1e0: {  	[hbm4b:s10+s3] =	stream.linear.scatter [tilespmem:s11], [sflag:$0x3], $0x80, $0x38;
	[tilespmem:$0xD980] =	vst v63  }
0x1e1: {  	s6 =	sadd.s32 $0x70, s6;
	s19 =	simm.s32 $0xAE78  }
0x1e2: {  	[hbm4b:s6+s3] =	stream.linear.scatter [tilespmem:s19], [sflag:$0x3], $0x80, $0x38;
	[tilespmem:$0xD980] =	vst v63  }
0x1e3: {  	s20 =	simm.s32 $0xAF00;
	s6 =	sadd.s32 s0, s17  }
0x1e4: {  	[hbm4b:s6+s3] =	stream.linear.scatter [tilespmem:s20], [sflag:$0x3], $0x80, $0x38;
	[tilespmem:$0xD980] =	vst v63  }
0x1e5: {  	s22 =	simm.s32 $0xAF88;
	s21 =	sadd.s32 $0x10, s6  }
0x1e6: {  	[hbm4b:s21+s3] =	stream.linear.scatter [tilespmem:s22], [sflag:$0x3], $0x80, $0x38;
	[tilespmem:$0xD980] =	vst v63  }
0x1e7: {  	s11 =	simm.s32 $0xB010;
	s10 =	sadd.s32 $0x20, s6  }
0x1e8: {  	[hbm4b:s10+s3] =	stream.linear.scatter [tilespmem:s11], [sflag:$0x3], $0x80, $0x38;
	[tilespmem:$0xD980] =	vst v63  }
0x1e9: {  	s19 =	sadd.s32 $0x30, s6;
	s20 =	simm.s32 $0xB098  }
0x1ea: {  	[hbm4b:s19+s3] =	stream.linear.scatter [tilespmem:s20], [sflag:$0x3], $0x80, $0x38;
	[tilespmem:$0xD980] =	vst v63  }
0x1eb: {  	s21 =	sadd.s32 $0x40, s6;
	s22 =	simm.s32 $0xB120  }
0x1ec: {  	[hbm4b:s21+s3] =	stream.linear.scatter [tilespmem:s22], [sflag:$0x3], $0x80, $0x38;
	[tilespmem:$0xD980] =	vst v63  }
0x1ed: {  	s11 =	sadd.s32 $0x50, s6;
	s19 =	simm.s32 $0xB1A8  }
0x1ee: {  	[hbm4b:s11+s3] =	stream.linear.scatter [tilespmem:s19], [sflag:$0x3], $0x80, $0x38;
	[tilespmem:$0xD980] =	vst v63  }
0x1ef: {  	s20 =	sadd.s32 $0x60, s6;
	s21 =	simm.s32 $0xB230  }
0x1f0: {  	[hbm4b:s20+s3] =	stream.linear.scatter [tilespmem:s21], [sflag:$0x3], $0x80, $0x38;
	[tilespmem:$0xD980] =	vst v63  }
0x1f1: {  	s6 =	sadd.s32 $0x70, s6;
	s22 =	simm.s32 $0xB2B8  }
0x1f2: {  	[hbm4b:s6+s3] =	stream.linear.scatter [tilespmem:s22], [sflag:$0x3], $0x80, $0x38;
	[tilespmem:$0xD980] =	vst v63  }
0x1f3: {  	s9 =	simm.s32 $0xB340;
	s0 =	sadd.s32 s0, s18  }
0x1f4: {  	[hbm4b:s0+s3] =	stream.linear.scatter [tilespmem:s9], [sflag:$0x3], $0x80, $0x38;
	[tilespmem:$0xD980] =	vst v63  }
0x1f5: {  	s10 =	sadd.s32 $0x10, s0;
	s11 =	simm.s32 $0xB3C8  }
0x1f6: {  	[hbm4b:s10+s3] =	stream.linear.scatter [tilespmem:s11], [sflag:$0x3], $0x80, $0x38;
	[tilespmem:$0xD980] =	vst v63  }
0x1f7: {  	s19 =	sadd.s32 $0x20, s0;
	s20 =	simm.s32 $0xB450  }
0x1f8: {  	[hbm4b:s19+s3] =	stream.linear.scatter [tilespmem:s20], [sflag:$0x3], $0x80, $0x38;
	[tilespmem:$0xD980] =	vst v63  }
0x1f9: {  	s21 =	sadd.s32 $0x30, s0;
	s22 =	simm.s32 $0xB4D8  }
0x1fa: {  	[hbm4b:s21+s3] =	stream.linear.scatter [tilespmem:s22], [sflag:$0x3], $0x80, $0x38;
	[tilespmem:$0xD980] =	vst v63  }
0x1fb: {  	s9 =	sadd.s32 $0x40, s0;
	s10 =	simm.s32 $0xB560  }
0x1fc: {  	[hbm4b:s9+s3] =	stream.linear.scatter [tilespmem:s10], [sflag:$0x3], $0x80, $0x38;
	[tilespmem:$0xD980] =	vst v63  }
0x1fd: {  	p3 =	seq.s32 s1, $0x0;
	s11 =	sadd.s32 $0x50, s0;
	s19 =	simm.s32 $0xB5E8  }
0x1fe: {  	[hbm4b:s11+s3] =	stream.linear.scatter [tilespmem:s19], [sflag:$0x3], $0x80, $0x38;
	[tilespmem:$0xD980] =	vst v63  }
.Ltmp12:
0x1ff: {  	_ = 	snop;
	(pc) =	sbr.rel @p3 .LBB2_31-.Ltmp12, $4  }
0x200: {  	s20 =	sadd.s32 $0x60, s0;
	s21 =	simm.s32 $0xB670  }
0x201: {  	[hbm4b:s20+s3] =	stream.linear.scatter [tilespmem:s21], [sflag:$0x3], $0x80, $0x38;
	[tilespmem:$0xD980] =	vst v63  }
0x202: {  	s0 =	sadd.s32 $0x70, s0;
	s22 =	simm.s32 $0xB6F8  }
0x203: {  	[hbm4b:s0+s3] =	stream.linear.scatter [tilespmem:s22], [sflag:$0x3], $0x80, $0x38;
	[tilespmem:$0xD980] =	vst v63  }
.LBB2_17:
0x204: {  	p3 =	slt.u32 s31, $0x2  }
.Ltmp13:
0x205: {  	_ = 	snop;
	(pc) =	sbr.rel @p3 .LBB2_21-.Ltmp13, $2  }
0x206: {  	_ =	sdelay $0x2  }
0x207: {  	s0 =	simm.s32 $0x2  }
0x208: {  	_ =	swait.ge [sflag:s24], $0x400  }
0x209: {  	[sflag:s24] =	ssyncset.done $0x0  }
0x20a: {  	[sflag:s24] =	ssyncadd.s32 $0xFFFFFC00  }
0x20b: {  	_ =	swait.ge [sflag:s24], $0x400  }
0x20c: {  	[sflag:s24] =	ssyncset.done $0x0  }
0x20d: {  	[sflag:s24] =	ssyncadd.s32 $0xFFFFFC00  }
0x20e: {  	_ =	swait.ge [sflag:s24], $0x400  }
0x20f: {  	[sflag:s24] =	ssyncset.done $0x0  }
0x210: {  	[sflag:s24] =	ssyncadd.s32 $0xFFFFFC00  }
0x211: {  	_ =	swait.ge [sflag:s24], $0x400  }
0x212: {  	[sflag:s24] =	ssyncset.done $0x0  }
0x213: {  	[sflag:s24] =	ssyncadd.s32 $0xFFFFFC00  }
0x214: {  	_ =	swait.ge [sflag:s24], $0x400  }
0x215: {  	[sflag:s24] =	ssyncset.done $0x0  }
0x216: {  	[sflag:s24] =	ssyncadd.s32 $0xFFFFFC00  }
0x217: {  	_ =	swait.ge [sflag:s24], $0x400  }
0x218: {  	[sflag:s24] =	ssyncset.done $0x0  }
0x219: {  	[sflag:s24] =	ssyncadd.s32 $0xFFFFFC00  }
0x21a: {  	p4 =	seq.s32 s31, $0x38;
	_ =	swait.ge [sflag:s24], $0x400  }
.Ltmp14:
0x21b: {  	[sflag:s24] =	ssyncset.done $0x0;
	(pc) =	sbr.rel @p4 .LBB2_23-.Ltmp14, $4  }
0x21c: {  	[sflag:s24] =	ssyncadd.s32 $0xFFFFFC00  }
0x21d: {  	_ =	swait.ge [sflag:s24], $0x400  }
0x21e: {  	[sflag:s24] =	ssyncset.done $0x0  }
0x21f: {  	p3 =	por $0x0, $0x0;
	[sflag:s24] =	ssyncadd.s32 $0xFFFFFC00  }
0x220: {  	p3 =	sgt.u32 @!p1 s31, $0x1B  }
0x221: {  	p3 =	por p1, !p3  }
.Ltmp15:
0x222: {  	_ = 	snop;
	(pc) =	sbr.rel @!p3 .LBB2_22-.Ltmp15, $2  }
0x223: {  	_ =	sdelay $0x2  }
0x224: {  	s0 =	sadd.s32 $0x1, s31  }
0x225: {  	s0 =	smov.u32 @p1 s0  }
.LBB2_21:
0x226: {  	s1 =	sshll.u32 s0, $0x7  }
0x227: {  	s6 =	simm.s32 $0x80;
	s9 =	simm.s32 $0x5580;
	s1 =	sand.u32 $0x3FFFFF80, s1  }
0x228: {  	[tilespmem:s9], [sflag:$0x1] =	stream.indirect.gather [hbm4b:s4+s6], $0x40, s1, s6, $0xb8;
	[tilespmem:$0xD980] =	vst v63  }
.LBB2_22:
0x229: {  	p3 =	slt.u32 @!p1 s31, $0x1D  }
0x22a: {  	p4 =	por p3, p1  }
0x22b: {  	p4 =	seq.s32 @!p4 s0, $0x38  }
0x22c: {  	p5 =	por @!p1 p4, p3  }
0x22d: {  	p5 =	por p5, p1  }
0x22e: {  	p4 =	por @!p1 !p4, p3;
	s0 =	sshll.u32 @!p5 s0, $0x7  }
0x22f: {  	s1 =	simm.s32 @!p5 $0x80;
	s6 =	simm.s32 @!p5 $0x5580;
	s0 =	sand.u32 @!p5 $0x3FFFFF80, s0  }
0x230: {  	[tilespmem:s6], [sflag:$0x1] =	stream.indirect.gather @!p5 [hbm4b:s5+s1], $0x40, s0, s1, $0xb8;
	[tilespmem:$0xD980] =	vst v63  }
0x231: {  	p6 =	por $0x1, $0x1;
	p4 =	por !p4, p1;
	p5 =	por @!p5 $0x1, $0x1  }
0x232: {  	p3 =	por !p3, p1;
	p6 =	por @!p4 p5, p5  }
0x233: {  	p6 =	por @!p3 p2, p2;
	p3 =	por $0x1, $0x1  }
0x234: {  	p3 =	por @!p1 p6, p6  }
.LBB2_23:
0x235: {  	p4 =	sne.s32 s31, $0x1D  }
0x236: {  	p3 =	por !p4, !p3  }
0x237: {  	p3 =	por !p3, !p3  }
0x238: {  	p3 =	por p1, p3  }
.Ltmp16:
0x239: {  	_ = 	snop;
	(pc) =	sbr.rel @p3 .LBB2_27-.Ltmp16, $1  }
0x23a: {  	_ =	sdelay $0x3  }
0x23b: {  	s1 =	sadd.s32 s8, s31;
	s21 =	simm.s32 $0x0  }
0x23c: {  	s0 =	sshll.u32 s1, $0x6;
	v8 =	vmov s21  }
0x23d: {  	s0 =	sand.u32 $0x3FFFFFC0, s0;
	v8 =	vand.u32 $0x7E, v8  }
0x23e: {  	v4 =	vld [tilespmem:s0+$0x1C80];
	v12 =	vadd.s32 v0, v8  }
0x23f: {  	s22 =	simm.s32 $0x1;
	v5 =	vld [tilespmem:s0+$0x1C90];
	v10 =	vadd.s32 v1, v8  }
0x240: {  	v9 =	vmov s22;
	v6 =	vld [tilespmem:s0+$0x1CA0];
	v11 =	vadd.s32 v2, v8  }
0x241: {  	v13 =	vand.u32 $0x7F, v9;
	v7 =	vld [tilespmem:s0+$0x1CB0];
	v8 =	vadd.s32 v3, v8  }
0x242: {  	v9 =	vadd.s32 v0, v13;
	s0 =	simm.s32 $0x2  }
.LBB2_25:
0x243: {  	p3 =	slt.u32 s0, $0x7E;
	[tilespmem:v12+s26+$0x0] =	vst.idx.msk $0xffff, v4;
	v14 =	vadd.s32 v1, v13  }
0x244: {  	v12 =	vmov s0;
	v15 =	vadd.s32 v2, v13;
	[tilespmem:v10+s26+$0x0] =	vst.idx.msk $0xffff, v5  }
0x245: {  	v17 =	vadd.s32 v3, v13;
	v16 =	vand.u32 $0x7E, v12;
	[tilespmem:v11+s26+$0x0] =	vst.idx.msk $0xffff, v6  }
.Ltmp17:
0x246: {  	v12 =	vadd.s32 v0, v16;
	[tilespmem:v8+s26+$0x0] =	vst.idx.msk $0xffff, v7;
	(pc) =	sbr.rel @p3 .LBB2_25-.Ltmp17, $4  }
0x247: {  	s6 =	sadd.s32 $0x1, s0;
	v10 =	vadd.s32 v1, v16;
	[tilespmem:v9+s26+$0x0] =	vst.idx.msk $0xffff, v4  }
0x248: {  	v11 =	vadd.s32 v2, v16;
	v9 =	vmov s6;
	[tilespmem:v14+s26+$0x0] =	vst.idx.msk $0xffff, v5  }
0x249: {  	v8 =	vadd.s32 v3, v16;
	v13 =	vand.u32 $0x7F, v9;
	[tilespmem:v15+s26+$0x0] =	vst.idx.msk $0xffff, v6  }
0x24a: {  	s0 =	sadd.s32 $0x2, s0;
	v9 =	vadd.s32 v0, v13;
	[tilespmem:v17+s26+$0x0] =	vst.idx.msk $0xffff, v7  }
.Ltmp18:
0x24b: {  	_ = 	snop;
	(pc) =	sbr.rel .LBB2_26-.Ltmp18, $1  }
0x24c: {  	_ =	sdelay $0x3  }
.LBB2_27:
0x24d: {  	s6 =	simm.s32 $0x2  }
0x24e: {  	s1 =	sadd.s32 s8, s31;
	_ =	swait.ge [sflag:s6], $0x2000  }
0x24f: {  	s0 =	sshll.u32 s1, $0x6;
	[sflag:s6] =	ssyncset.done $0x0  }
0x250: {  	s0 =	sand.u32 $0x3FFFFFC0, s0;
	[sflag:s6] =	ssyncadd.s32 $0xFFFFE000  }
0x251: {  	s10 =	simm.s32 $0x75F0;
	s11 =	simm.s32 $0x1;
	v9 =	vld [tilespmem:s0+$0x1C80]  }
0x252: {  	v7 =	vmov s11;
	v8 =	vld [tilespmem:s10+$0xFFFFFFD0]  }
0x253: {  	v14 =	vand.u32 $0x7F, v7  }
0x254: {  	v7 =	vadd.s32 v0, v14  }
0x255: {  	s9 =	simm.s32 $0x0;
	v6 =	vld [tilespmem:s0+$0x1C90]  }
0x256: {  	v10 =	vmov s9;
	v11 =	vld [tilespmem:s10+$0xFFFFFF90]  }
0x257: {  	v18 =	vand.u32 $0x7E, v10;
	v5 =	vld [tilespmem:s0+$0x1CA0];
	v8 =	vadd.f32 v8, v9  }
0x258: {  	s19 =	simm.s32 $0x3;
	v10 =	vadd.s32 v0, v18;
	v4 =	vld [tilespmem:s0+$0x1CB0];
	s0 =	simm.s32 $0x7670  }
0x259: {  	v12 =	vld [tilespmem:s0+$0xFFFFFFD0];
	[tilespmem:v7+s26+$0x0] =	vst.idx.msk $0xffff, v8;
	v7 =	vmov s19  }
0x25a: {  	v7 =	vand.u32 $0x7F, v7;
	v13 =	vld [tilespmem:s10+$0xFFFFFFE0]  }
0x25b: {  	v8 =	vadd.f32 v11, v9;
	v11 =	vadd.s32 v0, v7  }
0x25c: {  	s20 =	simm.s32 $0x2;
	v15 =	vadd.s32 v1, v14  }
0x25d: {  	v16 =	vld [tilespmem:s0+$0xFFFFFF90];
	[tilespmem:v10+s26+$0x0] =	vst.idx.msk $0xffff, v8;
	v8 =	vmov s20  }
0x25e: {  	v10 =	vadd.f32 v12, v9;
	v8 =	vand.u32 $0x7E, v8;
	v12 =	vld [tilespmem:s10+$0xFFFFFFA0]  }
0x25f: {  	s9 =	simm.s32 $0x5;
	s6 =	simm.s32 $0x76F0;
	v17 =	vadd.s32 v0, v8;
	v13 =	vadd.f32 v13, v6  }
0x260: {  	v19 =	vld [tilespmem:s6+$0xFFFFFFD0];
	[tilespmem:v11+s26+$0x0] =	vst.idx.msk $0xffff, v10;
	v11 =	vadd.s32 v1, v18;
	v10 =	vmov s9  }
0x261: {  	[tilespmem:v15+s26+$0x0] =	vst.idx.msk $0xffff, v13;
	v10 =	vand.u32 $0x7F, v10;
	v13 =	vld [tilespmem:s0+$0xFFFFFFE0]  }
0x262: {  	v15 =	vadd.f32 v16, v9;
	v16 =	vadd.s32 v0, v10;
	v20 =	vld [tilespmem:s10+$0xFFFFFFF0]  }
0x263: {  	s21 =	simm.s32 $0x4;
	v21 =	vadd.s32 v1, v7;
	v12 =	vadd.f32 v12, v6  }
0x264: {  	v22 =	vadd.s32 v2, v14;
	[tilespmem:v17+s26+$0x0] =	vst.idx.msk $0xffff, v15;
	v15 =	vmov s21;
	v17 =	vld [tilespmem:s6+$0xFFFFFF90]  }
0x265: {  	[tilespmem:v11+s26+$0x0] =	vst.idx.msk $0xffff, v12;
	v11 =	vand.u32 $0x7E, v15;
	v12 =	vadd.f32 v19, v9;
	v15 =	vld [tilespmem:s0+$0xFFFFFFA0]  }
0x266: {  	s11 =	simm.s32 $0x7;
	s9 =	simm.s32 $0x7770;
	v19 =	vadd.s32 v0, v11;
	v13 =	vadd.f32 v13, v6;
	v23 =	vld [tilespmem:s10+$0xFFFFFFB0]  }
0x267: {  	v24 =	vld [tilespmem:s9+$0xFFFFFFD0];
	[tilespmem:v16+s26+$0x0] =	vst.idx.msk $0xffff, v12;
	v16 =	vadd.s32 v1, v8;
	v20 =	vadd.f32 v20, v5;
	v12 =	vmov s11  }
0x268: {  	[tilespmem:v21+s26+$0x0] =	vst.idx.msk $0xffff, v13;
	v21 =	vadd.s32 v2, v18;
	v12 =	vand.u32 $0x7F, v12;
	v25 =	vld [tilespmem:s6+$0xFFFFFFE0]  }
0x269: {  	v13 =	vadd.f32 v17, v9;
	[tilespmem:v22+s26+$0x0] =	vst.idx.msk $0xffff, v20;
	v17 =	vadd.s32 v0, v12;
	v20 =	vld [tilespmem:s0+$0xFFFFFFF0]  }
0x26a: {  	s22 =	simm.s32 $0x6;
	v26 =	vadd.s32 v1, v10;
	v15 =	vadd.f32 v15, v6;
	v27 =	vld [tilespmem:s10+$0x0]  }
0x26b: {  	v28 =	vadd.s32 v2, v7;
	[tilespmem:v19+s26+$0x0] =	vst.idx.msk $0xffff, v13;
	v19 =	vadd.f32 v23, v5;
	v13 =	vmov s22;
	v23 =	vld [tilespmem:s9+$0xFFFFFF90]  }
0x26c: {  	v30 =	vadd.s32 v3, v14;
	[tilespmem:v16+s26+$0x0] =	vst.idx.msk $0xffff, v15;
	v13 =	vand.u32 $0x7E, v13;
	v16 =	vadd.f32 v24, v9;
	v29 =	vld [tilespmem:s6+$0xFFFFFFA0]  }
0x26d: {  	[tilespmem:v21+s26+$0x0] =	vst.idx.msk $0xffff, v19;
	v21 =	vadd.s32 v0, v13;
	v14 =	vadd.f32 v25, v6;
	v15 =	vld [tilespmem:s0+$0xFFFFFFB0]  }
0x26e: {  	s19 =	simm.s32 $0x9;
	s11 =	simm.s32 $0x77F0;
	v19 =	vadd.s32 v1, v11;
	[tilespmem:v17+s26+$0x0] =	vst.idx.msk $0xffff, v16;
	v20 =	vadd.f32 v20, v5;
	v16 =	vld [tilespmem:s10+$0xFFFFFFC0]  }
0x26f: {  	v22 =	vld [tilespmem:s11+$0xFFFFFFD0];
	v24 =	vmov s19;
	v17 =	vadd.s32 v2, v8;
	[tilespmem:v26+s26+$0x0] =	vst.idx.msk $0xffff, v14;
	v27 =	vadd.f32 v27, v4  }
0x270: {  	v18 =	vadd.s32 v3, v18;
	v14 =	vand.u32 $0x7F, v24;
	v26 =	vadd.f32 v23, v9;
	v23 =	vld [tilespmem:s9+$0xFFFFFFE0];
	[tilespmem:v28+s26+$0x0] =	vst.idx.msk $0xffff, v20  }
0x271: {  	s20 =	simm.s32 $0x8;
	s19 =	simm.s32 $0xA;
	s10 =	simm.s32 $0x77F0;
	v24 =	vadd.s32 v0, v14;
	v20 =	vld [tilespmem:s6+$0xFFFFFFF0];
	v25 =	vadd.f32 v29, v6;
	[tilespmem:v30+s26+$0x0] =	vst.idx.msk $0xffff, v27  }
.LBB2_28:
0x272: {  	p3 =	slt.u32 s19, $0x7E;
	[tilespmem:v21+s26+$0x0] =	vst.idx.msk $0xffff, v26;
	v26 =	vadd.s32 v1, v12;
	v15 =	vadd.f32 v15, v5;
	v27 =	vld [tilespmem:s0+$0x0];
	v28 =	vmov v11  }
0x273: {  	v21 =	vmov s20;
	v11 =	vmovc v13;
	s20 =	smov.u32 s19;
	v29 =	vld [tilespmem:s11+$0xFFFFFF90];
	[tilespmem:v19+s26+$0x0] =	vst.idx.msk $0xffff, v25;
	v25 =	vadd.s32 v2, v10;
	v16 =	vadd.f32 v16, v4  }
0x274: {  	v31 =	vadd.s32 v3, v7;
	v13 =	vand.u32 $0x7E, v21;
	v19 =	vadd.f32 v22, v9;
	v30 =	vld [tilespmem:s9+$0xFFFFFFA0];
	[tilespmem:v17+s26+$0x0] =	vst.idx.msk $0xffff, v15  }
.Ltmp19:
0x275: {  	v7 =	vmov v10;
	v21 =	vadd.s32 v0, v13;
	v17 =	vadd.f32 v23, v6;
	v15 =	vld [tilespmem:s6+$0xFFFFFFB0];
	[tilespmem:v18+s26+$0x0] =	vst.idx.msk $0xffff, v16;
	(pc) =	sbr.rel @p3 .LBB2_28-.Ltmp19, $4  }
0x276: {  	s21 =	sadd.s32 $0x1, s19;
	s11 =	sadd.s32 $0x80, s11;
	v10 =	vmov v12;
	[tilespmem:v24+s26+$0x0] =	vst.idx.msk $0xffff, v19;
	v19 =	vadd.s32 v1, v11;
	v18 =	vadd.f32 v20, v5;
	v16 =	vld [tilespmem:s0+$0xFFFFFFC0];
	s0 =	smov.u32 s6  }
0x277: {  	v12 =	vmovc v14;
	v20 =	vmov s21;
	s6 =	smov.u32 s9;
	s9 =	smov.u32 s10;
	s10 =	smov.u32 s11;
	v22 =	vld [tilespmem:s11+$0xFFFFFFD0];
	[tilespmem:v26+s26+$0x0] =	vst.idx.msk $0xffff, v17;
	v17 =	vadd.s32 v2, v28;
	v27 =	vadd.f32 v27, v4  }
0x278: {  	v14 =	vand.u32 $0x7F, v20;
	v26 =	vadd.f32 v29, v9;
	v23 =	vld [tilespmem:s9+$0xFFFFFFE0];
	[tilespmem:v25+s26+$0x0] =	vst.idx.msk $0xffff, v18;
	v18 =	vadd.s32 v3, v8  }
0x279: {  	s19 =	sadd.s32 $0x2, s19;
	v24 =	vadd.s32 v0, v14;
	v8 =	vmov v28;
	v25 =	vadd.f32 v30, v6;
	v20 =	vld [tilespmem:s6+$0xFFFFFFF0];
	[tilespmem:v31+s26+$0x0] =	vst.idx.msk $0xffff, v27  }
0x27a: {  	v27 =	vmov s20;
	v28 =	vld [tilespmem:s11+$0xFFFFFF90]  }
0x27b: {  	v27 =	vand.u32 $0x7E, v27  }
0x27c: {  	v29 =	vadd.s32 v0, v27;
	_ =	sdelay $0x1  }
0x27d: {  	v22 =	vadd.f32 v22, v9  }
0x27e: {  	[tilespmem:v21+s26+$0x0] =	vst.idx.msk $0xffff, v26;
	v57 =	vadd.f32 v28, v9  }
0x27f: {  	v21 =	vld [tilespmem:s9+$0xFFFFFFA0];
	[tilespmem:v24+s26+$0x0] =	vst.idx.msk $0xffff, v22  }
0x280: {  	v58 =	vadd.s32 v1, v12;
	v24 =	vld [tilespmem:s10+$0xFFFFFFE0];
	[tilespmem:v29+s26+$0x0] =	vst.idx.msk $0xffff, v57  }
0x281: {  	v59 =	vadd.s32 v1, v13;
	v60 =	vld [tilespmem:s10+$0xFFFFFFA0]  }
0x282: {  	v61 =	vadd.s32 v1, v14  }
0x283: {  	v62 =	vadd.s32 v1, v27;
	v23 =	vadd.f32 v23, v6  }
0x284: {  	[tilespmem:v19+s26+$0x0] =	vst.idx.msk $0xffff, v25;
	v63 =	vadd.f32 v21, v6  }
0x285: {  	v30 =	vld [tilespmem:s6+$0xFFFFFFB0];
	[tilespmem:v58+s26+$0x0] =	vst.idx.msk $0xffff, v23;
	v31 =	vadd.f32 v24, v6  }
0x286: {  	v32 =	vadd.s32 v2, v10;
	v33 =	vld [tilespmem:s9+$0xFFFFFFF0];
	[tilespmem:v59+s26+$0x0] =	vst.idx.msk $0xffff, v63;
	v34 =	vadd.f32 v60, v6  }
0x287: {  	v35 =	vadd.f32 v15, v5;
	v36 =	vadd.s32 v2, v11;
	v19 =	vld [tilespmem:s9+$0xFFFFFFB0];
	[tilespmem:v61+s26+$0x0] =	vst.idx.msk $0xffff, v31  }
0x288: {  	v37 =	vadd.s32 v2, v12;
	v16 =	vadd.f32 v16, v4;
	v38 =	vld [tilespmem:s10+$0xFFFFFFF0];
	[tilespmem:v62+s26+$0x0] =	vst.idx.msk $0xffff, v34  }
0x289: {  	v40 =	vadd.s32 v2, v13;
	[tilespmem:v17+s26+$0x0] =	vst.idx.msk $0xffff, v35;
	v39 =	vadd.f32 v20, v5;
	v41 =	vld [tilespmem:s10+$0xFFFFFFB0]  }
0x28a: {  	v42 =	vld [tilespmem:s0+$0x0];
	v44 =	vadd.s32 v2, v14;
	[tilespmem:v18+s26+$0x0] =	vst.idx.msk $0xffff, v16;
	v43 =	vadd.f32 v30, v5  }
0x28b: {  	v47 =	vadd.s32 v2, v27;
	v45 =	vld [tilespmem:s0+$0xFFFFFFC0];
	[tilespmem:v32+s26+$0x0] =	vst.idx.msk $0xffff, v39;
	v46 =	vadd.f32 v33, v5  }
0x28c: {  	v7 =	vadd.s32 v3, v7;
	v48 =	vld [tilespmem:s6+$0x0];
	[tilespmem:v36+s26+$0x0] =	vst.idx.msk $0xffff, v43;
	v49 =	vadd.f32 v19, v5  }
0x28d: {  	v8 =	vadd.s32 v3, v8;
	v16 =	vld [tilespmem:s6+$0xFFFFFFC0];
	[tilespmem:v37+s26+$0x0] =	vst.idx.msk $0xffff, v46;
	v50 =	vadd.f32 v38, v5  }
0x28e: {  	v51 =	vadd.s32 v3, v10;
	v52 =	vld [tilespmem:s9+$0x0];
	[tilespmem:v40+s26+$0x0] =	vst.idx.msk $0xffff, v49;
	v5 =	vadd.f32 v41, v5  }
0x28f: {  	v54 =	vadd.s32 v3, v11;
	v53 =	vadd.f32 v42, v4;
	v15 =	vld [tilespmem:s9+$0xFFFFFFC0];
	[tilespmem:v44+s26+$0x0] =	vst.idx.msk $0xffff, v50  }
0x290: {  	v56 =	vadd.s32 v3, v12;
	v55 =	vadd.f32 v45, v4;
	v57 =	vld [tilespmem:s10+$0x0];
	[tilespmem:v47+s26+$0x0] =	vst.idx.msk $0xffff, v5  }
0x291: {  	v58 =	vadd.s32 v3, v13;
	[tilespmem:v7+s26+$0x0] =	vst.idx.msk $0xffff, v53;
	v5 =	vadd.f32 v48, v4;
	v59 =	vld [tilespmem:s10+$0xFFFFFFC0]  }
0x292: {  	[tilespmem:v8+s26+$0x0] =	vst.idx.msk $0xffff, v55;
	v61 =	vadd.s32 v3, v14;
	v60 =	vadd.f32 v16, v4  }
0x293: {  	v62 =	vadd.s32 v3, v27;
	[tilespmem:v51+s26+$0x0] =	vst.idx.msk $0xffff, v5;
	v5 =	vadd.f32 v52, v4  }
.Ltmp20:
0x294: {  	[tilespmem:v54+s26+$0x0] =	vst.idx.msk $0xffff, v60;
	v63 =	vadd.f32 v15, v4;
	(pc) =	sbr.rel .LBB2_30-.Ltmp20, $4  }
0x295: {  	[tilespmem:v56+s26+$0x0] =	vst.idx.msk $0xffff, v5;
	v5 =	vadd.f32 v57, v4  }
0x296: {  	[tilespmem:v58+s26+$0x0] =	vst.idx.msk $0xffff, v63;
	v4 =	vadd.f32 v59, v4  }
0x297: {  	[tilespmem:v61+s26+$0x0] =	vst.idx.msk $0xffff, v5  }
0x298: {  	[tilespmem:v62+s26+$0x0] =	vst.idx.msk $0xffff, v4  }
.LBB2_33:
0x299: {  	_ =	sfence.sel $0x180000  }
0x29a: {  	[bflag:$0x0] =	sbarrier.arrive $0xFFFF  }
0x29b: {  	_ =	strace $0x90000047  }
0x29c: {  	s0 =	stileid.u32;
	[bflag:$0x2] =	sbarrier.arrive $0xFFFF  }
0x29d: {  	p0 =	sne.s32 s0, $0x0;
	s0 =	rddreg [dreg:$0x2]  }
0x29e: {  	s0 =	sadd.s32 @!p0 $0x100000, s0  }
0x29f: {  	[sflag:s0] =	ssyncadd.tile.s32 @!p0 $0x1;
	_ =	shalt  }
.Lfunc_end2:
_tile_overlayer_lowered:
.L_overlay_start_2:
0x2a0: {  	(tag) =	ssettag $0x2  }
0x2a1: {  	s0 =	rddreg [dreg:$0x0];
	s2 =	stileid.u32  }
0x2a2: {  	s1 =	rddreg [dreg:$0x1];
	p0 =	sne.s32 s2, $0x0  }
0x2a3: {  	s3 =	rddreg [dreg:$0x2];
	[bflag:$0x3] =	sbarrier.arrive $0xFFFF;
	s2 =	simm.s32 @!p0 $0x1C05  }
0x2a4: {  	[timem:s3], [sflag:s2] =	dma.local @!p0 [hbm:s0], s1  }
0x2a5: {  	s0 =	simm.s32 @!p0 $0x5  }
0x2a6: {  	_ =	swait.ge @!p0 [sflag:s0], s1  }
0x2a7: {  	s1 =	ssub.s32 @!p0 $0x0, s1;
	[sflag:s0] =	ssyncset.done @!p0 $0x0  }
0x2a8: {  	[sflag:s0] =	ssyncadd.s32 @!p0 s1  }
0x2a9: {  	[bflag:$0x3] =	sbarrier.arrive $0xFFFF  }
0x2aa: {  	_ =	shalt  }

</sc_bundles>
